<compile_context>
chip_gen: v7x
topology: tpu7x:2x2x1
jax: 0.10.2.dev20260603
libtpu: 0.0.44.dev20260713+nightly
codegen_flags: <defaults>
</compile_context>

<pallas_src>
import jax
import jax.numpy as jnp
from jax import lax
from jax.experimental import pallas as pl
from jax.experimental.pallas import tpu as pltpu, tpu_sc as plsc

B = 16384
D = 64
LANES = 16
NUM_CORES = 2
NUM_SUBCORES = 16
NW = NUM_CORES * NUM_SUBCORES
BW = B // NW
GROUPS = BW // LANES
SEGS = D // LANES
CQ = 4
CHUNKS = BW // CQ
FT = D // 8

_MESH = dict(core_axis_name="c", subcore_axis_name="s",
             num_cores=NUM_CORES, num_subcores=NUM_SUBCORES)


def _bias_body(user_idx, item_idx, ubias8, ibias8, dot, out,
               idx_u, idx_i, idx_u8, idx_i8, ub8, ib8, dot_v, out_v,
               sem_ub, sem_ib):
    wid = lax.axis_index("s") * NUM_CORES + lax.axis_index("c")
    base = wid * BW

    pltpu.sync_copy(user_idx.at[pl.ds(base, BW)], idx_u)
    pltpu.sync_copy(item_idx.at[pl.ds(base, BW)], idx_i)
    pltpu.sync_copy(dot.at[pl.ds(base, BW)], dot_v)

    def shift_chunk(c, carry):
        sl = pl.ds(c * LANES, LANES)
        idx_u8[sl] = jax.lax.shift_right_logical(idx_u[sl], 3)
        idx_i8[sl] = jax.lax.shift_right_logical(idx_i[sl], 3)
        return carry

    lax.fori_loop(0, BW // LANES, shift_chunk, 0)

    cub = pltpu.async_copy(ubias8.at[idx_u8], ub8, sem_ub)
    cib = pltpu.async_copy(ibias8.at[idx_i8], ib8, sem_ib)
    cub.wait()
    cib.wait()

    lanes = lax.iota(jnp.int32, LANES)

    def group(g, carry):
        r0 = g * LANES
        sl = pl.ds(r0, LANES)
        uv = idx_u[sl]
        iv = idx_i[sl]
        out_v[sl] = (dot_v[sl] +
                     plsc.load_gather(ub8, [r0 + lanes, uv & 7]) +
                     plsc.load_gather(ib8, [r0 + lanes, iv & 7]))
        return carry

    lax.fori_loop(0, GROUPS, group, 0)
    pltpu.sync_copy(out_v, out.at[pl.ds(base, BW)])


def _main_body(user_idx, item_idx, uemb_t, iemb, out,
               idx_u, idx_i, out_v,
               ublk_a, iblk_a, ublk_b, iblk_b,
               sem_a, sem_b):
    wid = lax.axis_index("s") * NUM_CORES + lax.axis_index("c")
    base = wid * BW

    pltpu.sync_copy(user_idx.at[pl.ds(base, BW)], idx_u.at[pl.ds(0, BW)])
    pltpu.sync_copy(item_idx.at[pl.ds(base, BW)], idx_i.at[pl.ds(0, BW)])

    lanes = lax.iota(jnp.int32, LANES)

    def zero_group(g, carry):
        out_v[pl.ds(g * LANES, LANES)] = lanes * 0.0
        return carry

    lax.fori_loop(0, GROUPS, zero_group, 0)

    def issue(c, ublk, iblk, sem):
        uv = idx_u[pl.ds(c * CQ, LANES)]
        iv = idx_i[pl.ds(c * CQ, LANES)]
        for q in range(CQ):
            ut = pl.multiple_of((uv[q] >> 7) * 128, 128)
            ia = pl.multiple_of((iv[q] >> 3) * 8, 8)
            pltpu.async_copy(uemb_t.at[:, pl.ds(ut, 128)], ublk.at[q], sem)
            pltpu.async_copy(iemb.at[pl.ds(ia, 8), :], iblk.at[q], sem)
        return uv, iv

    def drain(ublk, iblk, sem):
        for q in range(CQ):
            pltpu.make_async_copy(uemb_t.at[:, pl.ds(0, 128)],
                                  ublk.at[q], sem).wait()
            pltpu.make_async_copy(iemb.at[pl.ds(0, 8), :],
                                  iblk.at[q], sem).wait()

    def compute(c, uv, iv, ublk, iblk):
        g16 = (c >> 2) * LANES
        ov = out_v[pl.ds(g16, LANES)]
        for q in range(CQ):
            ucol = lanes * 0 + (uv[q] & 127)
            si = iv[q] & 7
            acc16 = None
            for j in range(SEGS):
                useg = plsc.load_gather(
                    ublk, [lanes * 0 + q, lanes + j * LANES, ucol])
                iseg = iblk[q, si, pl.ds(j * LANES, LANES)]
                prod = useg * iseg
                acc16 = prod if acc16 is None else acc16 + prod
            pos = (c & 3) * CQ + q
            ov = ov + jnp.where(lanes == pos, jnp.sum(acc16), 0.0)
        out_v[pl.ds(g16, LANES)] = ov

    issue(0, ublk_a, iblk_a, sem_a)

    def pipelined(d, carry):
        c_even = 2 * d
        uv_b, iv_b = issue(c_even + 1, ublk_b, iblk_b, sem_b)
        uv_a = idx_u[pl.ds(c_even * CQ, LANES)]
        iv_a = idx_i[pl.ds(c_even * CQ, LANES)]
        drain(ublk_a, iblk_a, sem_a)
        compute(c_even, uv_a, iv_a, ublk_a, iblk_a)

        @pl.when(d < CHUNKS // 2 - 1)
        def _():
            issue(c_even + 2, ublk_a, iblk_a, sem_a)

        drain(ublk_b, iblk_b, sem_b)
        compute(c_even + 1, uv_b, iv_b, ublk_b, iblk_b)
        return carry

    lax.fori_loop(0, CHUNKS // 2, pipelined, 0)
    pltpu.sync_copy(out_v, out.at[pl.ds(base, BW)])


def kernel(user, item, user_embeddings, item_embeddings, user_biases, item_biases):
    bias_call = pl.kernel(
        _bias_body,
        out_type=jax.ShapeDtypeStruct((B,), jnp.float32),
        compiler_params=pltpu.CompilerParams(needs_layout_passes=False,
                                             use_tc_tiling_on_sc=False),
        mesh=plsc.VectorSubcoreMesh(**_MESH),
        scratch_types=[
            pltpu.VMEM((BW,), jnp.int32),
            pltpu.VMEM((BW,), jnp.int32),
            pltpu.VMEM((BW,), jnp.int32),
            pltpu.VMEM((BW,), jnp.int32),
            pltpu.VMEM((BW, 8), jnp.float32),
            pltpu.VMEM((BW, 8), jnp.float32),
            pltpu.VMEM((BW,), jnp.float32),
            pltpu.VMEM((BW,), jnp.float32),
            pltpu.SemaphoreType.DMA,
            pltpu.SemaphoreType.DMA,
        ],
    )

    main_call = pl.kernel(
        _main_body,
        out_type=jax.ShapeDtypeStruct((B,), jnp.float32),
        compiler_params=pltpu.CompilerParams(needs_layout_passes=False,
                                             use_tc_tiling_on_sc=True),
        mesh=plsc.VectorSubcoreMesh(**_MESH),
        scratch_types=[
            pltpu.VMEM((BW + LANES,), jnp.int32),
            pltpu.VMEM((BW + LANES,), jnp.int32),
            pltpu.VMEM((BW,), jnp.float32),
            pltpu.VMEM((CQ, D, 128), jnp.float32),
            pltpu.VMEM((CQ, 8, D), jnp.float32),
            pltpu.VMEM((CQ, D, 128), jnp.float32),
            pltpu.VMEM((CQ, 8, D), jnp.float32),
            pltpu.SemaphoreType.DMA,
            pltpu.SemaphoreType.DMA,
        ],
    )
    dot = main_call(user, item, user_embeddings.T, item_embeddings)
    return bias_call(user, item,
                     user_biases.reshape(-1, 8), item_biases.reshape(-1, 8),
                     dot)

# --- scband reference (transcript-rebuilt; emitter-appended) ---
"""Pipeline reference for scband-matrix-completion-39642548142258 (READ-ONLY COPY).

The authoritative reference and input builder live on the scoring server;
editing this copy changes nothing except your own understanding.
"""

import jax, jax.numpy as jnp
import numpy as np

NUM_USERS = 1000000
NUM_ITEMS = 100000
LATENT_DIM = 64
BATCH = 16384


def setup_inputs(seed: int = 0) -> dict:
    key = jax.random.key(seed)
    k1, k2, k3, k4, k5, k6 = jax.random.split(key, 6)
    user = jax.random.randint(k1, (BATCH,), 0, NUM_USERS, dtype=jnp.int64 if jax.config.jax_enable_x64 else jnp.int32)
    item = jax.random.randint(k2, (BATCH,), 0, NUM_ITEMS, dtype=jnp.int64 if jax.config.jax_enable_x64 else jnp.int32)
    user_embeddings = jax.random.normal(k3, (NUM_USERS, LATENT_DIM), dtype=jnp.float32)
    item_embeddings = jax.random.normal(k4, (NUM_ITEMS, LATENT_DIM), dtype=jnp.float32)
    user_biases = jax.random.normal(k5, (NUM_USERS, 1), dtype=jnp.float32)
    item_biases = jax.random.normal(k6, (NUM_ITEMS, 1), dtype=jnp.float32)
    return {
        "user": user,
        "item": item,
        "user_embeddings": user_embeddings,
        "item_embeddings": item_embeddings,
        "user_biases": user_biases,
        "item_biases": item_biases,
    }


def reference(user, item, user_embeddings, item_embeddings, user_biases, item_biases):
    user_emb = jnp.take(user_embeddings, user, axis=0)
    item_emb = jnp.take(item_embeddings, item, axis=0)
    rating = (user_emb * item_emb).sum(axis=1) \
        + jnp.take(user_biases, user, axis=0).squeeze() \
        + jnp.take(item_biases, item, axis=0).squeeze()
    return rating

if __name__ == "__main__":
    import jax
    _d = setup_inputs()
    print(jax.jit(kernel)(*tuple(_d.values())))

</pallas_src>

<mosaic_0001>
#map = affine_map<(d0, d1) -> (0)>
#map1 = affine_map<(d0, d1) -> (0, 0)>
module attributes {stable_mosaic.version = 14 : i64} {
  func.func @_bias_body(%arg0: i32, %arg1: i32, %arg2: memref<16384xi32, #tpu.memory_space<hbm>>, %arg3: memref<16384xi32, #tpu.memory_space<hbm>>, %arg4: memref<125000x8xf32, #tpu.memory_space<hbm>>, %arg5: memref<12500x8xf32, #tpu.memory_space<hbm>>, %arg6: memref<16384xf32, #tpu.memory_space<hbm>>, %arg7: memref<16384xf32, #tpu.memory_space<hbm>>, %arg8: memref<512xi32, #tpu.memory_space<vmem>>, %arg9: memref<512xi32, #tpu.memory_space<vmem>>, %arg10: memref<512xi32, #tpu.memory_space<vmem>>, %arg11: memref<512xi32, #tpu.memory_space<vmem>>, %arg12: memref<512x8xf32, #tpu.memory_space<vmem>>, %arg13: memref<512x8xf32, #tpu.memory_space<vmem>>, %arg14: memref<512xf32, #tpu.memory_space<vmem>>, %arg15: memref<512xf32, #tpu.memory_space<vmem>>, %arg16: memref<!tpu.dma_semaphore, #tpu.memory_space<semaphore_mem>>, %arg17: memref<!tpu.dma_semaphore, #tpu.memory_space<semaphore_mem>>) attributes {dimension_semantics = [#tpu.dimension_semantics<core_parallel>, #tpu.dimension_semantics<subcore_parallel>], iteration_bounds = array<i64: 2, 16>, scalar_prefetch = 0 : i64, scratch_operands = 10 : i64, tpu.core_type = #tpu.core_type<sc_vector_subcore>, window_params = [{transform_indices = #map}, {transform_indices = #map}, {transform_indices = #map1}, {transform_indices = #map1}, {transform_indices = #map}, {transform_indices = #map}]} {
    %mul3A = arith.constant 2 : i32
    %mul3A_0 = arith.muli %arg1, %mul3A : i32
    %add3A = arith.addi %mul3A_0, %arg0 : i32
    %mul3A_1 = arith.constant 512 : i32
    %mul3A_2 = arith.muli %add3A, %mul3A_1 : i32
    "tpu.region"() ({
      %run_scoped3A = tpu.sem_alloc : memref<!tpu.dma_semaphore, #tpu.memory_space<semaphore_mem>>
      %dma_start3A_24 = tpu.memref_slice %arg2[%mul3A_2] : memref<16384xi32, #tpu.memory_space<hbm>> -> memref<512xi32, #tpu.memory_space<hbm>>
      %dma_start3A_25 = tpu.memref_slice %arg2[%mul3A_2] : memref<16384xi32, #tpu.memory_space<hbm>> -> memref<512xi32, #tpu.memory_space<hbm>>
      tpu.enqueue_dma source(%dma_start3A_25 : memref<512xi32, #tpu.memory_space<hbm>>) target(%arg8 : memref<512xi32, #tpu.memory_space<vmem>>) target_semaphore(%run_scoped3A : memref<!tpu.dma_semaphore, #tpu.memory_space<semaphore_mem>>)
      %dma_wait3A_26 = tpu.memref_slice %arg2[%mul3A_2] : memref<16384xi32, #tpu.memory_space<hbm>> -> memref<512xi32, #tpu.memory_space<hbm>>
      %dma_wait3A_27 = tpu.memref_slice %arg2[%mul3A_2] : memref<16384xi32, #tpu.memory_space<hbm>> -> memref<512xi32, #tpu.memory_space<hbm>>
      tpu.wait_dma2 semaphore(%run_scoped3A : memref<!tpu.dma_semaphore, #tpu.memory_space<semaphore_mem>>) src(%dma_wait3A_27 : memref<512xi32, #tpu.memory_space<hbm>>) dst(%arg8 : memref<512xi32, #tpu.memory_space<vmem>>)
      tpu.yield
    }) : () -> ()
    "tpu.region"() ({
      %run_scoped3A = tpu.sem_alloc : memref<!tpu.dma_semaphore, #tpu.memory_space<semaphore_mem>>
      %dma_start3A_24 = tpu.memref_slice %arg3[%mul3A_2] : memref<16384xi32, #tpu.memory_space<hbm>> -> memref<512xi32, #tpu.memory_space<hbm>>
      %dma_start3A_25 = tpu.memref_slice %arg3[%mul3A_2] : memref<16384xi32, #tpu.memory_space<hbm>> -> memref<512xi32, #tpu.memory_space<hbm>>
      tpu.enqueue_dma source(%dma_start3A_25 : memref<512xi32, #tpu.memory_space<hbm>>) target(%arg9 : memref<512xi32, #tpu.memory_space<vmem>>) target_semaphore(%run_scoped3A : memref<!tpu.dma_semaphore, #tpu.memory_space<semaphore_mem>>)
      %dma_wait3A_26 = tpu.memref_slice %arg3[%mul3A_2] : memref<16384xi32, #tpu.memory_space<hbm>> -> memref<512xi32, #tpu.memory_space<hbm>>
      %dma_wait3A_27 = tpu.memref_slice %arg3[%mul3A_2] : memref<16384xi32, #tpu.memory_space<hbm>> -> memref<512xi32, #tpu.memory_space<hbm>>
      tpu.wait_dma2 semaphore(%run_scoped3A : memref<!tpu.dma_semaphore, #tpu.memory_space<semaphore_mem>>) src(%dma_wait3A_27 : memref<512xi32, #tpu.memory_space<hbm>>) dst(%arg9 : memref<512xi32, #tpu.memory_space<vmem>>)
      tpu.yield
    }) : () -> ()
    "tpu.region"() ({
      %run_scoped3A = tpu.sem_alloc : memref<!tpu.dma_semaphore, #tpu.memory_space<semaphore_mem>>
      %dma_start3A_24 = tpu.memref_slice %arg6[%mul3A_2] : memref<16384xf32, #tpu.memory_space<hbm>> -> memref<512xf32, #tpu.memory_space<hbm>>
      %dma_start3A_25 = tpu.memref_slice %arg6[%mul3A_2] : memref<16384xf32, #tpu.memory_space<hbm>> -> memref<512xf32, #tpu.memory_space<hbm>>
      tpu.enqueue_dma source(%dma_start3A_25 : memref<512xf32, #tpu.memory_space<hbm>>) target(%arg14 : memref<512xf32, #tpu.memory_space<vmem>>) target_semaphore(%run_scoped3A : memref<!tpu.dma_semaphore, #tpu.memory_space<semaphore_mem>>)
      %dma_wait3A_26 = tpu.memref_slice %arg6[%mul3A_2] : memref<16384xf32, #tpu.memory_space<hbm>> -> memref<512xf32, #tpu.memory_space<hbm>>
      %dma_wait3A_27 = tpu.memref_slice %arg6[%mul3A_2] : memref<16384xf32, #tpu.memory_space<hbm>> -> memref<512xf32, #tpu.memory_space<hbm>>
      tpu.wait_dma2 semaphore(%run_scoped3A : memref<!tpu.dma_semaphore, #tpu.memory_space<semaphore_mem>>) src(%dma_wait3A_27 : memref<512xf32, #tpu.memory_space<hbm>>) dst(%arg14 : memref<512xf32, #tpu.memory_space<vmem>>)
      tpu.yield
    }) : () -> ()
    %scan3A = arith.constant 0 : i32
    %scan3A_3 = arith.constant 0 : i32
    %scan3A_4 = arith.constant 32 : i32
    %scan3A_5 = arith.addi %scan3A_3, %scan3A_4 : i32
    %scan3A_6 = arith.constant 1 : i32
    scf.for %scan3A_24 = %scan3A_3 to %scan3A_5 step %scan3A_6  : i32 {
      %mul3A_25 = arith.constant 16 : i32
      %mul3A_26 = arith.muli %scan3A_24, %mul3A_25 : i32
      %get3A = arith.index_cast %mul3A_26 : i32 to index
      %get3A_27 = tpu.vector_load %arg8[%get3A] {strides = array<i32>} : memref<512xi32, #tpu.memory_space<vmem>>, vector<16xi32>,
      %shift_right_logical3A = arith.constant 3 : i32
      %shift_right_logical3A_28 = vector.broadcast %shift_right_logical3A : i32 to vector<16xi32>
      %shift_right_logical3A_29 = arith.shrui %get3A_27, %shift_right_logical3A_28 : vector<16xi32>
      %swap3A = arith.index_cast %mul3A_26 : i32 to index
      %swap3A_30 = tpu.vector_load %arg10[%swap3A] {strides = array<i32>} : memref<512xi32, #tpu.memory_space<vmem>>, vector<16xi32>,
      tpu.vector_store %arg10[%swap3A], %shift_right_logical3A_29 {strides = array<i32>} : memref<512xi32, #tpu.memory_space<vmem>>, vector<16xi32>,
      %get3A_31 = arith.index_cast %mul3A_26 : i32 to index
      %get3A_32 = tpu.vector_load %arg9[%get3A_31] {strides = array<i32>} : memref<512xi32, #tpu.memory_space<vmem>>, vector<16xi32>,
      %shift_right_logical3A_33 = arith.constant 3 : i32
      %shift_right_logical3A_34 = vector.broadcast %shift_right_logical3A_33 : i32 to vector<16xi32>
      %shift_right_logical3A_35 = arith.shrui %get3A_32, %shift_right_logical3A_34 : vector<16xi32>
      %swap3A_36 = arith.index_cast %mul3A_26 : i32 to index
      %swap3A_37 = tpu.vector_load %arg11[%swap3A_36] {strides = array<i32>} : memref<512xi32, #tpu.memory_space<vmem>>, vector<16xi32>,
      tpu.vector_store %arg11[%swap3A_36], %shift_right_logical3A_35 {strides = array<i32>} : memref<512xi32, #tpu.memory_space<vmem>>, vector<16xi32>,
    }
    %scan3A_7 = arith.constant 32 : i32
    %dma_start3A = arith.constant 0 : i32
    %dma_start3A_8 = arith.constant 0 : i32
    %dma_start3A_9 = tpu.memref_slice %arg4[%dma_start3A, %dma_start3A_8] : memref<125000x8xf32, #tpu.memory_space<hbm>> -> memref<125000x8xf32, #tpu.memory_space<hbm>>
    tpu.enqueue_indirect_dma source(%dma_start3A_9 : memref<125000x8xf32, #tpu.memory_space<hbm>>) target(%arg12 : memref<512x8xf32, #tpu.memory_space<vmem>>) offsets(%arg10 : memref<512xi32, #tpu.memory_space<vmem>>) semaphore(%arg16 : memref<!tpu.dma_semaphore, #tpu.memory_space<semaphore_mem>>)
    %dma_start3A_10 = arith.constant 0 : i32
    %dma_start3A_11 = arith.constant 0 : i32
    %dma_start3A_12 = tpu.memref_slice %arg5[%dma_start3A_10, %dma_start3A_11] : memref<12500x8xf32, #tpu.memory_space<hbm>> -> memref<12500x8xf32, #tpu.memory_space<hbm>>
    tpu.enqueue_indirect_dma source(%dma_start3A_12 : memref<12500x8xf32, #tpu.memory_space<hbm>>) target(%arg13 : memref<512x8xf32, #tpu.memory_space<vmem>>) offsets(%arg11 : memref<512xi32, #tpu.memory_space<vmem>>) semaphore(%arg17 : memref<!tpu.dma_semaphore, #tpu.memory_space<semaphore_mem>>)
    %dma_wait3A = arith.constant 0 : i32
    %dma_wait3A_13 = arith.constant 0 : i32
    %dma_wait3A_14 = tpu.memref_slice %arg4[%dma_wait3A, %dma_wait3A_13] : memref<125000x8xf32, #tpu.memory_space<hbm>> -> memref<125000x8xf32, #tpu.memory_space<hbm>>
    tpu.wait_indirect_dma semaphore(%arg16 : memref<!tpu.dma_semaphore, #tpu.memory_space<semaphore_mem>>) src(%dma_wait3A_14 : memref<125000x8xf32, #tpu.memory_space<hbm>>) dst(%arg12 : memref<512x8xf32, #tpu.memory_space<vmem>>)
    %dma_wait3A_15 = arith.constant 0 : i32
    %dma_wait3A_16 = arith.constant 0 : i32
    %dma_wait3A_17 = tpu.memref_slice %arg5[%dma_wait3A_15, %dma_wait3A_16] : memref<12500x8xf32, #tpu.memory_space<hbm>> -> memref<12500x8xf32, #tpu.memory_space<hbm>>
    tpu.wait_indirect_dma semaphore(%arg17 : memref<!tpu.dma_semaphore, #tpu.memory_space<semaphore_mem>>) src(%dma_wait3A_17 : memref<12500x8xf32, #tpu.memory_space<hbm>>) dst(%arg13 : memref<512x8xf32, #tpu.memory_space<vmem>>)
    %iota3A = tpu.iota {dimensions = array<i32: 0>} : vector<16xi32>
    %scan3A_18 = arith.constant 0 : i32
    %scan3A_19 = arith.constant 0 : i32
    %scan3A_20 = arith.constant 32 : i32
    %scan3A_21 = arith.addi %scan3A_19, %scan3A_20 : i32
    %scan3A_22 = arith.constant 1 : i32
    scf.for %scan3A_24 = %scan3A_19 to %scan3A_21 step %scan3A_22  : i32 {
      %mul3A_25 = arith.constant 16 : i32
      %mul3A_26 = arith.muli %scan3A_24, %mul3A_25 : i32
      %get3A = arith.index_cast %mul3A_26 : i32 to index
      %get3A_27 = tpu.vector_load %arg8[%get3A] {strides = array<i32>} : memref<512xi32, #tpu.memory_space<vmem>>, vector<16xi32>,
      %get3A_28 = arith.index_cast %mul3A_26 : i32 to index
      %get3A_29 = tpu.vector_load %arg9[%get3A_28] {strides = array<i32>} : memref<512xi32, #tpu.memory_space<vmem>>, vector<16xi32>,
      %get3A_30 = arith.index_cast %mul3A_26 : i32 to index
      %get3A_31 = tpu.vector_load %arg14[%get3A_30] {strides = array<i32>} : memref<512xf32, #tpu.memory_space<vmem>>, vector<16xf32>,
      %add3A_32 = vector.broadcast %mul3A_26 : i32 to vector<16xi32>
      %add3A_33 = arith.addi %add3A_32, %iota3A : vector<16xi32>
      %and3A = arith.constant 7 : i32
      %and3A_34 = vector.broadcast %and3A : i32 to vector<16xi32>
      %and3A_35 = arith.andi %get3A_27, %and3A_34 : vector<16xi32>
      %gather3A = tpu.vector_load_idx %arg12[%add3A_33, %and3A_35] : memref<512x8xf32, #tpu.memory_space<vmem>>[vector<16xi32>, vector<16xi32>], vector<16xf32>,
      %add3A_36 = arith.addf %get3A_31, %gather3A : vector<16xf32>
      %add3A_37 = vector.broadcast %mul3A_26 : i32 to vector<16xi32>
      %add3A_38 = arith.addi %add3A_37, %iota3A : vector<16xi32>
      %and3A_39 = arith.constant 7 : i32
      %and3A_40 = vector.broadcast %and3A_39 : i32 to vector<16xi32>
      %and3A_41 = arith.andi %get3A_29, %and3A_40 : vector<16xi32>
      %gather3A_42 = tpu.vector_load_idx %arg13[%add3A_38, %and3A_41] : memref<512x8xf32, #tpu.memory_space<vmem>>[vector<16xi32>, vector<16xi32>], vector<16xf32>,
      %add3A_43 = arith.addf %add3A_36, %gather3A_42 : vector<16xf32>
      %swap3A = arith.index_cast %mul3A_26 : i32 to index
      %swap3A_44 = tpu.vector_load %arg15[%swap3A] {strides = array<i32>} : memref<512xf32, #tpu.memory_space<vmem>>, vector<16xf32>,
      tpu.vector_store %arg15[%swap3A], %add3A_43 {strides = array<i32>} : memref<512xf32, #tpu.memory_space<vmem>>, vector<16xf32>,
    }
    %scan3A_23 = arith.constant 32 : i32
    "tpu.region"() ({
      %run_scoped3A = tpu.sem_alloc : memref<!tpu.dma_semaphore, #tpu.memory_space<semaphore_mem>>
      %dma_start3A_24 = tpu.memref_slice %arg7[%mul3A_2] : memref<16384xf32, #tpu.memory_space<hbm>> -> memref<512xf32, #tpu.memory_space<hbm>>
      %dma_start3A_25 = tpu.memref_slice %arg7[%mul3A_2] : memref<16384xf32, #tpu.memory_space<hbm>> -> memref<512xf32, #tpu.memory_space<hbm>>
      tpu.enqueue_dma source(%arg15 : memref<512xf32, #tpu.memory_space<vmem>>) target(%dma_start3A_25 : memref<512xf32, #tpu.memory_space<hbm>>) target_semaphore(%run_scoped3A : memref<!tpu.dma_semaphore, #tpu.memory_space<semaphore_mem>>)
      %dma_wait3A_26 = tpu.memref_slice %arg7[%mul3A_2] : memref<16384xf32, #tpu.memory_space<hbm>> -> memref<512xf32, #tpu.memory_space<hbm>>
      %dma_wait3A_27 = tpu.memref_slice %arg7[%mul3A_2] : memref<16384xf32, #tpu.memory_space<hbm>> -> memref<512xf32, #tpu.memory_space<hbm>>
      tpu.wait_dma2 semaphore(%run_scoped3A : memref<!tpu.dma_semaphore, #tpu.memory_space<semaphore_mem>>) src(%arg15 : memref<512xf32, #tpu.memory_space<vmem>>) dst(%dma_wait3A_27 : memref<512xf32, #tpu.memory_space<hbm>>)
      tpu.yield
    }) : () -> ()
    return
  }
}

#map = affine_map<(d0, d1) -> (0)>
#map1 = affine_map<(d0, d1) -> (0, 0)>
module attributes {stable_mosaic.version = 14 : i64} {
  func.func @_main_body(%arg0: i32, %arg1: i32, %arg2: memref<16384xi32, #tpu.memory_space<hbm>>, %arg3: memref<16384xi32, #tpu.memory_space<hbm>>, %arg4: memref<64x1000000xf32, #tpu.memory_space<hbm>>, %arg5: memref<100000x64xf32, #tpu.memory_space<hbm>>, %arg6: memref<16384xf32, #tpu.memory_space<hbm>>, %arg7: memref<528xi32, #tpu.memory_space<vmem>>, %arg8: memref<528xi32, #tpu.memory_space<vmem>>, %arg9: memref<512xf32, #tpu.memory_space<vmem>>, %arg10: memref<4x64x128xf32, #tpu.memory_space<vmem>>, %arg11: memref<4x8x64xf32, #tpu.memory_space<vmem>>, %arg12: memref<4x64x128xf32, #tpu.memory_space<vmem>>, %arg13: memref<4x8x64xf32, #tpu.memory_space<vmem>>, %arg14: memref<!tpu.dma_semaphore, #tpu.memory_space<semaphore_mem>>, %arg15: memref<!tpu.dma_semaphore, #tpu.memory_space<semaphore_mem>>) attributes {dimension_semantics = [#tpu.dimension_semantics<core_parallel>, #tpu.dimension_semantics<subcore_parallel>], iteration_bounds = array<i64: 2, 16>, scalar_prefetch = 0 : i64, scratch_operands = 9 : i64, tpu.core_type = #tpu.core_type<sc_vector_subcore>, window_params = [{transform_indices = #map}, {transform_indices = #map}, {transform_indices = #map1}, {transform_indices = #map1}, {transform_indices = #map}]} {
    %mul3A = arith.constant 2 : i32
    %mul3A_0 = arith.muli %arg1, %mul3A : i32
    %add3A = arith.addi %mul3A_0, %arg0 : i32
    %mul3A_1 = arith.constant 512 : i32
    %mul3A_2 = arith.muli %add3A, %mul3A_1 : i32
    "tpu.region"() ({
      %run_scoped3A = tpu.sem_alloc : memref<!tpu.dma_semaphore, #tpu.memory_space<semaphore_mem>>
      %dma_start3A_172 = arith.constant 0 : i32
      %dma_start3A_173 = tpu.memref_slice %arg7[%dma_start3A_172] : memref<528xi32, #tpu.memory_space<vmem>> -> memref<512xi32, #tpu.memory_space<vmem>>
      %dma_start3A_174 = tpu.memref_slice %arg2[%mul3A_2] : memref<16384xi32, #tpu.memory_space<hbm>> -> memref<512xi32, #tpu.memory_space<hbm>>
      %dma_start3A_175 = arith.constant 0 : i32
      %dma_start3A_176 = tpu.memref_slice %arg7[%dma_start3A_175] : memref<528xi32, #tpu.memory_space<vmem>> -> memref<512xi32, #tpu.memory_space<vmem>>
      %dma_start3A_177 = tpu.memref_slice %arg2[%mul3A_2] : memref<16384xi32, #tpu.memory_space<hbm>> -> memref<512xi32, #tpu.memory_space<hbm>>
      tpu.enqueue_dma source(%dma_start3A_177 : memref<512xi32, #tpu.memory_space<hbm>>) target(%dma_start3A_176 : memref<512xi32, #tpu.memory_space<vmem>>) target_semaphore(%run_scoped3A : memref<!tpu.dma_semaphore, #tpu.memory_space<semaphore_mem>>)
      %dma_wait3A = arith.constant 0 : i32
      %dma_wait3A_178 = tpu.memref_slice %arg7[%dma_wait3A] : memref<528xi32, #tpu.memory_space<vmem>> -> memref<512xi32, #tpu.memory_space<vmem>>
      %dma_wait3A_179 = tpu.memref_slice %arg2[%mul3A_2] : memref<16384xi32, #tpu.memory_space<hbm>> -> memref<512xi32, #tpu.memory_space<hbm>>
      %dma_wait3A_180 = arith.constant 0 : i32
      %dma_wait3A_181 = tpu.memref_slice %arg7[%dma_wait3A_180] : memref<528xi32, #tpu.memory_space<vmem>> -> memref<512xi32, #tpu.memory_space<vmem>>
      %dma_wait3A_182 = tpu.memref_slice %arg2[%mul3A_2] : memref<16384xi32, #tpu.memory_space<hbm>> -> memref<512xi32, #tpu.memory_space<hbm>>
      tpu.wait_dma2 semaphore(%run_scoped3A : memref<!tpu.dma_semaphore, #tpu.memory_space<semaphore_mem>>) src(%dma_wait3A_182 : memref<512xi32, #tpu.memory_space<hbm>>) dst(%dma_wait3A_181 : memref<512xi32, #tpu.memory_space<vmem>>)
      tpu.yield
    }) : () -> ()
    "tpu.region"() ({
      %run_scoped3A = tpu.sem_alloc : memref<!tpu.dma_semaphore, #tpu.memory_space<semaphore_mem>>
      %dma_start3A_172 = arith.constant 0 : i32
      %dma_start3A_173 = tpu.memref_slice %arg8[%dma_start3A_172] : memref<528xi32, #tpu.memory_space<vmem>> -> memref<512xi32, #tpu.memory_space<vmem>>
      %dma_start3A_174 = tpu.memref_slice %arg3[%mul3A_2] : memref<16384xi32, #tpu.memory_space<hbm>> -> memref<512xi32, #tpu.memory_space<hbm>>
      %dma_start3A_175 = arith.constant 0 : i32
      %dma_start3A_176 = tpu.memref_slice %arg8[%dma_start3A_175] : memref<528xi32, #tpu.memory_space<vmem>> -> memref<512xi32, #tpu.memory_space<vmem>>
      %dma_start3A_177 = tpu.memref_slice %arg3[%mul3A_2] : memref<16384xi32, #tpu.memory_space<hbm>> -> memref<512xi32, #tpu.memory_space<hbm>>
      tpu.enqueue_dma source(%dma_start3A_177 : memref<512xi32, #tpu.memory_space<hbm>>) target(%dma_start3A_176 : memref<512xi32, #tpu.memory_space<vmem>>) target_semaphore(%run_scoped3A : memref<!tpu.dma_semaphore, #tpu.memory_space<semaphore_mem>>)
      %dma_wait3A = arith.constant 0 : i32
      %dma_wait3A_178 = tpu.memref_slice %arg8[%dma_wait3A] : memref<528xi32, #tpu.memory_space<vmem>> -> memref<512xi32, #tpu.memory_space<vmem>>
      %dma_wait3A_179 = tpu.memref_slice %arg3[%mul3A_2] : memref<16384xi32, #tpu.memory_space<hbm>> -> memref<512xi32, #tpu.memory_space<hbm>>
      %dma_wait3A_180 = arith.constant 0 : i32
      %dma_wait3A_181 = tpu.memref_slice %arg8[%dma_wait3A_180] : memref<528xi32, #tpu.memory_space<vmem>> -> memref<512xi32, #tpu.memory_space<vmem>>
      %dma_wait3A_182 = tpu.memref_slice %arg3[%mul3A_2] : memref<16384xi32, #tpu.memory_space<hbm>> -> memref<512xi32, #tpu.memory_space<hbm>>
      tpu.wait_dma2 semaphore(%run_scoped3A : memref<!tpu.dma_semaphore, #tpu.memory_space<semaphore_mem>>) src(%dma_wait3A_182 : memref<512xi32, #tpu.memory_space<hbm>>) dst(%dma_wait3A_181 : memref<512xi32, #tpu.memory_space<vmem>>)
      tpu.yield
    }) : () -> ()
    %iota3A = tpu.iota {dimensions = array<i32: 0>} : vector<16xi32>
    %scan3A = arith.constant 0 : i32
    %scan3A_3 = arith.constant 0 : i32
    %scan3A_4 = arith.constant 32 : i32
    %scan3A_5 = arith.addi %scan3A_3, %scan3A_4 : i32
    %scan3A_6 = arith.constant 1 : i32
    scf.for %scan3A_172 = %scan3A_3 to %scan3A_5 step %scan3A_6  : i32 {
      %convert_element_type3A = arith.sitofp %iota3A : vector<16xi32> to vector<16xf32>
      %mul3A_173 = arith.constant 0.000000e+00 : f32
      %mul3A_174 = vector.broadcast %mul3A_173 : f32 to vector<16xf32>
      %mul3A_175 = arith.mulf %convert_element_type3A, %mul3A_174 : vector<16xf32>
      %mul3A_176 = arith.constant 16 : i32
      %mul3A_177 = arith.muli %scan3A_172, %mul3A_176 : i32
      %swap3A = arith.index_cast %mul3A_177 : i32 to index
      %swap3A_178 = tpu.vector_load %arg9[%swap3A] {strides = array<i32>} : memref<512xf32, #tpu.memory_space<vmem>>, vector<16xf32>,
      tpu.vector_store %arg9[%swap3A], %mul3A_175 {strides = array<i32>} : memref<512xf32, #tpu.memory_space<vmem>>, vector<16xf32>,
    }
    %scan3A_7 = arith.constant 32 : i32
    %get3A = arith.constant 0 : index
    %get3A_8 = tpu.vector_load %arg7[%get3A] {strides = array<i32>} : memref<528xi32, #tpu.memory_space<vmem>>, vector<16xi32>,
    %get3A_9 = arith.constant 0 : index
    %get3A_10 = tpu.vector_load %arg8[%get3A_9] {strides = array<i32>} : memref<528xi32, #tpu.memory_space<vmem>>, vector<16xi32>,
    %slice3A = vector.extract_strided_slice %get3A_8 {offsets = [0], sizes = [1], strides = [1]} : vector<16xi32> to vector<1xi32>
    %squeeze3A = vector.extract %slice3A[0] : i32 from vector<1xi32>
    %shift_right_arithmetic3A = arith.constant 7 : i32
    %shift_right_arithmetic3A_11 = arith.shrsi %squeeze3A, %shift_right_arithmetic3A : i32
    %mul3A_12 = arith.constant 128 : i32
    %mul3A_13 = arith.muli %shift_right_arithmetic3A_11, %mul3A_12 : i32
    %multiple_of3A = tpu.assume_multiple %mul3A_13, 128 : i32
    %slice3A_14 = vector.extract_strided_slice %get3A_10 {offsets = [0], sizes = [1], strides = [1]} : vector<16xi32> to vector<1xi32>
    %squeeze3A_15 = vector.extract %slice3A_14[0] : i32 from vector<1xi32>
    %shift_right_arithmetic3A_16 = arith.constant 3 : i32
    %shift_right_arithmetic3A_17 = arith.shrsi %squeeze3A_15, %shift_right_arithmetic3A_16 : i32
    %mul3A_18 = arith.constant 8 : i32
    %mul3A_19 = arith.muli %shift_right_arithmetic3A_17, %mul3A_18 : i32
    %multiple_of3A_20 = tpu.assume_multiple %mul3A_19, 8 : i32
    %dma_start3A = arith.constant 0 : i32
    %dma_start3A_21 = arith.constant 0 : i32
    %dma_start3A_22 = arith.constant 0 : i32
    %dma_start3A_23 = tpu.memref_slice %arg10[%dma_start3A, %dma_start3A_21, %dma_start3A_22] : memref<4x64x128xf32, #tpu.memory_space<vmem>> -> memref<1x64x128xf32, #tpu.memory_space<vmem>>
    %dma_start3A_24 = tpu.memref_squeeze %dma_start3A_23 : memref<1x64x128xf32, #tpu.memory_space<vmem>> -> memref<64x128xf32, #tpu.memory_space<vmem>>
    %dma_start3A_25 = arith.constant 0 : i32
    %dma_start3A_26 = tpu.memref_slice %arg4[%dma_start3A_25, %multiple_of3A] : memref<64x1000000xf32, #tpu.memory_space<hbm>> -> memref<64x128xf32, #tpu.memory_space<hbm>>
    %dma_start3A_27 = arith.constant 0 : i32
    %dma_start3A_28 = arith.constant 0 : i32
    %dma_start3A_29 = tpu.memref_slice %arg10[%dma_start3A, %dma_start3A_27, %dma_start3A_28] : memref<4x64x128xf32, #tpu.memory_space<vmem>> -> memref<1x64x128xf32, #tpu.memory_space<vmem>>
    %dma_start3A_30 = tpu.memref_squeeze %dma_start3A_29 : memref<1x64x128xf32, #tpu.memory_space<vmem>> -> memref<64x128xf32, #tpu.memory_space<vmem>>
    %dma_start3A_31 = arith.constant 0 : i32
    %dma_start3A_32 = tpu.memref_slice %arg4[%dma_start3A_31, %multiple_of3A] : memref<64x1000000xf32, #tpu.memory_space<hbm>> -> memref<64x128xf32, #tpu.memory_space<hbm>>
    tpu.enqueue_dma source(%dma_start3A_32 : memref<64x128xf32, #tpu.memory_space<hbm>>) target(%dma_start3A_30 : memref<64x128xf32, #tpu.memory_space<vmem>>) target_semaphore(%arg14 : memref<!tpu.dma_semaphore, #tpu.memory_space<semaphore_mem>>)
    %dma_start3A_33 = arith.constant 0 : i32
    %dma_start3A_34 = arith.constant 0 : i32
    %dma_start3A_35 = arith.constant 0 : i32
    %dma_start3A_36 = tpu.memref_slice %arg11[%dma_start3A_33, %dma_start3A_34, %dma_start3A_35] : memref<4x8x64xf32, #tpu.memory_space<vmem>> -> memref<1x8x64xf32, #tpu.memory_space<vmem>>
    %dma_start3A_37 = tpu.memref_squeeze %dma_start3A_36 : memref<1x8x64xf32, #tpu.memory_space<vmem>> -> memref<8x64xf32, #tpu.memory_space<vmem>>
    %dma_start3A_38 = arith.constant 0 : i32
    %dma_start3A_39 = tpu.memref_slice %arg5[%multiple_of3A_20, %dma_start3A_38] : memref<100000x64xf32, #tpu.memory_space<hbm>> -> memref<8x64xf32, #tpu.memory_space<hbm>>
    %dma_start3A_40 = arith.constant 0 : i32
    %dma_start3A_41 = arith.constant 0 : i32
    %dma_start3A_42 = tpu.memref_slice %arg11[%dma_start3A_33, %dma_start3A_40, %dma_start3A_41] : memref<4x8x64xf32, #tpu.memory_space<vmem>> -> memref<1x8x64xf32, #tpu.memory_space<vmem>>
    %dma_start3A_43 = tpu.memref_squeeze %dma_start3A_42 : memref<1x8x64xf32, #tpu.memory_space<vmem>> -> memref<8x64xf32, #tpu.memory_space<vmem>>
    %dma_start3A_44 = arith.constant 0 : i32
    %dma_start3A_45 = tpu.memref_slice %arg5[%multiple_of3A_20, %dma_start3A_44] : memref<100000x64xf32, #tpu.memory_space<hbm>> -> memref<8x64xf32, #tpu.memory_space<hbm>>
    tpu.enqueue_dma source(%dma_start3A_45 : memref<8x64xf32, #tpu.memory_space<hbm>>) target(%dma_start3A_43 : memref<8x64xf32, #tpu.memory_space<vmem>>) target_semaphore(%arg14 : memref<!tpu.dma_semaphore, #tpu.memory_space<semaphore_mem>>)
    %slice3A_46 = vector.extract_strided_slice %get3A_8 {offsets = [1], sizes = [1], strides = [1]} : vector<16xi32> to vector<1xi32>
    %squeeze3A_47 = vector.extract %slice3A_46[0] : i32 from vector<1xi32>
    %shift_right_arithmetic3A_48 = arith.constant 7 : i32
    %shift_right_arithmetic3A_49 = arith.shrsi %squeeze3A_47, %shift_right_arithmetic3A_48 : i32
    %mul3A_50 = arith.constant 128 : i32
    %mul3A_51 = arith.muli %shift_right_arithmetic3A_49, %mul3A_50 : i32
    %multiple_of3A_52 = tpu.assume_multiple %mul3A_51, 128 : i32
    %slice3A_53 = vector.extract_strided_slice %get3A_10 {offsets = [1], sizes = [1], strides = [1]} : vector<16xi32> to vector<1xi32>
    %squeeze3A_54 = vector.extract %slice3A_53[0] : i32 from vector<1xi32>
    %shift_right_arithmetic3A_55 = arith.constant 3 : i32
    %shift_right_arithmetic3A_56 = arith.shrsi %squeeze3A_54, %shift_right_arithmetic3A_55 : i32
    %mul3A_57 = arith.constant 8 : i32
    %mul3A_58 = arith.muli %shift_right_arithmetic3A_56, %mul3A_57 : i32
    %multiple_of3A_59 = tpu.assume_multiple %mul3A_58, 8 : i32
    %dma_start3A_60 = arith.constant 1 : i32
    %dma_start3A_61 = arith.constant 0 : i32
    %dma_start3A_62 = arith.constant 0 : i32
    %dma_start3A_63 = tpu.memref_slice %arg10[%dma_start3A_60, %dma_start3A_61, %dma_start3A_62] : memref<4x64x128xf32, #tpu.memory_space<vmem>> -> memref<1x64x128xf32, #tpu.memory_space<vmem>>
    %dma_start3A_64 = tpu.memref_squeeze %dma_start3A_63 : memref<1x64x128xf32, #tpu.memory_space<vmem>> -> memref<64x128xf32, #tpu.memory_space<vmem>>
    %dma_start3A_65 = arith.constant 0 : i32
    %dma_start3A_66 = tpu.memref_slice %arg4[%dma_start3A_65, %multiple_of3A_52] : memref<64x1000000xf32, #tpu.memory_space<hbm>> -> memref<64x128xf32, #tpu.memory_space<hbm>>
    %dma_start3A_67 = arith.constant 0 : i32
    %dma_start3A_68 = arith.constant 0 : i32
    %dma_start3A_69 = tpu.memref_slice %arg10[%dma_start3A_60, %dma_start3A_67, %dma_start3A_68] : memref<4x64x128xf32, #tpu.memory_space<vmem>> -> memref<1x64x128xf32, #tpu.memory_space<vmem>>
    %dma_start3A_70 = tpu.memref_squeeze %dma_start3A_69 : memref<1x64x128xf32, #tpu.memory_space<vmem>> -> memref<64x128xf32, #tpu.memory_space<vmem>>
    %dma_start3A_71 = arith.constant 0 : i32
    %dma_start3A_72 = tpu.memref_slice %arg4[%dma_start3A_71, %multiple_of3A_52] : memref<64x1000000xf32, #tpu.memory_space<hbm>> -> memref<64x128xf32, #tpu.memory_space<hbm>>
    tpu.enqueue_dma source(%dma_start3A_72 : memref<64x128xf32, #tpu.memory_space<hbm>>) target(%dma_start3A_70 : memref<64x128xf32, #tpu.memory_space<vmem>>) target_semaphore(%arg14 : memref<!tpu.dma_semaphore, #tpu.memory_space<semaphore_mem>>)
    %dma_start3A_73 = arith.constant 1 : i32
    %dma_start3A_74 = arith.constant 0 : i32
    %dma_start3A_75 = arith.constant 0 : i32
    %dma_start3A_76 = tpu.memref_slice %arg11[%dma_start3A_73, %dma_start3A_74, %dma_start3A_75] : memref<4x8x64xf32, #tpu.memory_space<vmem>> -> memref<1x8x64xf32, #tpu.memory_space<vmem>>
    %dma_start3A_77 = tpu.memref_squeeze %dma_start3A_76 : memref<1x8x64xf32, #tpu.memory_space<vmem>> -> memref<8x64xf32, #tpu.memory_space<vmem>>
    %dma_start3A_78 = arith.constant 0 : i32
    %dma_start3A_79 = tpu.memref_slice %arg5[%multiple_of3A_59, %dma_start3A_78] : memref<100000x64xf32, #tpu.memory_space<hbm>> -> memref<8x64xf32, #tpu.memory_space<hbm>>
    %dma_start3A_80 = arith.constant 0 : i32
    %dma_start3A_81 = arith.constant 0 : i32
    %dma_start3A_82 = tpu.memref_slice %arg11[%dma_start3A_73, %dma_start3A_80, %dma_start3A_81] : memref<4x8x64xf32, #tpu.memory_space<vmem>> -> memref<1x8x64xf32, #tpu.memory_space<vmem>>
    %dma_start3A_83 = tpu.memref_squeeze %dma_start3A_82 : memref<1x8x64xf32, #tpu.memory_space<vmem>> -> memref<8x64xf32, #tpu.memory_space<vmem>>
    %dma_start3A_84 = arith.constant 0 : i32
    %dma_start3A_85 = tpu.memref_slice %arg5[%multiple_of3A_59, %dma_start3A_84] : memref<100000x64xf32, #tpu.memory_space<hbm>> -> memref<8x64xf32, #tpu.memory_space<hbm>>
    tpu.enqueue_dma source(%dma_start3A_85 : memref<8x64xf32, #tpu.memory_space<hbm>>) target(%dma_start3A_83 : memref<8x64xf32, #tpu.memory_space<vmem>>) target_semaphore(%arg14 : memref<!tpu.dma_semaphore, #tpu.memory_space<semaphore_mem>>)
    %slice3A_86 = vector.extract_strided_slice %get3A_8 {offsets = [2], sizes = [1], strides = [1]} : vector<16xi32> to vector<1xi32>
    %squeeze3A_87 = vector.extract %slice3A_86[0] : i32 from vector<1xi32>
    %shift_right_arithmetic3A_88 = arith.constant 7 : i32
    %shift_right_arithmetic3A_89 = arith.shrsi %squeeze3A_87, %shift_right_arithmetic3A_88 : i32
    %mul3A_90 = arith.constant 128 : i32
    %mul3A_91 = arith.muli %shift_right_arithmetic3A_89, %mul3A_90 : i32
    %multiple_of3A_92 = tpu.assume_multiple %mul3A_91, 128 : i32
    %slice3A_93 = vector.extract_strided_slice %get3A_10 {offsets = [2], sizes = [1], strides = [1]} : vector<16xi32> to vector<1xi32>
    %squeeze3A_94 = vector.extract %slice3A_93[0] : i32 from vector<1xi32>
    %shift_right_arithmetic3A_95 = arith.constant 3 : i32
    %shift_right_arithmetic3A_96 = arith.shrsi %squeeze3A_94, %shift_right_arithmetic3A_95 : i32
    %mul3A_97 = arith.constant 8 : i32
    %mul3A_98 = arith.muli %shift_right_arithmetic3A_96, %mul3A_97 : i32
    %multiple_of3A_99 = tpu.assume_multiple %mul3A_98, 8 : i32
    %dma_start3A_100 = arith.constant 2 : i32
    %dma_start3A_101 = arith.constant 0 : i32
    %dma_start3A_102 = arith.constant 0 : i32
    %dma_start3A_103 = tpu.memref_slice %arg10[%dma_start3A_100, %dma_start3A_101, %dma_start3A_102] : memref<4x64x128xf32, #tpu.memory_space<vmem>> -> memref<1x64x128xf32, #tpu.memory_space<vmem>>
    %dma_start3A_104 = tpu.memref_squeeze %dma_start3A_103 : memref<1x64x128xf32, #tpu.memory_space<vmem>> -> memref<64x128xf32, #tpu.memory_space<vmem>>
    %dma_start3A_105 = arith.constant 0 : i32
    %dma_start3A_106 = tpu.memref_slice %arg4[%dma_start3A_105, %multiple_of3A_92] : memref<64x1000000xf32, #tpu.memory_space<hbm>> -> memref<64x128xf32, #tpu.memory_space<hbm>>
    %dma_start3A_107 = arith.constant 0 : i32
    %dma_start3A_108 = arith.constant 0 : i32
    %dma_start3A_109 = tpu.memref_slice %arg10[%dma_start3A_100, %dma_start3A_107, %dma_start3A_108] : memref<4x64x128xf32, #tpu.memory_space<vmem>> -> memref<1x64x128xf32, #tpu.memory_space<vmem>>
    %dma_start3A_110 = tpu.memref_squeeze %dma_start3A_109 : memref<1x64x128xf32, #tpu.memory_space<vmem>> -> memref<64x128xf32, #tpu.memory_space<vmem>>
    %dma_start3A_111 = arith.constant 0 : i32
    %dma_start3A_112 = tpu.memref_slice %arg4[%dma_start3A_111, %multiple_of3A_92] : memref<64x1000000xf32, #tpu.memory_space<hbm>> -> memref<64x128xf32, #tpu.memory_space<hbm>>
    tpu.enqueue_dma source(%dma_start3A_112 : memref<64x128xf32, #tpu.memory_space<hbm>>) target(%dma_start3A_110 : memref<64x128xf32, #tpu.memory_space<vmem>>) target_semaphore(%arg14 : memref<!tpu.dma_semaphore, #tpu.memory_space<semaphore_mem>>)
    %dma_start3A_113 = arith.constant 2 : i32
    %dma_start3A_114 = arith.constant 0 : i32
    %dma_start3A_115 = arith.constant 0 : i32
    %dma_start3A_116 = tpu.memref_slice %arg11[%dma_start3A_113, %dma_start3A_114, %dma_start3A_115] : memref<4x8x64xf32, #tpu.memory_space<vmem>> -> memref<1x8x64xf32, #tpu.memory_space<vmem>>
    %dma_start3A_117 = tpu.memref_squeeze %dma_start3A_116 : memref<1x8x64xf32, #tpu.memory_space<vmem>> -> memref<8x64xf32, #tpu.memory_space<vmem>>
    %dma_start3A_118 = arith.constant 0 : i32
    %dma_start3A_119 = tpu.memref_slice %arg5[%multiple_of3A_99, %dma_start3A_118] : memref<100000x64xf32, #tpu.memory_space<hbm>> -> memref<8x64xf32, #tpu.memory_space<hbm>>
    %dma_start3A_120 = arith.constant 0 : i32
    %dma_start3A_121 = arith.constant 0 : i32
    %dma_start3A_122 = tpu.memref_slice %arg11[%dma_start3A_113, %dma_start3A_120, %dma_start3A_121] : memref<4x8x64xf32, #tpu.memory_space<vmem>> -> memref<1x8x64xf32, #tpu.memory_space<vmem>>
    %dma_start3A_123 = tpu.memref_squeeze %dma_start3A_122 : memref<1x8x64xf32, #tpu.memory_space<vmem>> -> memref<8x64xf32, #tpu.memory_space<vmem>>
    %dma_start3A_124 = arith.constant 0 : i32
    %dma_start3A_125 = tpu.memref_slice %arg5[%multiple_of3A_99, %dma_start3A_124] : memref<100000x64xf32, #tpu.memory_space<hbm>> -> memref<8x64xf32, #tpu.memory_space<hbm>>
    tpu.enqueue_dma source(%dma_start3A_125 : memref<8x64xf32, #tpu.memory_space<hbm>>) target(%dma_start3A_123 : memref<8x64xf32, #tpu.memory_space<vmem>>) target_semaphore(%arg14 : memref<!tpu.dma_semaphore, #tpu.memory_space<semaphore_mem>>)
    %slice3A_126 = vector.extract_strided_slice %get3A_8 {offsets = [3], sizes = [1], strides = [1]} : vector<16xi32> to vector<1xi32>
    %squeeze3A_127 = vector.extract %slice3A_126[0] : i32 from vector<1xi32>
    %shift_right_arithmetic3A_128 = arith.constant 7 : i32
    %shift_right_arithmetic3A_129 = arith.shrsi %squeeze3A_127, %shift_right_arithmetic3A_128 : i32
    %mul3A_130 = arith.constant 128 : i32
    %mul3A_131 = arith.muli %shift_right_arithmetic3A_129, %mul3A_130 : i32
    %multiple_of3A_132 = tpu.assume_multiple %mul3A_131, 128 : i32
    %slice3A_133 = vector.extract_strided_slice %get3A_10 {offsets = [3], sizes = [1], strides = [1]} : vector<16xi32> to vector<1xi32>
    %squeeze3A_134 = vector.extract %slice3A_133[0] : i32 from vector<1xi32>
    %shift_right_arithmetic3A_135 = arith.constant 3 : i32
    %shift_right_arithmetic3A_136 = arith.shrsi %squeeze3A_134, %shift_right_arithmetic3A_135 : i32
    %mul3A_137 = arith.constant 8 : i32
    %mul3A_138 = arith.muli %shift_right_arithmetic3A_136, %mul3A_137 : i32
    %multiple_of3A_139 = tpu.assume_multiple %mul3A_138, 8 : i32
    %dma_start3A_140 = arith.constant 3 : i32
    %dma_start3A_141 = arith.constant 0 : i32
    %dma_start3A_142 = arith.constant 0 : i32
    %dma_start3A_143 = tpu.memref_slice %arg10[%dma_start3A_140, %dma_start3A_141, %dma_start3A_142] : memref<4x64x128xf32, #tpu.memory_space<vmem>> -> memref<1x64x128xf32, #tpu.memory_space<vmem>>
    %dma_start3A_144 = tpu.memref_squeeze %dma_start3A_143 : memref<1x64x128xf32, #tpu.memory_space<vmem>> -> memref<64x128xf32, #tpu.memory_space<vmem>>
    %dma_start3A_145 = arith.constant 0 : i32
    %dma_start3A_146 = tpu.memref_slice %arg4[%dma_start3A_145, %multiple_of3A_132] : memref<64x1000000xf32, #tpu.memory_space<hbm>> -> memref<64x128xf32, #tpu.memory_space<hbm>>
    %dma_start3A_147 = arith.constant 0 : i32
    %dma_start3A_148 = arith.constant 0 : i32
    %dma_start3A_149 = tpu.memref_slice %arg10[%dma_start3A_140, %dma_start3A_147, %dma_start3A_148] : memref<4x64x128xf32, #tpu.memory_space<vmem>> -> memref<1x64x128xf32, #tpu.memory_space<vmem>>
    %dma_start3A_150 = tpu.memref_squeeze %dma_start3A_149 : memref<1x64x128xf32, #tpu.memory_space<vmem>> -> memref<64x128xf32, #tpu.memory_space<vmem>>
    %dma_start3A_151 = arith.constant 0 : i32
    %dma_start3A_152 = tpu.memref_slice %arg4[%dma_start3A_151, %multiple_of3A_132] : memref<64x1000000xf32, #tpu.memory_space<hbm>> -> memref<64x128xf32, #tpu.memory_space<hbm>>
    tpu.enqueue_dma source(%dma_start3A_152 : memref<64x128xf32, #tpu.memory_space<hbm>>) target(%dma_start3A_150 : memref<64x128xf32, #tpu.memory_space<vmem>>) target_semaphore(%arg14 : memref<!tpu.dma_semaphore, #tpu.memory_space<semaphore_mem>>)
    %dma_start3A_153 = arith.constant 3 : i32
    %dma_start3A_154 = arith.constant 0 : i32
    %dma_start3A_155 = arith.constant 0 : i32
    %dma_start3A_156 = tpu.memref_slice %arg11[%dma_start3A_153, %dma_start3A_154, %dma_start3A_155] : memref<4x8x64xf32, #tpu.memory_space<vmem>> -> memref<1x8x64xf32, #tpu.memory_space<vmem>>
    %dma_start3A_157 = tpu.memref_squeeze %dma_start3A_156 : memref<1x8x64xf32, #tpu.memory_space<vmem>> -> memref<8x64xf32, #tpu.memory_space<vmem>>
    %dma_start3A_158 = arith.constant 0 : i32
    %dma_start3A_159 = tpu.memref_slice %arg5[%multiple_of3A_139, %dma_start3A_158] : memref<100000x64xf32, #tpu.memory_space<hbm>> -> memref<8x64xf32, #tpu.memory_space<hbm>>
    %dma_start3A_160 = arith.constant 0 : i32
    %dma_start3A_161 = arith.constant 0 : i32
    %dma_start3A_162 = tpu.memref_slice %arg11[%dma_start3A_153, %dma_start3A_160, %dma_start3A_161] : memref<4x8x64xf32, #tpu.memory_space<vmem>> -> memref<1x8x64xf32, #tpu.memory_space<vmem>>
    %dma_start3A_163 = tpu.memref_squeeze %dma_start3A_162 : memref<1x8x64xf32, #tpu.memory_space<vmem>> -> memref<8x64xf32, #tpu.memory_space<vmem>>
    %dma_start3A_164 = arith.constant 0 : i32
    %dma_start3A_165 = tpu.memref_slice %arg5[%multiple_of3A_139, %dma_start3A_164] : memref<100000x64xf32, #tpu.memory_space<hbm>> -> memref<8x64xf32, #tpu.memory_space<hbm>>
    tpu.enqueue_dma source(%dma_start3A_165 : memref<8x64xf32, #tpu.memory_space<hbm>>) target(%dma_start3A_163 : memref<8x64xf32, #tpu.memory_space<vmem>>) target_semaphore(%arg14 : memref<!tpu.dma_semaphore, #tpu.memory_space<semaphore_mem>>)
    %scan3A_166 = arith.constant 0 : i32
    %scan3A_167 = arith.constant 0 : i32
    %scan3A_168 = arith.constant 64 : i32
    %scan3A_169 = arith.addi %scan3A_167, %scan3A_168 : i32
    %scan3A_170 = arith.constant 1 : i32
    scf.for %scan3A_172 = %scan3A_167 to %scan3A_169 step %scan3A_170  : i32 {
      %mul3A_173 = arith.constant 2 : i32
      %mul3A_174 = arith.muli %mul3A_173, %scan3A_172 : i32
      %add3A_175 = arith.constant 1 : i32
      %add3A_176 = arith.addi %mul3A_174, %add3A_175 : i32
      %mul3A_177 = arith.constant 4 : i32
      %mul3A_178 = arith.muli %add3A_176, %mul3A_177 : i32
      %get3A_179 = arith.index_cast %mul3A_178 : i32 to index
      %get3A_180 = tpu.vector_load %arg7[%get3A_179] {strides = array<i32>} : memref<528xi32, #tpu.memory_space<vmem>>, vector<16xi32>,
      %mul3A_181 = arith.constant 4 : i32
      %mul3A_182 = arith.muli %add3A_176, %mul3A_181 : i32
      %get3A_183 = arith.index_cast %mul3A_182 : i32 to index
      %get3A_184 = tpu.vector_load %arg8[%get3A_183] {strides = array<i32>} : memref<528xi32, #tpu.memory_space<vmem>>, vector<16xi32>,
      %slice3A_185 = vector.extract_strided_slice %get3A_180 {offsets = [0], sizes = [1], strides = [1]} : vector<16xi32> to vector<1xi32>
      %squeeze3A_186 = vector.extract %slice3A_185[0] : i32 from vector<1xi32>
      %shift_right_arithmetic3A_187 = arith.constant 7 : i32
      %shift_right_arithmetic3A_188 = arith.shrsi %squeeze3A_186, %shift_right_arithmetic3A_187 : i32
      %mul3A_189 = arith.constant 128 : i32
      %mul3A_190 = arith.muli %shift_right_arithmetic3A_188, %mul3A_189 : i32
      %multiple_of3A_191 = tpu.assume_multiple %mul3A_190, 128 : i32
      %slice3A_192 = vector.extract_strided_slice %get3A_184 {offsets = [0], sizes = [1], strides = [1]} : vector<16xi32> to vector<1xi32>
      %squeeze3A_193 = vector.extract %slice3A_192[0] : i32 from vector<1xi32>
      %shift_right_arithmetic3A_194 = arith.constant 3 : i32
      %shift_right_arithmetic3A_195 = arith.shrsi %squeeze3A_193, %shift_right_arithmetic3A_194 : i32
      %mul3A_196 = arith.constant 8 : i32
      %mul3A_197 = arith.muli %shift_right_arithmetic3A_195, %mul3A_196 : i32
      %multiple_of3A_198 = tpu.assume_multiple %mul3A_197, 8 : i32
      %dma_start3A_199 = arith.constant 0 : i32
      %dma_start3A_200 = arith.constant 0 : i32
      %dma_start3A_201 = arith.constant 0 : i32
      %dma_start3A_202 = tpu.memref_slice %arg12[%dma_start3A_199, %dma_start3A_200, %dma_start3A_201] : memref<4x64x128xf32, #tpu.memory_space<vmem>> -> memref<1x64x128xf32, #tpu.memory_space<vmem>>
      %dma_start3A_203 = tpu.memref_squeeze %dma_start3A_202 : memref<1x64x128xf32, #tpu.memory_space<vmem>> -> memref<64x128xf32, #tpu.memory_space<vmem>>
      %dma_start3A_204 = arith.constant 0 : i32
      %dma_start3A_205 = tpu.memref_slice %arg4[%dma_start3A_204, %multiple_of3A_191] : memref<64x1000000xf32, #tpu.memory_space<hbm>> -> memref<64x128xf32, #tpu.memory_space<hbm>>
      %dma_start3A_206 = arith.constant 0 : i32
      %dma_start3A_207 = arith.constant 0 : i32
      %dma_start3A_208 = tpu.memref_slice %arg12[%dma_start3A_199, %dma_start3A_206, %dma_start3A_207] : memref<4x64x128xf32, #tpu.memory_space<vmem>> -> memref<1x64x128xf32, #tpu.memory_space<vmem>>
      %dma_start3A_209 = tpu.memref_squeeze %dma_start3A_208 : memref<1x64x128xf32, #tpu.memory_space<vmem>> -> memref<64x128xf32, #tpu.memory_space<vmem>>
      %dma_start3A_210 = arith.constant 0 : i32
      %dma_start3A_211 = tpu.memref_slice %arg4[%dma_start3A_210, %multiple_of3A_191] : memref<64x1000000xf32, #tpu.memory_space<hbm>> -> memref<64x128xf32, #tpu.memory_space<hbm>>
      tpu.enqueue_dma source(%dma_start3A_211 : memref<64x128xf32, #tpu.memory_space<hbm>>) target(%dma_start3A_209 : memref<64x128xf32, #tpu.memory_space<vmem>>) target_semaphore(%arg15 : memref<!tpu.dma_semaphore, #tpu.memory_space<semaphore_mem>>)
      %dma_start3A_212 = arith.constant 0 : i32
      %dma_start3A_213 = arith.constant 0 : i32
      %dma_start3A_214 = arith.constant 0 : i32
      %dma_start3A_215 = tpu.memref_slice %arg13[%dma_start3A_212, %dma_start3A_213, %dma_start3A_214] : memref<4x8x64xf32, #tpu.memory_space<vmem>> -> memref<1x8x64xf32, #tpu.memory_space<vmem>>
      %dma_start3A_216 = tpu.memref_squeeze %dma_start3A_215 : memref<1x8x64xf32, #tpu.memory_space<vmem>> -> memref<8x64xf32, #tpu.memory_space<vmem>>
      %dma_start3A_217 = arith.constant 0 : i32
      %dma_start3A_218 = tpu.memref_slice %arg5[%multiple_of3A_198, %dma_start3A_217] : memref<100000x64xf32, #tpu.memory_space<hbm>> -> memref<8x64xf32, #tpu.memory_space<hbm>>
      %dma_start3A_219 = arith.constant 0 : i32
      %dma_start3A_220 = arith.constant 0 : i32
      %dma_start3A_221 = tpu.memref_slice %arg13[%dma_start3A_212, %dma_start3A_219, %dma_start3A_220] : memref<4x8x64xf32, #tpu.memory_space<vmem>> -> memref<1x8x64xf32, #tpu.memory_space<vmem>>
      %dma_start3A_222 = tpu.memref_squeeze %dma_start3A_221 : memref<1x8x64xf32, #tpu.memory_space<vmem>> -> memref<8x64xf32, #tpu.memory_space<vmem>>
      %dma_start3A_223 = arith.constant 0 : i32
      %dma_start3A_224 = tpu.memref_slice %arg5[%multiple_of3A_198, %dma_start3A_223] : memref<100000x64xf32, #tpu.memory_space<hbm>> -> memref<8x64xf32, #tpu.memory_space<hbm>>
      tpu.enqueue_dma source(%dma_start3A_224 : memref<8x64xf32, #tpu.memory_space<hbm>>) target(%dma_start3A_222 : memref<8x64xf32, #tpu.memory_space<vmem>>) target_semaphore(%arg15 : memref<!tpu.dma_semaphore, #tpu.memory_space<semaphore_mem>>)
      %slice3A_225 = vector.extract_strided_slice %get3A_180 {offsets = [1], sizes = [1], strides = [1]} : vector<16xi32> to vector<1xi32>
      %squeeze3A_226 = vector.extract %slice3A_225[0] : i32 from vector<1xi32>
      %shift_right_arithmetic3A_227 = arith.constant 7 : i32
      %shift_right_arithmetic3A_228 = arith.shrsi %squeeze3A_226, %shift_right_arithmetic3A_227 : i32
      %mul3A_229 = arith.constant 128 : i32
      %mul3A_230 = arith.muli %shift_right_arithmetic3A_228, %mul3A_229 : i32
      %multiple_of3A_231 = tpu.assume_multiple %mul3A_230, 128 : i32
      %slice3A_232 = vector.extract_strided_slice %get3A_184 {offsets = [1], sizes = [1], strides = [1]} : vector<16xi32> to vector<1xi32>
      %squeeze3A_233 = vector.extract %slice3A_232[0] : i32 from vector<1xi32>
      %shift_right_arithmetic3A_234 = arith.constant 3 : i32
      %shift_right_arithmetic3A_235 = arith.shrsi %squeeze3A_233, %shift_right_arithmetic3A_234 : i32
      %mul3A_236 = arith.constant 8 : i32
      %mul3A_237 = arith.muli %shift_right_arithmetic3A_235, %mul3A_236 : i32
      %multiple_of3A_238 = tpu.assume_multiple %mul3A_237, 8 : i32
      %dma_start3A_239 = arith.constant 1 : i32
      %dma_start3A_240 = arith.constant 0 : i32
      %dma_start3A_241 = arith.constant 0 : i32
      %dma_start3A_242 = tpu.memref_slice %arg12[%dma_start3A_239, %dma_start3A_240, %dma_start3A_241] : memref<4x64x128xf32, #tpu.memory_space<vmem>> -> memref<1x64x128xf32, #tpu.memory_space<vmem>>
      %dma_start3A_243 = tpu.memref_squeeze %dma_start3A_242 : memref<1x64x128xf32, #tpu.memory_space<vmem>> -> memref<64x128xf32, #tpu.memory_space<vmem>>
      %dma_start3A_244 = arith.constant 0 : i32
      %dma_start3A_245 = tpu.memref_slice %arg4[%dma_start3A_244, %multiple_of3A_231] : memref<64x1000000xf32, #tpu.memory_space<hbm>> -> memref<64x128xf32, #tpu.memory_space<hbm>>
      %dma_start3A_246 = arith.constant 0 : i32
      %dma_start3A_247 = arith.constant 0 : i32
      %dma_start3A_248 = tpu.memref_slice %arg12[%dma_start3A_239, %dma_start3A_246, %dma_start3A_247] : memref<4x64x128xf32, #tpu.memory_space<vmem>> -> memref<1x64x128xf32, #tpu.memory_space<vmem>>
      %dma_start3A_249 = tpu.memref_squeeze %dma_start3A_248 : memref<1x64x128xf32, #tpu.memory_space<vmem>> -> memref<64x128xf32, #tpu.memory_space<vmem>>
      %dma_start3A_250 = arith.constant 0 : i32
      %dma_start3A_251 = tpu.memref_slice %arg4[%dma_start3A_250, %multiple_of3A_231] : memref<64x1000000xf32, #tpu.memory_space<hbm>> -> memref<64x128xf32, #tpu.memory_space<hbm>>
      tpu.enqueue_dma source(%dma_start3A_251 : memref<64x128xf32, #tpu.memory_space<hbm>>) target(%dma_start3A_249 : memref<64x128xf32, #tpu.memory_space<vmem>>) target_semaphore(%arg15 : memref<!tpu.dma_semaphore, #tpu.memory_space<semaphore_mem>>)
      %dma_start3A_252 = arith.constant 1 : i32
      %dma_start3A_253 = arith.constant 0 : i32
      %dma_start3A_254 = arith.constant 0 : i32
      %dma_start3A_255 = tpu.memref_slice %arg13[%dma_start3A_252, %dma_start3A_253, %dma_start3A_254] : memref<4x8x64xf32, #tpu.memory_space<vmem>> -> memref<1x8x64xf32, #tpu.memory_space<vmem>>
      %dma_start3A_256 = tpu.memref_squeeze %dma_start3A_255 : memref<1x8x64xf32, #tpu.memory_space<vmem>> -> memref<8x64xf32, #tpu.memory_space<vmem>>
      %dma_start3A_257 = arith.constant 0 : i32
      %dma_start3A_258 = tpu.memref_slice %arg5[%multiple_of3A_238, %dma_start3A_257] : memref<100000x64xf32, #tpu.memory_space<hbm>> -> memref<8x64xf32, #tpu.memory_space<hbm>>
      %dma_start3A_259 = arith.constant 0 : i32
      %dma_start3A_260 = arith.constant 0 : i32
      %dma_start3A_261 = tpu.memref_slice %arg13[%dma_start3A_252, %dma_start3A_259, %dma_start3A_260] : memref<4x8x64xf32, #tpu.memory_space<vmem>> -> memref<1x8x64xf32, #tpu.memory_space<vmem>>
      %dma_start3A_262 = tpu.memref_squeeze %dma_start3A_261 : memref<1x8x64xf32, #tpu.memory_space<vmem>> -> memref<8x64xf32, #tpu.memory_space<vmem>>
      %dma_start3A_263 = arith.constant 0 : i32
      %dma_start3A_264 = tpu.memref_slice %arg5[%multiple_of3A_238, %dma_start3A_263] : memref<100000x64xf32, #tpu.memory_space<hbm>> -> memref<8x64xf32, #tpu.memory_space<hbm>>
      tpu.enqueue_dma source(%dma_start3A_264 : memref<8x64xf32, #tpu.memory_space<hbm>>) target(%dma_start3A_262 : memref<8x64xf32, #tpu.memory_space<vmem>>) target_semaphore(%arg15 : memref<!tpu.dma_semaphore, #tpu.memory_space<semaphore_mem>>)
      %slice3A_265 = vector.extract_strided_slice %get3A_180 {offsets = [2], sizes = [1], strides = [1]} : vector<16xi32> to vector<1xi32>
      %squeeze3A_266 = vector.extract %slice3A_265[0] : i32 from vector<1xi32>
      %shift_right_arithmetic3A_267 = arith.constant 7 : i32
      %shift_right_arithmetic3A_268 = arith.shrsi %squeeze3A_266, %shift_right_arithmetic3A_267 : i32
      %mul3A_269 = arith.constant 128 : i32
      %mul3A_270 = arith.muli %shift_right_arithmetic3A_268, %mul3A_269 : i32
      %multiple_of3A_271 = tpu.assume_multiple %mul3A_270, 128 : i32
      %slice3A_272 = vector.extract_strided_slice %get3A_184 {offsets = [2], sizes = [1], strides = [1]} : vector<16xi32> to vector<1xi32>
      %squeeze3A_273 = vector.extract %slice3A_272[0] : i32 from vector<1xi32>
      %shift_right_arithmetic3A_274 = arith.constant 3 : i32
      %shift_right_arithmetic3A_275 = arith.shrsi %squeeze3A_273, %shift_right_arithmetic3A_274 : i32
      %mul3A_276 = arith.constant 8 : i32
      %mul3A_277 = arith.muli %shift_right_arithmetic3A_275, %mul3A_276 : i32
      %multiple_of3A_278 = tpu.assume_multiple %mul3A_277, 8 : i32
      %dma_start3A_279 = arith.constant 2 : i32
      %dma_start3A_280 = arith.constant 0 : i32
      %dma_start3A_281 = arith.constant 0 : i32
      %dma_start3A_282 = tpu.memref_slice %arg12[%dma_start3A_279, %dma_start3A_280, %dma_start3A_281] : memref<4x64x128xf32, #tpu.memory_space<vmem>> -> memref<1x64x128xf32, #tpu.memory_space<vmem>>
      %dma_start3A_283 = tpu.memref_squeeze %dma_start3A_282 : memref<1x64x128xf32, #tpu.memory_space<vmem>> -> memref<64x128xf32, #tpu.memory_space<vmem>>
      %dma_start3A_284 = arith.constant 0 : i32
      %dma_start3A_285 = tpu.memref_slice %arg4[%dma_start3A_284, %multiple_of3A_271] : memref<64x1000000xf32, #tpu.memory_space<hbm>> -> memref<64x128xf32, #tpu.memory_space<hbm>>
      %dma_start3A_286 = arith.constant 0 : i32
      %dma_start3A_287 = arith.constant 0 : i32
      %dma_start3A_288 = tpu.memref_slice %arg12[%dma_start3A_279, %dma_start3A_286, %dma_start3A_287] : memref<4x64x128xf32, #tpu.memory_space<vmem>> -> memref<1x64x128xf32, #tpu.memory_space<vmem>>
      %dma_start3A_289 = tpu.memref_squeeze %dma_start3A_288 : memref<1x64x128xf32, #tpu.memory_space<vmem>> -> memref<64x128xf32, #tpu.memory_space<vmem>>
      %dma_start3A_290 = arith.constant 0 : i32
      %dma_start3A_291 = tpu.memref_slice %arg4[%dma_start3A_290, %multiple_of3A_271] : memref<64x1000000xf32, #tpu.memory_space<hbm>> -> memref<64x128xf32, #tpu.memory_space<hbm>>
      tpu.enqueue_dma source(%dma_start3A_291 : memref<64x128xf32, #tpu.memory_space<hbm>>) target(%dma_start3A_289 : memref<64x128xf32, #tpu.memory_space<vmem>>) target_semaphore(%arg15 : memref<!tpu.dma_semaphore, #tpu.memory_space<semaphore_mem>>)
      %dma_start3A_292 = arith.constant 2 : i32
      %dma_start3A_293 = arith.constant 0 : i32
      %dma_start3A_294 = arith.constant 0 : i32
      %dma_start3A_295 = tpu.memref_slice %arg13[%dma_start3A_292, %dma_start3A_293, %dma_start3A_294] : memref<4x8x64xf32, #tpu.memory_space<vmem>> -> memref<1x8x64xf32, #tpu.memory_space<vmem>>
      %dma_start3A_296 = tpu.memref_squeeze %dma_start3A_295 : memref<1x8x64xf32, #tpu.memory_space<vmem>> -> memref<8x64xf32, #tpu.memory_space<vmem>>
      %dma_start3A_297 = arith.constant 0 : i32
      %dma_start3A_298 = tpu.memref_slice %arg5[%multiple_of3A_278, %dma_start3A_297] : memref<100000x64xf32, #tpu.memory_space<hbm>> -> memref<8x64xf32, #tpu.memory_space<hbm>>
      %dma_start3A_299 = arith.constant 0 : i32
      %dma_start3A_300 = arith.constant 0 : i32
      %dma_start3A_301 = tpu.memref_slice %arg13[%dma_start3A_292, %dma_start3A_299, %dma_start3A_300] : memref<4x8x64xf32, #tpu.memory_space<vmem>> -> memref<1x8x64xf32, #tpu.memory_space<vmem>>
      %dma_start3A_302 = tpu.memref_squeeze %dma_start3A_301 : memref<1x8x64xf32, #tpu.memory_space<vmem>> -> memref<8x64xf32, #tpu.memory_space<vmem>>
      %dma_start3A_303 = arith.constant 0 : i32
      %dma_start3A_304 = tpu.memref_slice %arg5[%multiple_of3A_278, %dma_start3A_303] : memref<100000x64xf32, #tpu.memory_space<hbm>> -> memref<8x64xf32, #tpu.memory_space<hbm>>
      tpu.enqueue_dma source(%dma_start3A_304 : memref<8x64xf32, #tpu.memory_space<hbm>>) target(%dma_start3A_302 : memref<8x64xf32, #tpu.memory_space<vmem>>) target_semaphore(%arg15 : memref<!tpu.dma_semaphore, #tpu.memory_space<semaphore_mem>>)
      %slice3A_305 = vector.extract_strided_slice %get3A_180 {offsets = [3], sizes = [1], strides = [1]} : vector<16xi32> to vector<1xi32>
      %squeeze3A_306 = vector.extract %slice3A_305[0] : i32 from vector<1xi32>
      %shift_right_arithmetic3A_307 = arith.constant 7 : i32
      %shift_right_arithmetic3A_308 = arith.shrsi %squeeze3A_306, %shift_right_arithmetic3A_307 : i32
      %mul3A_309 = arith.constant 128 : i32
      %mul3A_310 = arith.muli %shift_right_arithmetic3A_308, %mul3A_309 : i32
      %multiple_of3A_311 = tpu.assume_multiple %mul3A_310, 128 : i32
      %slice3A_312 = vector.extract_strided_slice %get3A_184 {offsets = [3], sizes = [1], strides = [1]} : vector<16xi32> to vector<1xi32>
      %squeeze3A_313 = vector.extract %slice3A_312[0] : i32 from vector<1xi32>
      %shift_right_arithmetic3A_314 = arith.constant 3 : i32
      %shift_right_arithmetic3A_315 = arith.shrsi %squeeze3A_313, %shift_right_arithmetic3A_314 : i32
      %mul3A_316 = arith.constant 8 : i32
      %mul3A_317 = arith.muli %shift_right_arithmetic3A_315, %mul3A_316 : i32
      %multiple_of3A_318 = tpu.assume_multiple %mul3A_317, 8 : i32
      %dma_start3A_319 = arith.constant 3 : i32
      %dma_start3A_320 = arith.constant 0 : i32
      %dma_start3A_321 = arith.constant 0 : i32
      %dma_start3A_322 = tpu.memref_slice %arg12[%dma_start3A_319, %dma_start3A_320, %dma_start3A_321] : memref<4x64x128xf32, #tpu.memory_space<vmem>> -> memref<1x64x128xf32, #tpu.memory_space<vmem>>
      %dma_start3A_323 = tpu.memref_squeeze %dma_start3A_322 : memref<1x64x128xf32, #tpu.memory_space<vmem>> -> memref<64x128xf32, #tpu.memory_space<vmem>>
      %dma_start3A_324 = arith.constant 0 : i32
      %dma_start3A_325 = tpu.memref_slice %arg4[%dma_start3A_324, %multiple_of3A_311] : memref<64x1000000xf32, #tpu.memory_space<hbm>> -> memref<64x128xf32, #tpu.memory_space<hbm>>
      %dma_start3A_326 = arith.constant 0 : i32
      %dma_start3A_327 = arith.constant 0 : i32
      %dma_start3A_328 = tpu.memref_slice %arg12[%dma_start3A_319, %dma_start3A_326, %dma_start3A_327] : memref<4x64x128xf32, #tpu.memory_space<vmem>> -> memref<1x64x128xf32, #tpu.memory_space<vmem>>
      %dma_start3A_329 = tpu.memref_squeeze %dma_start3A_328 : memref<1x64x128xf32, #tpu.memory_space<vmem>> -> memref<64x128xf32, #tpu.memory_space<vmem>>
      %dma_start3A_330 = arith.constant 0 : i32
      %dma_start3A_331 = tpu.memref_slice %arg4[%dma_start3A_330, %multiple_of3A_311] : memref<64x1000000xf32, #tpu.memory_space<hbm>> -> memref<64x128xf32, #tpu.memory_space<hbm>>
      tpu.enqueue_dma source(%dma_start3A_331 : memref<64x128xf32, #tpu.memory_space<hbm>>) target(%dma_start3A_329 : memref<64x128xf32, #tpu.memory_space<vmem>>) target_semaphore(%arg15 : memref<!tpu.dma_semaphore, #tpu.memory_space<semaphore_mem>>)
      %dma_start3A_332 = arith.constant 3 : i32
      %dma_start3A_333 = arith.constant 0 : i32
      %dma_start3A_334 = arith.constant 0 : i32
      %dma_start3A_335 = tpu.memref_slice %arg13[%dma_start3A_332, %dma_start3A_333, %dma_start3A_334] : memref<4x8x64xf32, #tpu.memory_space<vmem>> -> memref<1x8x64xf32, #tpu.memory_space<vmem>>
      %dma_start3A_336 = tpu.memref_squeeze %dma_start3A_335 : memref<1x8x64xf32, #tpu.memory_space<vmem>> -> memref<8x64xf32, #tpu.memory_space<vmem>>
      %dma_start3A_337 = arith.constant 0 : i32
      %dma_start3A_338 = tpu.memref_slice %arg5[%multiple_of3A_318, %dma_start3A_337] : memref<100000x64xf32, #tpu.memory_space<hbm>> -> memref<8x64xf32, #tpu.memory_space<hbm>>
      %dma_start3A_339 = arith.constant 0 : i32
      %dma_start3A_340 = arith.constant 0 : i32
      %dma_start3A_341 = tpu.memref_slice %arg13[%dma_start3A_332, %dma_start3A_339, %dma_start3A_340] : memref<4x8x64xf32, #tpu.memory_space<vmem>> -> memref<1x8x64xf32, #tpu.memory_space<vmem>>
      %dma_start3A_342 = tpu.memref_squeeze %dma_start3A_341 : memref<1x8x64xf32, #tpu.memory_space<vmem>> -> memref<8x64xf32, #tpu.memory_space<vmem>>
      %dma_start3A_343 = arith.constant 0 : i32
      %dma_start3A_344 = tpu.memref_slice %arg5[%multiple_of3A_318, %dma_start3A_343] : memref<100000x64xf32, #tpu.memory_space<hbm>> -> memref<8x64xf32, #tpu.memory_space<hbm>>
      tpu.enqueue_dma source(%dma_start3A_344 : memref<8x64xf32, #tpu.memory_space<hbm>>) target(%dma_start3A_342 : memref<8x64xf32, #tpu.memory_space<vmem>>) target_semaphore(%arg15 : memref<!tpu.dma_semaphore, #tpu.memory_space<semaphore_mem>>)
      %mul3A_345 = arith.constant 4 : i32
      %mul3A_346 = arith.muli %mul3A_174, %mul3A_345 : i32
      %get3A_347 = arith.index_cast %mul3A_346 : i32 to index
      %get3A_348 = tpu.vector_load %arg7[%get3A_347] {strides = array<i32>} : memref<528xi32, #tpu.memory_space<vmem>>, vector<16xi32>,
      %mul3A_349 = arith.constant 4 : i32
      %mul3A_350 = arith.muli %mul3A_174, %mul3A_349 : i32
      %get3A_351 = arith.index_cast %mul3A_350 : i32 to index
      %get3A_352 = tpu.vector_load %arg8[%get3A_351] {strides = array<i32>} : memref<528xi32, #tpu.memory_space<vmem>>, vector<16xi32>,
      %dma_wait3A = arith.constant 0 : i32
      %dma_wait3A_353 = arith.constant 0 : i32
      %dma_wait3A_354 = arith.constant 0 : i32
      %dma_wait3A_355 = tpu.memref_slice %arg10[%dma_wait3A, %dma_wait3A_353, %dma_wait3A_354] : memref<4x64x128xf32, #tpu.memory_space<vmem>> -> memref<1x64x128xf32, #tpu.memory_space<vmem>>
      %dma_wait3A_356 = tpu.memref_squeeze %dma_wait3A_355 : memref<1x64x128xf32, #tpu.memory_space<vmem>> -> memref<64x128xf32, #tpu.memory_space<vmem>>
      %dma_wait3A_357 = arith.constant 0 : i32
      %dma_wait3A_358 = arith.constant 0 : i32
      %dma_wait3A_359 = tpu.memref_slice %arg4[%dma_wait3A_357, %dma_wait3A_358] : memref<64x1000000xf32, #tpu.memory_space<hbm>> -> memref<64x128xf32, #tpu.memory_space<hbm>>
      %dma_wait3A_360 = arith.constant 0 : i32
      %dma_wait3A_361 = arith.constant 0 : i32
      %dma_wait3A_362 = tpu.memref_slice %arg10[%dma_wait3A, %dma_wait3A_360, %dma_wait3A_361] : memref<4x64x128xf32, #tpu.memory_space<vmem>> -> memref<1x64x128xf32, #tpu.memory_space<vmem>>
      %dma_wait3A_363 = tpu.memref_squeeze %dma_wait3A_362 : memref<1x64x128xf32, #tpu.memory_space<vmem>> -> memref<64x128xf32, #tpu.memory_space<vmem>>
      %dma_wait3A_364 = arith.constant 0 : i32
      %dma_wait3A_365 = arith.constant 0 : i32
      %dma_wait3A_366 = tpu.memref_slice %arg4[%dma_wait3A_364, %dma_wait3A_365] : memref<64x1000000xf32, #tpu.memory_space<hbm>> -> memref<64x128xf32, #tpu.memory_space<hbm>>
      tpu.wait_dma2 semaphore(%arg14 : memref<!tpu.dma_semaphore, #tpu.memory_space<semaphore_mem>>) src(%dma_wait3A_366 : memref<64x128xf32, #tpu.memory_space<hbm>>) dst(%dma_wait3A_363 : memref<64x128xf32, #tpu.memory_space<vmem>>)
      %dma_wait3A_367 = arith.constant 0 : i32
      %dma_wait3A_368 = arith.constant 0 : i32
      %dma_wait3A_369 = arith.constant 0 : i32
      %dma_wait3A_370 = tpu.memref_slice %arg11[%dma_wait3A_367, %dma_wait3A_368, %dma_wait3A_369] : memref<4x8x64xf32, #tpu.memory_space<vmem>> -> memref<1x8x64xf32, #tpu.memory_space<vmem>>
      %dma_wait3A_371 = tpu.memref_squeeze %dma_wait3A_370 : memref<1x8x64xf32, #tpu.memory_space<vmem>> -> memref<8x64xf32, #tpu.memory_space<vmem>>
      %dma_wait3A_372 = arith.constant 0 : i32
      %dma_wait3A_373 = arith.constant 0 : i32
      %dma_wait3A_374 = tpu.memref_slice %arg5[%dma_wait3A_372, %dma_wait3A_373] : memref<100000x64xf32, #tpu.memory_space<hbm>> -> memref<8x64xf32, #tpu.memory_space<hbm>>
      %dma_wait3A_375 = arith.constant 0 : i32
      %dma_wait3A_376 = arith.constant 0 : i32
      %dma_wait3A_377 = tpu.memref_slice %arg11[%dma_wait3A_367, %dma_wait3A_375, %dma_wait3A_376] : memref<4x8x64xf32, #tpu.memory_space<vmem>> -> memref<1x8x64xf32, #tpu.memory_space<vmem>>
      %dma_wait3A_378 = tpu.memref_squeeze %dma_wait3A_377 : memref<1x8x64xf32, #tpu.memory_space<vmem>> -> memref<8x64xf32, #tpu.memory_space<vmem>>
      %dma_wait3A_379 = arith.constant 0 : i32
      %dma_wait3A_380 = arith.constant 0 : i32
      %dma_wait3A_381 = tpu.memref_slice %arg5[%dma_wait3A_379, %dma_wait3A_380] : memref<100000x64xf32, #tpu.memory_space<hbm>> -> memref<8x64xf32, #tpu.memory_space<hbm>>
      tpu.wait_dma2 semaphore(%arg14 : memref<!tpu.dma_semaphore, #tpu.memory_space<semaphore_mem>>) src(%dma_wait3A_381 : memref<8x64xf32, #tpu.memory_space<hbm>>) dst(%dma_wait3A_378 : memref<8x64xf32, #tpu.memory_space<vmem>>)
      %dma_wait3A_382 = arith.constant 1 : i32
      %dma_wait3A_383 = arith.constant 0 : i32
      %dma_wait3A_384 = arith.constant 0 : i32
      %dma_wait3A_385 = tpu.memref_slice %arg10[%dma_wait3A_382, %dma_wait3A_383, %dma_wait3A_384] : memref<4x64x128xf32, #tpu.memory_space<vmem>> -> memref<1x64x128xf32, #tpu.memory_space<vmem>>
      %dma_wait3A_386 = tpu.memref_squeeze %dma_wait3A_385 : memref<1x64x128xf32, #tpu.memory_space<vmem>> -> memref<64x128xf32, #tpu.memory_space<vmem>>
      %dma_wait3A_387 = arith.constant 0 : i32
      %dma_wait3A_388 = arith.constant 0 : i32
      %dma_wait3A_389 = tpu.memref_slice %arg4[%dma_wait3A_387, %dma_wait3A_388] : memref<64x1000000xf32, #tpu.memory_space<hbm>> -> memref<64x128xf32, #tpu.memory_space<hbm>>
      %dma_wait3A_390 = arith.constant 0 : i32
      %dma_wait3A_391 = arith.constant 0 : i32
      %dma_wait3A_392 = tpu.memref_slice %arg10[%dma_wait3A_382, %dma_wait3A_390, %dma_wait3A_391] : memref<4x64x128xf32, #tpu.memory_space<vmem>> -> memref<1x64x128xf32, #tpu.memory_space<vmem>>
      %dma_wait3A_393 = tpu.memref_squeeze %dma_wait3A_392 : memref<1x64x128xf32, #tpu.memory_space<vmem>> -> memref<64x128xf32, #tpu.memory_space<vmem>>
      %dma_wait3A_394 = arith.constant 0 : i32
      %dma_wait3A_395 = arith.constant 0 : i32
      %dma_wait3A_396 = tpu.memref_slice %arg4[%dma_wait3A_394, %dma_wait3A_395] : memref<64x1000000xf32, #tpu.memory_space<hbm>> -> memref<64x128xf32, #tpu.memory_space<hbm>>
      tpu.wait_dma2 semaphore(%arg14 : memref<!tpu.dma_semaphore, #tpu.memory_space<semaphore_mem>>) src(%dma_wait3A_396 : memref<64x128xf32, #tpu.memory_space<hbm>>) dst(%dma_wait3A_393 : memref<64x128xf32, #tpu.memory_space<vmem>>)
      %dma_wait3A_397 = arith.constant 1 : i32
      %dma_wait3A_398 = arith.constant 0 : i32
      %dma_wait3A_399 = arith.constant 0 : i32
      %dma_wait3A_400 = tpu.memref_slice %arg11[%dma_wait3A_397, %dma_wait3A_398, %dma_wait3A_399] : memref<4x8x64xf32, #tpu.memory_space<vmem>> -> memref<1x8x64xf32, #tpu.memory_space<vmem>>
      %dma_wait3A_401 = tpu.memref_squeeze %dma_wait3A_400 : memref<1x8x64xf32, #tpu.memory_space<vmem>> -> memref<8x64xf32, #tpu.memory_space<vmem>>
      %dma_wait3A_402 = arith.constant 0 : i32
      %dma_wait3A_403 = arith.constant 0 : i32
      %dma_wait3A_404 = tpu.memref_slice %arg5[%dma_wait3A_402, %dma_wait3A_403] : memref<100000x64xf32, #tpu.memory_space<hbm>> -> memref<8x64xf32, #tpu.memory_space<hbm>>
      %dma_wait3A_405 = arith.constant 0 : i32
      %dma_wait3A_406 = arith.constant 0 : i32
      %dma_wait3A_407 = tpu.memref_slice %arg11[%dma_wait3A_397, %dma_wait3A_405, %dma_wait3A_406] : memref<4x8x64xf32, #tpu.memory_space<vmem>> -> memref<1x8x64xf32, #tpu.memory_space<vmem>>
      %dma_wait3A_408 = tpu.memref_squeeze %dma_wait3A_407 : memref<1x8x64xf32, #tpu.memory_space<vmem>> -> memref<8x64xf32, #tpu.memory_space<vmem>>
      %dma_wait3A_409 = arith.constant 0 : i32
      %dma_wait3A_410 = arith.constant 0 : i32
      %dma_wait3A_411 = tpu.memref_slice %arg5[%dma_wait3A_409, %dma_wait3A_410] : memref<100000x64xf32, #tpu.memory_space<hbm>> -> memref<8x64xf32, #tpu.memory_space<hbm>>
      tpu.wait_dma2 semaphore(%arg14 : memref<!tpu.dma_semaphore, #tpu.memory_space<semaphore_mem>>) src(%dma_wait3A_411 : memref<8x64xf32, #tpu.memory_space<hbm>>) dst(%dma_wait3A_408 : memref<8x64xf32, #tpu.memory_space<vmem>>)
      %dma_wait3A_412 = arith.constant 2 : i32
      %dma_wait3A_413 = arith.constant 0 : i32
      %dma_wait3A_414 = arith.constant 0 : i32
      %dma_wait3A_415 = tpu.memref_slice %arg10[%dma_wait3A_412, %dma_wait3A_413, %dma_wait3A_414] : memref<4x64x128xf32, #tpu.memory_space<vmem>> -> memref<1x64x128xf32, #tpu.memory_space<vmem>>
      %dma_wait3A_416 = tpu.memref_squeeze %dma_wait3A_415 : memref<1x64x128xf32, #tpu.memory_space<vmem>> -> memref<64x128xf32, #tpu.memory_space<vmem>>
      %dma_wait3A_417 = arith.constant 0 : i32
      %dma_wait3A_418 = arith.constant 0 : i32
      %dma_wait3A_419 = tpu.memref_slice %arg4[%dma_wait3A_417, %dma_wait3A_418] : memref<64x1000000xf32, #tpu.memory_space<hbm>> -> memref<64x128xf32, #tpu.memory_space<hbm>>
      %dma_wait3A_420 = arith.constant 0 : i32
      %dma_wait3A_421 = arith.constant 0 : i32
      %dma_wait3A_422 = tpu.memref_slice %arg10[%dma_wait3A_412, %dma_wait3A_420, %dma_wait3A_421] : memref<4x64x128xf32, #tpu.memory_space<vmem>> -> memref<1x64x128xf32, #tpu.memory_space<vmem>>
      %dma_wait3A_423 = tpu.memref_squeeze %dma_wait3A_422 : memref<1x64x128xf32, #tpu.memory_space<vmem>> -> memref<64x128xf32, #tpu.memory_space<vmem>>
      %dma_wait3A_424 = arith.constant 0 : i32
      %dma_wait3A_425 = arith.constant 0 : i32
      %dma_wait3A_426 = tpu.memref_slice %arg4[%dma_wait3A_424, %dma_wait3A_425] : memref<64x1000000xf32, #tpu.memory_space<hbm>> -> memref<64x128xf32, #tpu.memory_space<hbm>>
      tpu.wait_dma2 semaphore(%arg14 : memref<!tpu.dma_semaphore, #tpu.memory_space<semaphore_mem>>) src(%dma_wait3A_426 : memref<64x128xf32, #tpu.memory_space<hbm>>) dst(%dma_wait3A_423 : memref<64x128xf32, #tpu.memory_space<vmem>>)
      %dma_wait3A_427 = arith.constant 2 : i32
      %dma_wait3A_428 = arith.constant 0 : i32
      %dma_wait3A_429 = arith.constant 0 : i32
      %dma_wait3A_430 = tpu.memref_slice %arg11[%dma_wait3A_427, %dma_wait3A_428, %dma_wait3A_429] : memref<4x8x64xf32, #tpu.memory_space<vmem>> -> memref<1x8x64xf32, #tpu.memory_space<vmem>>
      %dma_wait3A_431 = tpu.memref_squeeze %dma_wait3A_430 : memref<1x8x64xf32, #tpu.memory_space<vmem>> -> memref<8x64xf32, #tpu.memory_space<vmem>>
      %dma_wait3A_432 = arith.constant 0 : i32
      %dma_wait3A_433 = arith.constant 0 : i32
      %dma_wait3A_434 = tpu.memref_slice %arg5[%dma_wait3A_432, %dma_wait3A_433] : memref<100000x64xf32, #tpu.memory_space<hbm>> -> memref<8x64xf32, #tpu.memory_space<hbm>>
      %dma_wait3A_435 = arith.constant 0 : i32
      %dma_wait3A_436 = arith.constant 0 : i32
      %dma_wait3A_437 = tpu.memref_slice %arg11[%dma_wait3A_427, %dma_wait3A_435, %dma_wait3A_436] : memref<4x8x64xf32, #tpu.memory_space<vmem>> -> memref<1x8x64xf32, #tpu.memory_space<vmem>>
      %dma_wait3A_438 = tpu.memref_squeeze %dma_wait3A_437 : memref<1x8x64xf32, #tpu.memory_space<vmem>> -> memref<8x64xf32, #tpu.memory_space<vmem>>
      %dma_wait3A_439 = arith.constant 0 : i32
      %dma_wait3A_440 = arith.constant 0 : i32
      %dma_wait3A_441 = tpu.memref_slice %arg5[%dma_wait3A_439, %dma_wait3A_440] : memref<100000x64xf32, #tpu.memory_space<hbm>> -> memref<8x64xf32, #tpu.memory_space<hbm>>
      tpu.wait_dma2 semaphore(%arg14 : memref<!tpu.dma_semaphore, #tpu.memory_space<semaphore_mem>>) src(%dma_wait3A_441 : memref<8x64xf32, #tpu.memory_space<hbm>>) dst(%dma_wait3A_438 : memref<8x64xf32, #tpu.memory_space<vmem>>)
      %dma_wait3A_442 = arith.constant 3 : i32
      %dma_wait3A_443 = arith.constant 0 : i32
      %dma_wait3A_444 = arith.constant 0 : i32
      %dma_wait3A_445 = tpu.memref_slice %arg10[%dma_wait3A_442, %dma_wait3A_443, %dma_wait3A_444] : memref<4x64x128xf32, #tpu.memory_space<vmem>> -> memref<1x64x128xf32, #tpu.memory_space<vmem>>
      %dma_wait3A_446 = tpu.memref_squeeze %dma_wait3A_445 : memref<1x64x128xf32, #tpu.memory_space<vmem>> -> memref<64x128xf32, #tpu.memory_space<vmem>>
      %dma_wait3A_447 = arith.constant 0 : i32
      %dma_wait3A_448 = arith.constant 0 : i32
      %dma_wait3A_449 = tpu.memref_slice %arg4[%dma_wait3A_447, %dma_wait3A_448] : memref<64x1000000xf32, #tpu.memory_space<hbm>> -> memref<64x128xf32, #tpu.memory_space<hbm>>
      %dma_wait3A_450 = arith.constant 0 : i32
      %dma_wait3A_451 = arith.constant 0 : i32
      %dma_wait3A_452 = tpu.memref_slice %arg10[%dma_wait3A_442, %dma_wait3A_450, %dma_wait3A_451] : memref<4x64x128xf32, #tpu.memory_space<vmem>> -> memref<1x64x128xf32, #tpu.memory_space<vmem>>
      %dma_wait3A_453 = tpu.memref_squeeze %dma_wait3A_452 : memref<1x64x128xf32, #tpu.memory_space<vmem>> -> memref<64x128xf32, #tpu.memory_space<vmem>>
      %dma_wait3A_454 = arith.constant 0 : i32
      %dma_wait3A_455 = arith.constant 0 : i32
      %dma_wait3A_456 = tpu.memref_slice %arg4[%dma_wait3A_454, %dma_wait3A_455] : memref<64x1000000xf32, #tpu.memory_space<hbm>> -> memref<64x128xf32, #tpu.memory_space<hbm>>
      tpu.wait_dma2 semaphore(%arg14 : memref<!tpu.dma_semaphore, #tpu.memory_space<semaphore_mem>>) src(%dma_wait3A_456 : memref<64x128xf32, #tpu.memory_space<hbm>>) dst(%dma_wait3A_453 : memref<64x128xf32, #tpu.memory_space<vmem>>)
      %dma_wait3A_457 = arith.constant 3 : i32
      %dma_wait3A_458 = arith.constant 0 : i32
      %dma_wait3A_459 = arith.constant 0 : i32
      %dma_wait3A_460 = tpu.memref_slice %arg11[%dma_wait3A_457, %dma_wait3A_458, %dma_wait3A_459] : memref<4x8x64xf32, #tpu.memory_space<vmem>> -> memref<1x8x64xf32, #tpu.memory_space<vmem>>
      %dma_wait3A_461 = tpu.memref_squeeze %dma_wait3A_460 : memref<1x8x64xf32, #tpu.memory_space<vmem>> -> memref<8x64xf32, #tpu.memory_space<vmem>>
      %dma_wait3A_462 = arith.constant 0 : i32
      %dma_wait3A_463 = arith.constant 0 : i32
      %dma_wait3A_464 = tpu.memref_slice %arg5[%dma_wait3A_462, %dma_wait3A_463] : memref<100000x64xf32, #tpu.memory_space<hbm>> -> memref<8x64xf32, #tpu.memory_space<hbm>>
      %dma_wait3A_465 = arith.constant 0 : i32
      %dma_wait3A_466 = arith.constant 0 : i32
      %dma_wait3A_467 = tpu.memref_slice %arg11[%dma_wait3A_457, %dma_wait3A_465, %dma_wait3A_466] : memref<4x8x64xf32, #tpu.memory_space<vmem>> -> memref<1x8x64xf32, #tpu.memory_space<vmem>>
      %dma_wait3A_468 = tpu.memref_squeeze %dma_wait3A_467 : memref<1x8x64xf32, #tpu.memory_space<vmem>> -> memref<8x64xf32, #tpu.memory_space<vmem>>
      %dma_wait3A_469 = arith.constant 0 : i32
      %dma_wait3A_470 = arith.constant 0 : i32
      %dma_wait3A_471 = tpu.memref_slice %arg5[%dma_wait3A_469, %dma_wait3A_470] : memref<100000x64xf32, #tpu.memory_space<hbm>> -> memref<8x64xf32, #tpu.memory_space<hbm>>
      tpu.wait_dma2 semaphore(%arg14 : memref<!tpu.dma_semaphore, #tpu.memory_space<semaphore_mem>>) src(%dma_wait3A_471 : memref<8x64xf32, #tpu.memory_space<hbm>>) dst(%dma_wait3A_468 : memref<8x64xf32, #tpu.memory_space<vmem>>)
      %shift_right_arithmetic3A_472 = arith.constant 2 : i32
      %shift_right_arithmetic3A_473 = arith.shrsi %mul3A_174, %shift_right_arithmetic3A_472 : i32
      %mul3A_474 = arith.constant 16 : i32
      %mul3A_475 = arith.muli %shift_right_arithmetic3A_473, %mul3A_474 : i32
      %get3A_476 = arith.index_cast %mul3A_475 : i32 to index
      %get3A_477 = tpu.vector_load %arg9[%get3A_476] {strides = array<i32>} : memref<512xf32, #tpu.memory_space<vmem>>, vector<16xf32>,
      %mul3A_478 = arith.constant 0 : i32
      %mul3A_479 = vector.broadcast %mul3A_478 : i32 to vector<16xi32>
      %mul3A_480 = arith.muli %iota3A, %mul3A_479 : vector<16xi32>
      %slice3A_481 = vector.extract_strided_slice %get3A_348 {offsets = [0], sizes = [1], strides = [1]} : vector<16xi32> to vector<1xi32>
      %squeeze3A_482 = vector.extract %slice3A_481[0] : i32 from vector<1xi32>
      %and3A = arith.constant 127 : i32
      %and3A_483 = arith.andi %squeeze3A_482, %and3A : i32
      %add3A_484 = vector.broadcast %and3A_483 : i32 to vector<16xi32>
      %add3A_485 = arith.addi %mul3A_480, %add3A_484 : vector<16xi32>
      %slice3A_486 = vector.extract_strided_slice %get3A_352 {offsets = [0], sizes = [1], strides = [1]} : vector<16xi32> to vector<1xi32>
      %squeeze3A_487 = vector.extract %slice3A_486[0] : i32 from vector<1xi32>
      %and3A_488 = arith.constant 7 : i32
      %and3A_489 = arith.andi %squeeze3A_487, %and3A_488 : i32
      %mul3A_490 = arith.constant 0 : i32
      %mul3A_491 = vector.broadcast %mul3A_490 : i32 to vector<16xi32>
      %mul3A_492 = arith.muli %iota3A, %mul3A_491 : vector<16xi32>
      %add3A_493 = arith.constant 0 : i32
      %add3A_494 = vector.broadcast %add3A_493 : i32 to vector<16xi32>
      %add3A_495 = arith.addi %mul3A_492, %add3A_494 : vector<16xi32>
      %add3A_496 = arith.constant 0 : i32
      %add3A_497 = vector.broadcast %add3A_496 : i32 to vector<16xi32>
      %add3A_498 = arith.addi %iota3A, %add3A_497 : vector<16xi32>
      %gather3A = tpu.vector_load_idx %arg10[%add3A_495, %add3A_498, %add3A_485] : memref<4x64x128xf32, #tpu.memory_space<vmem>>[vector<16xi32>, vector<16xi32>, vector<16xi32>], vector<16xf32>,
      %get3A_499 = arith.constant 0 : i32
      %get3A_500 = arith.index_cast %get3A_499 : i32 to index
      %get3A_501 = arith.index_cast %and3A_489 : i32 to index
      %get3A_502 = arith.constant 0 : index
      %get3A_503 = tpu.vector_load %arg11[%get3A_500, %get3A_501, %get3A_502] {strides = array<i32>} : memref<4x8x64xf32, #tpu.memory_space<vmem>>, vector<16xf32>,
      %mul3A_504 = arith.mulf %gather3A, %get3A_503 : vector<16xf32>
      %mul3A_505 = arith.constant 0 : i32
      %mul3A_506 = vector.broadcast %mul3A_505 : i32 to vector<16xi32>
      %mul3A_507 = arith.muli %iota3A, %mul3A_506 : vector<16xi32>
      %add3A_508 = arith.constant 0 : i32
      %add3A_509 = vector.broadcast %add3A_508 : i32 to vector<16xi32>
      %add3A_510 = arith.addi %mul3A_507, %add3A_509 : vector<16xi32>
      %add3A_511 = arith.constant 16 : i32
      %add3A_512 = vector.broadcast %add3A_511 : i32 to vector<16xi32>
      %add3A_513 = arith.addi %iota3A, %add3A_512 : vector<16xi32>
      %gather3A_514 = tpu.vector_load_idx %arg10[%add3A_510, %add3A_513, %add3A_485] : memref<4x64x128xf32, #tpu.memory_space<vmem>>[vector<16xi32>, vector<16xi32>, vector<16xi32>], vector<16xf32>,
      %get3A_515 = arith.constant 0 : i32
      %get3A_516 = arith.index_cast %get3A_515 : i32 to index
      %get3A_517 = arith.index_cast %and3A_489 : i32 to index
      %get3A_518 = arith.constant 16 : index
      %get3A_519 = tpu.vector_load %arg11[%get3A_516, %get3A_517, %get3A_518] {strides = array<i32>} : memref<4x8x64xf32, #tpu.memory_space<vmem>>, vector<16xf32>,
      %mul3A_520 = arith.mulf %gather3A_514, %get3A_519 : vector<16xf32>
      %add3A_521 = arith.addf %mul3A_504, %mul3A_520 : vector<16xf32>
      %mul3A_522 = arith.constant 0 : i32
      %mul3A_523 = vector.broadcast %mul3A_522 : i32 to vector<16xi32>
      %mul3A_524 = arith.muli %iota3A, %mul3A_523 : vector<16xi32>
      %add3A_525 = arith.constant 0 : i32
      %add3A_526 = vector.broadcast %add3A_525 : i32 to vector<16xi32>
      %add3A_527 = arith.addi %mul3A_524, %add3A_526 : vector<16xi32>
      %add3A_528 = arith.constant 32 : i32
      %add3A_529 = vector.broadcast %add3A_528 : i32 to vector<16xi32>
      %add3A_530 = arith.addi %iota3A, %add3A_529 : vector<16xi32>
      %gather3A_531 = tpu.vector_load_idx %arg10[%add3A_527, %add3A_530, %add3A_485] : memref<4x64x128xf32, #tpu.memory_space<vmem>>[vector<16xi32>, vector<16xi32>, vector<16xi32>], vector<16xf32>,
      %get3A_532 = arith.constant 0 : i32
      %get3A_533 = arith.index_cast %get3A_532 : i32 to index
      %get3A_534 = arith.index_cast %and3A_489 : i32 to index
      %get3A_535 = arith.constant 32 : index
      %get3A_536 = tpu.vector_load %arg11[%get3A_533, %get3A_534, %get3A_535] {strides = array<i32>} : memref<4x8x64xf32, #tpu.memory_space<vmem>>, vector<16xf32>,
      %mul3A_537 = arith.mulf %gather3A_531, %get3A_536 : vector<16xf32>
      %add3A_538 = arith.addf %add3A_521, %mul3A_537 : vector<16xf32>
      %mul3A_539 = arith.constant 0 : i32
      %mul3A_540 = vector.broadcast %mul3A_539 : i32 to vector<16xi32>
      %mul3A_541 = arith.muli %iota3A, %mul3A_540 : vector<16xi32>
      %add3A_542 = arith.constant 0 : i32
      %add3A_543 = vector.broadcast %add3A_542 : i32 to vector<16xi32>
      %add3A_544 = arith.addi %mul3A_541, %add3A_543 : vector<16xi32>
      %add3A_545 = arith.constant 48 : i32
      %add3A_546 = vector.broadcast %add3A_545 : i32 to vector<16xi32>
      %add3A_547 = arith.addi %iota3A, %add3A_546 : vector<16xi32>
      %gather3A_548 = tpu.vector_load_idx %arg10[%add3A_544, %add3A_547, %add3A_485] : memref<4x64x128xf32, #tpu.memory_space<vmem>>[vector<16xi32>, vector<16xi32>, vector<16xi32>], vector<16xf32>,
      %get3A_549 = arith.constant 0 : i32
      %get3A_550 = arith.index_cast %get3A_549 : i32 to index
      %get3A_551 = arith.index_cast %and3A_489 : i32 to index
      %get3A_552 = arith.constant 48 : index
      %get3A_553 = tpu.vector_load %arg11[%get3A_550, %get3A_551, %get3A_552] {strides = array<i32>} : memref<4x8x64xf32, #tpu.memory_space<vmem>>, vector<16xf32>,
      %mul3A_554 = arith.mulf %gather3A_548, %get3A_553 : vector<16xf32>
      %add3A_555 = arith.addf %add3A_538, %mul3A_554 : vector<16xf32>
      %and3A_556 = arith.constant 3 : i32
      %and3A_557 = arith.andi %mul3A_174, %and3A_556 : i32
      %mul3A_558 = arith.constant 4 : i32
      %mul3A_559 = arith.muli %and3A_557, %mul3A_558 : i32
      %add3A_560 = arith.constant 0 : i32
      %add3A_561 = arith.addi %mul3A_559, %add3A_560 : i32
      %eq3A = vector.broadcast %add3A_561 : i32 to vector<16xi32>
      %eq3A_562 = arith.cmpi eq, %iota3A, %eq3A : vector<16xi32>
      %reduce_sum3A = arith.constant true
      %reduce_sum3A_563 = vector.broadcast %reduce_sum3A : i1 to vector<16xi1>
      %reduce_sum3A_564 = tpu.scan <sum>, %add3A_555 masked %reduce_sum3A_563 : vector<16xf32>, vector<16xi1> -> vector<16xf32>
      %reduce_sum3A_565 = vector.extract %reduce_sum3A_564[15] : f32 from vector<16xf32>
      %jit3A = arith.constant 0.000000e+00 : f32
      %broadcast_in_dim3A = vector.broadcast %reduce_sum3A_565 : f32 to vector<16xf32>
      %broadcast_in_dim3A_566 = vector.broadcast %jit3A : f32 to vector<16xf32>
      %select_n3A = arith.select %eq3A_562, %broadcast_in_dim3A, %broadcast_in_dim3A_566 : vector<16xi1>, vector<16xf32>
      %add3A_567 = arith.addf %get3A_477, %select_n3A : vector<16xf32>
      %mul3A_568 = arith.constant 0 : i32
      %mul3A_569 = vector.broadcast %mul3A_568 : i32 to vector<16xi32>
      %mul3A_570 = arith.muli %iota3A, %mul3A_569 : vector<16xi32>
      %slice3A_571 = vector.extract_strided_slice %get3A_348 {offsets = [1], sizes = [1], strides = [1]} : vector<16xi32> to vector<1xi32>
      %squeeze3A_572 = vector.extract %slice3A_571[0] : i32 from vector<1xi32>
      %and3A_573 = arith.constant 127 : i32
      %and3A_574 = arith.andi %squeeze3A_572, %and3A_573 : i32
      %add3A_575 = vector.broadcast %and3A_574 : i32 to vector<16xi32>
      %add3A_576 = arith.addi %mul3A_570, %add3A_575 : vector<16xi32>
      %slice3A_577 = vector.extract_strided_slice %get3A_352 {offsets = [1], sizes = [1], strides = [1]} : vector<16xi32> to vector<1xi32>
      %squeeze3A_578 = vector.extract %slice3A_577[0] : i32 from vector<1xi32>
      %and3A_579 = arith.constant 7 : i32
      %and3A_580 = arith.andi %squeeze3A_578, %and3A_579 : i32
      %mul3A_581 = arith.constant 0 : i32
      %mul3A_582 = vector.broadcast %mul3A_581 : i32 to vector<16xi32>
      %mul3A_583 = arith.muli %iota3A, %mul3A_582 : vector<16xi32>
      %add3A_584 = arith.constant 1 : i32
      %add3A_585 = vector.broadcast %add3A_584 : i32 to vector<16xi32>
      %add3A_586 = arith.addi %mul3A_583, %add3A_585 : vector<16xi32>
      %add3A_587 = arith.constant 0 : i32
      %add3A_588 = vector.broadcast %add3A_587 : i32 to vector<16xi32>
      %add3A_589 = arith.addi %iota3A, %add3A_588 : vector<16xi32>
      %gather3A_590 = tpu.vector_load_idx %arg10[%add3A_586, %add3A_589, %add3A_576] : memref<4x64x128xf32, #tpu.memory_space<vmem>>[vector<16xi32>, vector<16xi32>, vector<16xi32>], vector<16xf32>,
      %get3A_591 = arith.constant 1 : i32
      %get3A_592 = arith.index_cast %get3A_591 : i32 to index
      %get3A_593 = arith.index_cast %and3A_580 : i32 to index
      %get3A_594 = arith.constant 0 : index
      %get3A_595 = tpu.vector_load %arg11[%get3A_592, %get3A_593, %get3A_594] {strides = array<i32>} : memref<4x8x64xf32, #tpu.memory_space<vmem>>, vector<16xf32>,
      %mul3A_596 = arith.mulf %gather3A_590, %get3A_595 : vector<16xf32>
      %mul3A_597 = arith.constant 0 : i32
      %mul3A_598 = vector.broadcast %mul3A_597 : i32 to vector<16xi32>
      %mul3A_599 = arith.muli %iota3A, %mul3A_598 : vector<16xi32>
      %add3A_600 = arith.constant 1 : i32
      %add3A_601 = vector.broadcast %add3A_600 : i32 to vector<16xi32>
      %add3A_602 = arith.addi %mul3A_599, %add3A_601 : vector<16xi32>
      %add3A_603 = arith.constant 16 : i32
      %add3A_604 = vector.broadcast %add3A_603 : i32 to vector<16xi32>
      %add3A_605 = arith.addi %iota3A, %add3A_604 : vector<16xi32>
      %gather3A_606 = tpu.vector_load_idx %arg10[%add3A_602, %add3A_605, %add3A_576] : memref<4x64x128xf32, #tpu.memory_space<vmem>>[vector<16xi32>, vector<16xi32>, vector<16xi32>], vector<16xf32>,
      %get3A_607 = arith.constant 1 : i32
      %get3A_608 = arith.index_cast %get3A_607 : i32 to index
      %get3A_609 = arith.index_cast %and3A_580 : i32 to index
      %get3A_610 = arith.constant 16 : index
      %get3A_611 = tpu.vector_load %arg11[%get3A_608, %get3A_609, %get3A_610] {strides = array<i32>} : memref<4x8x64xf32, #tpu.memory_space<vmem>>, vector<16xf32>,
      %mul3A_612 = arith.mulf %gather3A_606, %get3A_611 : vector<16xf32>
      %add3A_613 = arith.addf %mul3A_596, %mul3A_612 : vector<16xf32>
      %mul3A_614 = arith.constant 0 : i32
      %mul3A_615 = vector.broadcast %mul3A_614 : i32 to vector<16xi32>
      %mul3A_616 = arith.muli %iota3A, %mul3A_615 : vector<16xi32>
      %add3A_617 = arith.constant 1 : i32
      %add3A_618 = vector.broadcast %add3A_617 : i32 to vector<16xi32>
      %add3A_619 = arith.addi %mul3A_616, %add3A_618 : vector<16xi32>
      %add3A_620 = arith.constant 32 : i32
      %add3A_621 = vector.broadcast %add3A_620 : i32 to vector<16xi32>
      %add3A_622 = arith.addi %iota3A, %add3A_621 : vector<16xi32>
      %gather3A_623 = tpu.vector_load_idx %arg10[%add3A_619, %add3A_622, %add3A_576] : memref<4x64x128xf32, #tpu.memory_space<vmem>>[vector<16xi32>, vector<16xi32>, vector<16xi32>], vector<16xf32>,
      %get3A_624 = arith.constant 1 : i32
      %get3A_625 = arith.index_cast %get3A_624 : i32 to index
      %get3A_626 = arith.index_cast %and3A_580 : i32 to index
      %get3A_627 = arith.constant 32 : index
      %get3A_628 = tpu.vector_load %arg11[%get3A_625, %get3A_626, %get3A_627] {strides = array<i32>} : memref<4x8x64xf32, #tpu.memory_space<vmem>>, vector<16xf32>,
      %mul3A_629 = arith.mulf %gather3A_623, %get3A_628 : vector<16xf32>
      %add3A_630 = arith.addf %add3A_613, %mul3A_629 : vector<16xf32>
      %mul3A_631 = arith.constant 0 : i32
      %mul3A_632 = vector.broadcast %mul3A_631 : i32 to vector<16xi32>
      %mul3A_633 = arith.muli %iota3A, %mul3A_632 : vector<16xi32>
      %add3A_634 = arith.constant 1 : i32
      %add3A_635 = vector.broadcast %add3A_634 : i32 to vector<16xi32>
      %add3A_636 = arith.addi %mul3A_633, %add3A_635 : vector<16xi32>
      %add3A_637 = arith.constant 48 : i32
      %add3A_638 = vector.broadcast %add3A_637 : i32 to vector<16xi32>
      %add3A_639 = arith.addi %iota3A, %add3A_638 : vector<16xi32>
      %gather3A_640 = tpu.vector_load_idx %arg10[%add3A_636, %add3A_639, %add3A_576] : memref<4x64x128xf32, #tpu.memory_space<vmem>>[vector<16xi32>, vector<16xi32>, vector<16xi32>], vector<16xf32>,
      %get3A_641 = arith.constant 1 : i32
      %get3A_642 = arith.index_cast %get3A_641 : i32 to index
      %get3A_643 = arith.index_cast %and3A_580 : i32 to index
      %get3A_644 = arith.constant 48 : index
      %get3A_645 = tpu.vector_load %arg11[%get3A_642, %get3A_643, %get3A_644] {strides = array<i32>} : memref<4x8x64xf32, #tpu.memory_space<vmem>>, vector<16xf32>,
      %mul3A_646 = arith.mulf %gather3A_640, %get3A_645 : vector<16xf32>
      %add3A_647 = arith.addf %add3A_630, %mul3A_646 : vector<16xf32>
      %and3A_648 = arith.constant 3 : i32
      %and3A_649 = arith.andi %mul3A_174, %and3A_648 : i32
      %mul3A_650 = arith.constant 4 : i32
      %mul3A_651 = arith.muli %and3A_649, %mul3A_650 : i32
      %add3A_652 = arith.constant 1 : i32
      %add3A_653 = arith.addi %mul3A_651, %add3A_652 : i32
      %eq3A_654 = vector.broadcast %add3A_653 : i32 to vector<16xi32>
      %eq3A_655 = arith.cmpi eq, %iota3A, %eq3A_654 : vector<16xi32>
      %reduce_sum3A_656 = arith.constant true
      %reduce_sum3A_657 = vector.broadcast %reduce_sum3A_656 : i1 to vector<16xi1>
      %reduce_sum3A_658 = tpu.scan <sum>, %add3A_647 masked %reduce_sum3A_657 : vector<16xf32>, vector<16xi1> -> vector<16xf32>
      %reduce_sum3A_659 = vector.extract %reduce_sum3A_658[15] : f32 from vector<16xf32>
      %jit3A_660 = arith.constant 0.000000e+00 : f32
      %broadcast_in_dim3A_661 = vector.broadcast %reduce_sum3A_659 : f32 to vector<16xf32>
      %broadcast_in_dim3A_662 = vector.broadcast %jit3A_660 : f32 to vector<16xf32>
      %select_n3A_663 = arith.select %eq3A_655, %broadcast_in_dim3A_661, %broadcast_in_dim3A_662 : vector<16xi1>, vector<16xf32>
      %add3A_664 = arith.addf %add3A_567, %select_n3A_663 : vector<16xf32>
      %mul3A_665 = arith.constant 0 : i32
      %mul3A_666 = vector.broadcast %mul3A_665 : i32 to vector<16xi32>
      %mul3A_667 = arith.muli %iota3A, %mul3A_666 : vector<16xi32>
      %slice3A_668 = vector.extract_strided_slice %get3A_348 {offsets = [2], sizes = [1], strides = [1]} : vector<16xi32> to vector<1xi32>
      %squeeze3A_669 = vector.extract %slice3A_668[0] : i32 from vector<1xi32>
      %and3A_670 = arith.constant 127 : i32
      %and3A_671 = arith.andi %squeeze3A_669, %and3A_670 : i32
      %add3A_672 = vector.broadcast %and3A_671 : i32 to vector<16xi32>
      %add3A_673 = arith.addi %mul3A_667, %add3A_672 : vector<16xi32>
      %slice3A_674 = vector.extract_strided_slice %get3A_352 {offsets = [2], sizes = [1], strides = [1]} : vector<16xi32> to vector<1xi32>
      %squeeze3A_675 = vector.extract %slice3A_674[0] : i32 from vector<1xi32>
      %and3A_676 = arith.constant 7 : i32
      %and3A_677 = arith.andi %squeeze3A_675, %and3A_676 : i32
      %mul3A_678 = arith.constant 0 : i32
      %mul3A_679 = vector.broadcast %mul3A_678 : i32 to vector<16xi32>
      %mul3A_680 = arith.muli %iota3A, %mul3A_679 : vector<16xi32>
      %add3A_681 = arith.constant 2 : i32
      %add3A_682 = vector.broadcast %add3A_681 : i32 to vector<16xi32>
      %add3A_683 = arith.addi %mul3A_680, %add3A_682 : vector<16xi32>
      %add3A_684 = arith.constant 0 : i32
      %add3A_685 = vector.broadcast %add3A_684 : i32 to vector<16xi32>
      %add3A_686 = arith.addi %iota3A, %add3A_685 : vector<16xi32>
      %gather3A_687 = tpu.vector_load_idx %arg10[%add3A_683, %add3A_686, %add3A_673] : memref<4x64x128xf32, #tpu.memory_space<vmem>>[vector<16xi32>, vector<16xi32>, vector<16xi32>], vector<16xf32>,
      %get3A_688 = arith.constant 2 : i32
      %get3A_689 = arith.index_cast %get3A_688 : i32 to index
      %get3A_690 = arith.index_cast %and3A_677 : i32 to index
      %get3A_691 = arith.constant 0 : index
      %get3A_692 = tpu.vector_load %arg11[%get3A_689, %get3A_690, %get3A_691] {strides = array<i32>} : memref<4x8x64xf32, #tpu.memory_space<vmem>>, vector<16xf32>,
      %mul3A_693 = arith.mulf %gather3A_687, %get3A_692 : vector<16xf32>
      %mul3A_694 = arith.constant 0 : i32
      %mul3A_695 = vector.broadcast %mul3A_694 : i32 to vector<16xi32>
      %mul3A_696 = arith.muli %iota3A, %mul3A_695 : vector<16xi32>
      %add3A_697 = arith.constant 2 : i32
      %add3A_698 = vector.broadcast %add3A_697 : i32 to vector<16xi32>
      %add3A_699 = arith.addi %mul3A_696, %add3A_698 : vector<16xi32>
      %add3A_700 = arith.constant 16 : i32
      %add3A_701 = vector.broadcast %add3A_700 : i32 to vector<16xi32>
      %add3A_702 = arith.addi %iota3A, %add3A_701 : vector<16xi32>
      %gather3A_703 = tpu.vector_load_idx %arg10[%add3A_699, %add3A_702, %add3A_673] : memref<4x64x128xf32, #tpu.memory_space<vmem>>[vector<16xi32>, vector<16xi32>, vector<16xi32>], vector<16xf32>,
      %get3A_704 = arith.constant 2 : i32
      %get3A_705 = arith.index_cast %get3A_704 : i32 to index
      %get3A_706 = arith.index_cast %and3A_677 : i32 to index
      %get3A_707 = arith.constant 16 : index
      %get3A_708 = tpu.vector_load %arg11[%get3A_705, %get3A_706, %get3A_707] {strides = array<i32>} : memref<4x8x64xf32, #tpu.memory_space<vmem>>, vector<16xf32>,
      %mul3A_709 = arith.mulf %gather3A_703, %get3A_708 : vector<16xf32>
      %add3A_710 = arith.addf %mul3A_693, %mul3A_709 : vector<16xf32>
      %mul3A_711 = arith.constant 0 : i32
      %mul3A_712 = vector.broadcast %mul3A_711 : i32 to vector<16xi32>
      %mul3A_713 = arith.muli %iota3A, %mul3A_712 : vector<16xi32>
      %add3A_714 = arith.constant 2 : i32
      %add3A_715 = vector.broadcast %add3A_714 : i32 to vector<16xi32>
      %add3A_716 = arith.addi %mul3A_713, %add3A_715 : vector<16xi32>
      %add3A_717 = arith.constant 32 : i32
      %add3A_718 = vector.broadcast %add3A_717 : i32 to vector<16xi32>
      %add3A_719 = arith.addi %iota3A, %add3A_718 : vector<16xi32>
      %gather3A_720 = tpu.vector_load_idx %arg10[%add3A_716, %add3A_719, %add3A_673] : memref<4x64x128xf32, #tpu.memory_space<vmem>>[vector<16xi32>, vector<16xi32>, vector<16xi32>], vector<16xf32>,
      %get3A_721 = arith.constant 2 : i32
      %get3A_722 = arith.index_cast %get3A_721 : i32 to index
      %get3A_723 = arith.index_cast %and3A_677 : i32 to index
      %get3A_724 = arith.constant 32 : index
      %get3A_725 = tpu.vector_load %arg11[%get3A_722, %get3A_723, %get3A_724] {strides = array<i32>} : memref<4x8x64xf32, #tpu.memory_space<vmem>>, vector<16xf32>,
      %mul3A_726 = arith.mulf %gather3A_720, %get3A_725 : vector<16xf32>
      %add3A_727 = arith.addf %add3A_710, %mul3A_726 : vector<16xf32>
      %mul3A_728 = arith.constant 0 : i32
      %mul3A_729 = vector.broadcast %mul3A_728 : i32 to vector<16xi32>
      %mul3A_730 = arith.muli %iota3A, %mul3A_729 : vector<16xi32>
      %add3A_731 = arith.constant 2 : i32
      %add3A_732 = vector.broadcast %add3A_731 : i32 to vector<16xi32>
      %add3A_733 = arith.addi %mul3A_730, %add3A_732 : vector<16xi32>
      %add3A_734 = arith.constant 48 : i32
      %add3A_735 = vector.broadcast %add3A_734 : i32 to vector<16xi32>
      %add3A_736 = arith.addi %iota3A, %add3A_735 : vector<16xi32>
      %gather3A_737 = tpu.vector_load_idx %arg10[%add3A_733, %add3A_736, %add3A_673] : memref<4x64x128xf32, #tpu.memory_space<vmem>>[vector<16xi32>, vector<16xi32>, vector<16xi32>], vector<16xf32>,
      %get3A_738 = arith.constant 2 : i32
      %get3A_739 = arith.index_cast %get3A_738 : i32 to index
      %get3A_740 = arith.index_cast %and3A_677 : i32 to index
      %get3A_741 = arith.constant 48 : index
      %get3A_742 = tpu.vector_load %arg11[%get3A_739, %get3A_740, %get3A_741] {strides = array<i32>} : memref<4x8x64xf32, #tpu.memory_space<vmem>>, vector<16xf32>,
      %mul3A_743 = arith.mulf %gather3A_737, %get3A_742 : vector<16xf32>
      %add3A_744 = arith.addf %add3A_727, %mul3A_743 : vector<16xf32>
      %and3A_745 = arith.constant 3 : i32
      %and3A_746 = arith.andi %mul3A_174, %and3A_745 : i32
      %mul3A_747 = arith.constant 4 : i32
      %mul3A_748 = arith.muli %and3A_746, %mul3A_747 : i32
      %add3A_749 = arith.constant 2 : i32
      %add3A_750 = arith.addi %mul3A_748, %add3A_749 : i32
      %eq3A_751 = vector.broadcast %add3A_750 : i32 to vector<16xi32>
      %eq3A_752 = arith.cmpi eq, %iota3A, %eq3A_751 : vector<16xi32>
      %reduce_sum3A_753 = arith.constant true
      %reduce_sum3A_754 = vector.broadcast %reduce_sum3A_753 : i1 to vector<16xi1>
      %reduce_sum3A_755 = tpu.scan <sum>, %add3A_744 masked %reduce_sum3A_754 : vector<16xf32>, vector<16xi1> -> vector<16xf32>
      %reduce_sum3A_756 = vector.extract %reduce_sum3A_755[15] : f32 from vector<16xf32>
      %jit3A_757 = arith.constant 0.000000e+00 : f32
      %broadcast_in_dim3A_758 = vector.broadcast %reduce_sum3A_756 : f32 to vector<16xf32>
      %broadcast_in_dim3A_759 = vector.broadcast %jit3A_757 : f32 to vector<16xf32>
      %select_n3A_760 = arith.select %eq3A_752, %broadcast_in_dim3A_758, %broadcast_in_dim3A_759 : vector<16xi1>, vector<16xf32>
      %add3A_761 = arith.addf %add3A_664, %select_n3A_760 : vector<16xf32>
      %mul3A_762 = arith.constant 0 : i32
      %mul3A_763 = vector.broadcast %mul3A_762 : i32 to vector<16xi32>
      %mul3A_764 = arith.muli %iota3A, %mul3A_763 : vector<16xi32>
      %slice3A_765 = vector.extract_strided_slice %get3A_348 {offsets = [3], sizes = [1], strides = [1]} : vector<16xi32> to vector<1xi32>
      %squeeze3A_766 = vector.extract %slice3A_765[0] : i32 from vector<1xi32>
      %and3A_767 = arith.constant 127 : i32
      %and3A_768 = arith.andi %squeeze3A_766, %and3A_767 : i32
      %add3A_769 = vector.broadcast %and3A_768 : i32 to vector<16xi32>
      %add3A_770 = arith.addi %mul3A_764, %add3A_769 : vector<16xi32>
      %slice3A_771 = vector.extract_strided_slice %get3A_352 {offsets = [3], sizes = [1], strides = [1]} : vector<16xi32> to vector<1xi32>
      %squeeze3A_772 = vector.extract %slice3A_771[0] : i32 from vector<1xi32>
      %and3A_773 = arith.constant 7 : i32
      %and3A_774 = arith.andi %squeeze3A_772, %and3A_773 : i32
      %mul3A_775 = arith.constant 0 : i32
      %mul3A_776 = vector.broadcast %mul3A_775 : i32 to vector<16xi32>
      %mul3A_777 = arith.muli %iota3A, %mul3A_776 : vector<16xi32>
      %add3A_778 = arith.constant 3 : i32
      %add3A_779 = vector.broadcast %add3A_778 : i32 to vector<16xi32>
      %add3A_780 = arith.addi %mul3A_777, %add3A_779 : vector<16xi32>
      %add3A_781 = arith.constant 0 : i32
      %add3A_782 = vector.broadcast %add3A_781 : i32 to vector<16xi32>
      %add3A_783 = arith.addi %iota3A, %add3A_782 : vector<16xi32>
      %gather3A_784 = tpu.vector_load_idx %arg10[%add3A_780, %add3A_783, %add3A_770] : memref<4x64x128xf32, #tpu.memory_space<vmem>>[vector<16xi32>, vector<16xi32>, vector<16xi32>], vector<16xf32>,
      %get3A_785 = arith.constant 3 : i32
      %get3A_786 = arith.index_cast %get3A_785 : i32 to index
      %get3A_787 = arith.index_cast %and3A_774 : i32 to index
      %get3A_788 = arith.constant 0 : index
      %get3A_789 = tpu.vector_load %arg11[%get3A_786, %get3A_787, %get3A_788] {strides = array<i32>} : memref<4x8x64xf32, #tpu.memory_space<vmem>>, vector<16xf32>,
      %mul3A_790 = arith.mulf %gather3A_784, %get3A_789 : vector<16xf32>
      %mul3A_791 = arith.constant 0 : i32
      %mul3A_792 = vector.broadcast %mul3A_791 : i32 to vector<16xi32>
      %mul3A_793 = arith.muli %iota3A, %mul3A_792 : vector<16xi32>
      %add3A_794 = arith.constant 3 : i32
      %add3A_795 = vector.broadcast %add3A_794 : i32 to vector<16xi32>
      %add3A_796 = arith.addi %mul3A_793, %add3A_795 : vector<16xi32>
      %add3A_797 = arith.constant 16 : i32
      %add3A_798 = vector.broadcast %add3A_797 : i32 to vector<16xi32>
      %add3A_799 = arith.addi %iota3A, %add3A_798 : vector<16xi32>
      %gather3A_800 = tpu.vector_load_idx %arg10[%add3A_796, %add3A_799, %add3A_770] : memref<4x64x128xf32, #tpu.memory_space<vmem>>[vector<16xi32>, vector<16xi32>, vector<16xi32>], vector<16xf32>,
      %get3A_801 = arith.constant 3 : i32
      %get3A_802 = arith.index_cast %get3A_801 : i32 to index
      %get3A_803 = arith.index_cast %and3A_774 : i32 to index
      %get3A_804 = arith.constant 16 : index
      %get3A_805 = tpu.vector_load %arg11[%get3A_802, %get3A_803, %get3A_804] {strides = array<i32>} : memref<4x8x64xf32, #tpu.memory_space<vmem>>, vector<16xf32>,
      %mul3A_806 = arith.mulf %gather3A_800, %get3A_805 : vector<16xf32>
      %add3A_807 = arith.addf %mul3A_790, %mul3A_806 : vector<16xf32>
      %mul3A_808 = arith.constant 0 : i32
      %mul3A_809 = vector.broadcast %mul3A_808 : i32 to vector<16xi32>
      %mul3A_810 = arith.muli %iota3A, %mul3A_809 : vector<16xi32>
      %add3A_811 = arith.constant 3 : i32
      %add3A_812 = vector.broadcast %add3A_811 : i32 to vector<16xi32>
      %add3A_813 = arith.addi %mul3A_810, %add3A_812 : vector<16xi32>
      %add3A_814 = arith.constant 32 : i32
      %add3A_815 = vector.broadcast %add3A_814 : i32 to vector<16xi32>
      %add3A_816 = arith.addi %iota3A, %add3A_815 : vector<16xi32>
      %gather3A_817 = tpu.vector_load_idx %arg10[%add3A_813, %add3A_816, %add3A_770] : memref<4x64x128xf32, #tpu.memory_space<vmem>>[vector<16xi32>, vector<16xi32>, vector<16xi32>], vector<16xf32>,
      %get3A_818 = arith.constant 3 : i32
      %get3A_819 = arith.index_cast %get3A_818 : i32 to index
      %get3A_820 = arith.index_cast %and3A_774 : i32 to index
      %get3A_821 = arith.constant 32 : index
      %get3A_822 = tpu.vector_load %arg11[%get3A_819, %get3A_820, %get3A_821] {strides = array<i32>} : memref<4x8x64xf32, #tpu.memory_space<vmem>>, vector<16xf32>,
      %mul3A_823 = arith.mulf %gather3A_817, %get3A_822 : vector<16xf32>
      %add3A_824 = arith.addf %add3A_807, %mul3A_823 : vector<16xf32>
      %mul3A_825 = arith.constant 0 : i32
      %mul3A_826 = vector.broadcast %mul3A_825 : i32 to vector<16xi32>
      %mul3A_827 = arith.muli %iota3A, %mul3A_826 : vector<16xi32>
      %add3A_828 = arith.constant 3 : i32
      %add3A_829 = vector.broadcast %add3A_828 : i32 to vector<16xi32>
      %add3A_830 = arith.addi %mul3A_827, %add3A_829 : vector<16xi32>
      %add3A_831 = arith.constant 48 : i32
      %add3A_832 = vector.broadcast %add3A_831 : i32 to vector<16xi32>
      %add3A_833 = arith.addi %iota3A, %add3A_832 : vector<16xi32>
      %gather3A_834 = tpu.vector_load_idx %arg10[%add3A_830, %add3A_833, %add3A_770] : memref<4x64x128xf32, #tpu.memory_space<vmem>>[vector<16xi32>, vector<16xi32>, vector<16xi32>], vector<16xf32>,
      %get3A_835 = arith.constant 3 : i32
      %get3A_836 = arith.index_cast %get3A_835 : i32 to index
      %get3A_837 = arith.index_cast %and3A_774 : i32 to index
      %get3A_838 = arith.constant 48 : index
      %get3A_839 = tpu.vector_load %arg11[%get3A_836, %get3A_837, %get3A_838] {strides = array<i32>} : memref<4x8x64xf32, #tpu.memory_space<vmem>>, vector<16xf32>,
      %mul3A_840 = arith.mulf %gather3A_834, %get3A_839 : vector<16xf32>
      %add3A_841 = arith.addf %add3A_824, %mul3A_840 : vector<16xf32>
      %and3A_842 = arith.constant 3 : i32
      %and3A_843 = arith.andi %mul3A_174, %and3A_842 : i32
      %mul3A_844 = arith.constant 4 : i32
      %mul3A_845 = arith.muli %and3A_843, %mul3A_844 : i32
      %add3A_846 = arith.constant 3 : i32
      %add3A_847 = arith.addi %mul3A_845, %add3A_846 : i32
      %eq3A_848 = vector.broadcast %add3A_847 : i32 to vector<16xi32>
      %eq3A_849 = arith.cmpi eq, %iota3A, %eq3A_848 : vector<16xi32>
      %reduce_sum3A_850 = arith.constant true
      %reduce_sum3A_851 = vector.broadcast %reduce_sum3A_850 : i1 to vector<16xi1>
      %reduce_sum3A_852 = tpu.scan <sum>, %add3A_841 masked %reduce_sum3A_851 : vector<16xf32>, vector<16xi1> -> vector<16xf32>
      %reduce_sum3A_853 = vector.extract %reduce_sum3A_852[15] : f32 from vector<16xf32>
      %jit3A_854 = arith.constant 0.000000e+00 : f32
      %broadcast_in_dim3A_855 = vector.broadcast %reduce_sum3A_853 : f32 to vector<16xf32>
      %broadcast_in_dim3A_856 = vector.broadcast %jit3A_854 : f32 to vector<16xf32>
      %select_n3A_857 = arith.select %eq3A_849, %broadcast_in_dim3A_855, %broadcast_in_dim3A_856 : vector<16xi1>, vector<16xf32>
      %add3A_858 = arith.addf %add3A_761, %select_n3A_857 : vector<16xf32>
      %swap3A = arith.index_cast %mul3A_475 : i32 to index
      %swap3A_859 = tpu.vector_load %arg9[%swap3A] {strides = array<i32>} : memref<512xf32, #tpu.memory_space<vmem>>, vector<16xf32>,
      tpu.vector_store %arg9[%swap3A], %add3A_858 {strides = array<i32>} : memref<512xf32, #tpu.memory_space<vmem>>, vector<16xf32>,
      %lt3A = arith.constant 63 : i32
      %lt3A_860 = arith.cmpi slt, %scan3A_172, %lt3A : i32
      %convert_element_type3A = arith.extui %lt3A_860 : i1 to i32
      %cond3A = arith.constant 0 : i32
      %cond3A_861 = arith.cmpi ne, %convert_element_type3A, %cond3A : i32
      scf.if %cond3A_861 {
        %add3A_1380 = arith.constant 2 : i32
        %add3A_1381 = arith.addi %mul3A_174, %add3A_1380 : i32
        %mul3A_1382 = arith.constant 4 : i32
        %mul3A_1383 = arith.muli %add3A_1381, %mul3A_1382 : i32
        %get3A_1384 = arith.index_cast %mul3A_1383 : i32 to index
        %get3A_1385 = tpu.vector_load %arg7[%get3A_1384] {strides = array<i32>} : memref<528xi32, #tpu.memory_space<vmem>>, vector<16xi32>,
        %mul3A_1386 = arith.constant 4 : i32
        %mul3A_1387 = arith.muli %add3A_1381, %mul3A_1386 : i32
        %get3A_1388 = arith.index_cast %mul3A_1387 : i32 to index
        %get3A_1389 = tpu.vector_load %arg8[%get3A_1388] {strides = array<i32>} : memref<528xi32, #tpu.memory_space<vmem>>, vector<16xi32>,
        %slice3A_1390 = vector.extract_strided_slice %get3A_1385 {offsets = [0], sizes = [1], strides = [1]} : vector<16xi32> to vector<1xi32>
        %squeeze3A_1391 = vector.extract %slice3A_1390[0] : i32 from vector<1xi32>
        %shift_right_arithmetic3A_1392 = arith.constant 7 : i32
        %shift_right_arithmetic3A_1393 = arith.shrsi %squeeze3A_1391, %shift_right_arithmetic3A_1392 : i32
        %mul3A_1394 = arith.constant 128 : i32
        %mul3A_1395 = arith.muli %shift_right_arithmetic3A_1393, %mul3A_1394 : i32
        %multiple_of3A_1396 = tpu.assume_multiple %mul3A_1395, 128 : i32
        %slice3A_1397 = vector.extract_strided_slice %get3A_1389 {offsets = [0], sizes = [1], strides = [1]} : vector<16xi32> to vector<1xi32>
        %squeeze3A_1398 = vector.extract %slice3A_1397[0] : i32 from vector<1xi32>
        %shift_right_arithmetic3A_1399 = arith.constant 3 : i32
        %shift_right_arithmetic3A_1400 = arith.shrsi %squeeze3A_1398, %shift_right_arithmetic3A_1399 : i32
        %mul3A_1401 = arith.constant 8 : i32
        %mul3A_1402 = arith.muli %shift_right_arithmetic3A_1400, %mul3A_1401 : i32
        %multiple_of3A_1403 = tpu.assume_multiple %mul3A_1402, 8 : i32
        %dma_start3A_1404 = arith.constant 0 : i32
        %dma_start3A_1405 = arith.constant 0 : i32
        %dma_start3A_1406 = arith.constant 0 : i32
        %dma_start3A_1407 = tpu.memref_slice %arg10[%dma_start3A_1404, %dma_start3A_1405, %dma_start3A_1406] : memref<4x64x128xf32, #tpu.memory_space<vmem>> -> memref<1x64x128xf32, #tpu.memory_space<vmem>>
        %dma_start3A_1408 = tpu.memref_squeeze %dma_start3A_1407 : memref<1x64x128xf32, #tpu.memory_space<vmem>> -> memref<64x128xf32, #tpu.memory_space<vmem>>
        %dma_start3A_1409 = arith.constant 0 : i32
        %dma_start3A_1410 = tpu.memref_slice %arg4[%dma_start3A_1409, %multiple_of3A_1396] : memref<64x1000000xf32, #tpu.memory_space<hbm>> -> memref<64x128xf32, #tpu.memory_space<hbm>>
        %dma_start3A_1411 = arith.constant 0 : i32
        %dma_start3A_1412 = arith.constant 0 : i32
        %dma_start3A_1413 = tpu.memref_slice %arg10[%dma_start3A_1404, %dma_start3A_1411, %dma_start3A_1412] : memref<4x64x128xf32, #tpu.memory_space<vmem>> -> memref<1x64x128xf32, #tpu.memory_space<vmem>>
        %dma_start3A_1414 = tpu.memref_squeeze %dma_start3A_1413 : memref<1x64x128xf32, #tpu.memory_space<vmem>> -> memref<64x128xf32, #tpu.memory_space<vmem>>
        %dma_start3A_1415 = arith.constant 0 : i32
        %dma_start3A_1416 = tpu.memref_slice %arg4[%dma_start3A_1415, %multiple_of3A_1396] : memref<64x1000000xf32, #tpu.memory_space<hbm>> -> memref<64x128xf32, #tpu.memory_space<hbm>>
        tpu.enqueue_dma source(%dma_start3A_1416 : memref<64x128xf32, #tpu.memory_space<hbm>>) target(%dma_start3A_1414 : memref<64x128xf32, #tpu.memory_space<vmem>>) target_semaphore(%arg14 : memref<!tpu.dma_semaphore, #tpu.memory_space<semaphore_mem>>)
        %dma_start3A_1417 = arith.constant 0 : i32
        %dma_start3A_1418 = arith.constant 0 : i32
        %dma_start3A_1419 = arith.constant 0 : i32
        %dma_start3A_1420 = tpu.memref_slice %arg11[%dma_start3A_1417, %dma_start3A_1418, %dma_start3A_1419] : memref<4x8x64xf32, #tpu.memory_space<vmem>> -> memref<1x8x64xf32, #tpu.memory_space<vmem>>
        %dma_start3A_1421 = tpu.memref_squeeze %dma_start3A_1420 : memref<1x8x64xf32, #tpu.memory_space<vmem>> -> memref<8x64xf32, #tpu.memory_space<vmem>>
        %dma_start3A_1422 = arith.constant 0 : i32
        %dma_start3A_1423 = tpu.memref_slice %arg5[%multiple_of3A_1403, %dma_start3A_1422] : memref<100000x64xf32, #tpu.memory_space<hbm>> -> memref<8x64xf32, #tpu.memory_space<hbm>>
        %dma_start3A_1424 = arith.constant 0 : i32
        %dma_start3A_1425 = arith.constant 0 : i32
        %dma_start3A_1426 = tpu.memref_slice %arg11[%dma_start3A_1417, %dma_start3A_1424, %dma_start3A_1425] : memref<4x8x64xf32, #tpu.memory_space<vmem>> -> memref<1x8x64xf32, #tpu.memory_space<vmem>>
        %dma_start3A_1427 = tpu.memref_squeeze %dma_start3A_1426 : memref<1x8x64xf32, #tpu.memory_space<vmem>> -> memref<8x64xf32, #tpu.memory_space<vmem>>
        %dma_start3A_1428 = arith.constant 0 : i32
        %dma_start3A_1429 = tpu.memref_slice %arg5[%multiple_of3A_1403, %dma_start3A_1428] : memref<100000x64xf32, #tpu.memory_space<hbm>> -> memref<8x64xf32, #tpu.memory_space<hbm>>
        tpu.enqueue_dma source(%dma_start3A_1429 : memref<8x64xf32, #tpu.memory_space<hbm>>) target(%dma_start3A_1427 : memref<8x64xf32, #tpu.memory_space<vmem>>) target_semaphore(%arg14 : memref<!tpu.dma_semaphore, #tpu.memory_space<semaphore_mem>>)
        %slice3A_1430 = vector.extract_strided_slice %get3A_1385 {offsets = [1], sizes = [1], strides = [1]} : vector<16xi32> to vector<1xi32>
        %squeeze3A_1431 = vector.extract %slice3A_1430[0] : i32 from vector<1xi32>
        %shift_right_arithmetic3A_1432 = arith.constant 7 : i32
        %shift_right_arithmetic3A_1433 = arith.shrsi %squeeze3A_1431, %shift_right_arithmetic3A_1432 : i32
        %mul3A_1434 = arith.constant 128 : i32
        %mul3A_1435 = arith.muli %shift_right_arithmetic3A_1433, %mul3A_1434 : i32
        %multiple_of3A_1436 = tpu.assume_multiple %mul3A_1435, 128 : i32
        %slice3A_1437 = vector.extract_strided_slice %get3A_1389 {offsets = [1], sizes = [1], strides = [1]} : vector<16xi32> to vector<1xi32>
        %squeeze3A_1438 = vector.extract %slice3A_1437[0] : i32 from vector<1xi32>
        %shift_right_arithmetic3A_1439 = arith.constant 3 : i32
        %shift_right_arithmetic3A_1440 = arith.shrsi %squeeze3A_1438, %shift_right_arithmetic3A_1439 : i32
        %mul3A_1441 = arith.constant 8 : i32
        %mul3A_1442 = arith.muli %shift_right_arithmetic3A_1440, %mul3A_1441 : i32
        %multiple_of3A_1443 = tpu.assume_multiple %mul3A_1442, 8 : i32
        %dma_start3A_1444 = arith.constant 1 : i32
        %dma_start3A_1445 = arith.constant 0 : i32
        %dma_start3A_1446 = arith.constant 0 : i32
        %dma_start3A_1447 = tpu.memref_slice %arg10[%dma_start3A_1444, %dma_start3A_1445, %dma_start3A_1446] : memref<4x64x128xf32, #tpu.memory_space<vmem>> -> memref<1x64x128xf32, #tpu.memory_space<vmem>>
        %dma_start3A_1448 = tpu.memref_squeeze %dma_start3A_1447 : memref<1x64x128xf32, #tpu.memory_space<vmem>> -> memref<64x128xf32, #tpu.memory_space<vmem>>
        %dma_start3A_1449 = arith.constant 0 : i32
        %dma_start3A_1450 = tpu.memref_slice %arg4[%dma_start3A_1449, %multiple_of3A_1436] : memref<64x1000000xf32, #tpu.memory_space<hbm>> -> memref<64x128xf32, #tpu.memory_space<hbm>>
        %dma_start3A_1451 = arith.constant 0 : i32
        %dma_start3A_1452 = arith.constant 0 : i32
        %dma_start3A_1453 = tpu.memref_slice %arg10[%dma_start3A_1444, %dma_start3A_1451, %dma_start3A_1452] : memref<4x64x128xf32, #tpu.memory_space<vmem>> -> memref<1x64x128xf32, #tpu.memory_space<vmem>>
        %dma_start3A_1454 = tpu.memref_squeeze %dma_start3A_1453 : memref<1x64x128xf32, #tpu.memory_space<vmem>> -> memref<64x128xf32, #tpu.memory_space<vmem>>
        %dma_start3A_1455 = arith.constant 0 : i32
        %dma_start3A_1456 = tpu.memref_slice %arg4[%dma_start3A_1455, %multiple_of3A_1436] : memref<64x1000000xf32, #tpu.memory_space<hbm>> -> memref<64x128xf32, #tpu.memory_space<hbm>>
        tpu.enqueue_dma source(%dma_start3A_1456 : memref<64x128xf32, #tpu.memory_space<hbm>>) target(%dma_start3A_1454 : memref<64x128xf32, #tpu.memory_space<vmem>>) target_semaphore(%arg14 : memref<!tpu.dma_semaphore, #tpu.memory_space<semaphore_mem>>)
        %dma_start3A_1457 = arith.constant 1 : i32
        %dma_start3A_1458 = arith.constant 0 : i32
        %dma_start3A_1459 = arith.constant 0 : i32
        %dma_start3A_1460 = tpu.memref_slice %arg11[%dma_start3A_1457, %dma_start3A_1458, %dma_start3A_1459] : memref<4x8x64xf32, #tpu.memory_space<vmem>> -> memref<1x8x64xf32, #tpu.memory_space<vmem>>
        %dma_start3A_1461 = tpu.memref_squeeze %dma_start3A_1460 : memref<1x8x64xf32, #tpu.memory_space<vmem>> -> memref<8x64xf32, #tpu.memory_space<vmem>>
        %dma_start3A_1462 = arith.constant 0 : i32
        %dma_start3A_1463 = tpu.memref_slice %arg5[%multiple_of3A_1443, %dma_start3A_1462] : memref<100000x64xf32, #tpu.memory_space<hbm>> -> memref<8x64xf32, #tpu.memory_space<hbm>>
        %dma_start3A_1464 = arith.constant 0 : i32
        %dma_start3A_1465 = arith.constant 0 : i32
        %dma_start3A_1466 = tpu.memref_slice %arg11[%dma_start3A_1457, %dma_start3A_1464, %dma_start3A_1465] : memref<4x8x64xf32, #tpu.memory_space<vmem>> -> memref<1x8x64xf32, #tpu.memory_space<vmem>>
        %dma_start3A_1467 = tpu.memref_squeeze %dma_start3A_1466 : memref<1x8x64xf32, #tpu.memory_space<vmem>> -> memref<8x64xf32, #tpu.memory_space<vmem>>
        %dma_start3A_1468 = arith.constant 0 : i32
        %dma_start3A_1469 = tpu.memref_slice %arg5[%multiple_of3A_1443, %dma_start3A_1468] : memref<100000x64xf32, #tpu.memory_space<hbm>> -> memref<8x64xf32, #tpu.memory_space<hbm>>
        tpu.enqueue_dma source(%dma_start3A_1469 : memref<8x64xf32, #tpu.memory_space<hbm>>) target(%dma_start3A_1467 : memref<8x64xf32, #tpu.memory_space<vmem>>) target_semaphore(%arg14 : memref<!tpu.dma_semaphore, #tpu.memory_space<semaphore_mem>>)
        %slice3A_1470 = vector.extract_strided_slice %get3A_1385 {offsets = [2], sizes = [1], strides = [1]} : vector<16xi32> to vector<1xi32>
        %squeeze3A_1471 = vector.extract %slice3A_1470[0] : i32 from vector<1xi32>
        %shift_right_arithmetic3A_1472 = arith.constant 7 : i32
        %shift_right_arithmetic3A_1473 = arith.shrsi %squeeze3A_1471, %shift_right_arithmetic3A_1472 : i32
        %mul3A_1474 = arith.constant 128 : i32
        %mul3A_1475 = arith.muli %shift_right_arithmetic3A_1473, %mul3A_1474 : i32
        %multiple_of3A_1476 = tpu.assume_multiple %mul3A_1475, 128 : i32
        %slice3A_1477 = vector.extract_strided_slice %get3A_1389 {offsets = [2], sizes = [1], strides = [1]} : vector<16xi32> to vector<1xi32>
        %squeeze3A_1478 = vector.extract %slice3A_1477[0] : i32 from vector<1xi32>
        %shift_right_arithmetic3A_1479 = arith.constant 3 : i32
        %shift_right_arithmetic3A_1480 = arith.shrsi %squeeze3A_1478, %shift_right_arithmetic3A_1479 : i32
        %mul3A_1481 = arith.constant 8 : i32
        %mul3A_1482 = arith.muli %shift_right_arithmetic3A_1480, %mul3A_1481 : i32
        %multiple_of3A_1483 = tpu.assume_multiple %mul3A_1482, 8 : i32
        %dma_start3A_1484 = arith.constant 2 : i32
        %dma_start3A_1485 = arith.constant 0 : i32
        %dma_start3A_1486 = arith.constant 0 : i32
        %dma_start3A_1487 = tpu.memref_slice %arg10[%dma_start3A_1484, %dma_start3A_1485, %dma_start3A_1486] : memref<4x64x128xf32, #tpu.memory_space<vmem>> -> memref<1x64x128xf32, #tpu.memory_space<vmem>>
        %dma_start3A_1488 = tpu.memref_squeeze %dma_start3A_1487 : memref<1x64x128xf32, #tpu.memory_space<vmem>> -> memref<64x128xf32, #tpu.memory_space<vmem>>
        %dma_start3A_1489 = arith.constant 0 : i32
        %dma_start3A_1490 = tpu.memref_slice %arg4[%dma_start3A_1489, %multiple_of3A_1476] : memref<64x1000000xf32, #tpu.memory_space<hbm>> -> memref<64x128xf32, #tpu.memory_space<hbm>>
        %dma_start3A_1491 = arith.constant 0 : i32
        %dma_start3A_1492 = arith.constant 0 : i32
        %dma_start3A_1493 = tpu.memref_slice %arg10[%dma_start3A_1484, %dma_start3A_1491, %dma_start3A_1492] : memref<4x64x128xf32, #tpu.memory_space<vmem>> -> memref<1x64x128xf32, #tpu.memory_space<vmem>>
        %dma_start3A_1494 = tpu.memref_squeeze %dma_start3A_1493 : memref<1x64x128xf32, #tpu.memory_space<vmem>> -> memref<64x128xf32, #tpu.memory_space<vmem>>
        %dma_start3A_1495 = arith.constant 0 : i32
        %dma_start3A_1496 = tpu.memref_slice %arg4[%dma_start3A_1495, %multiple_of3A_1476] : memref<64x1000000xf32, #tpu.memory_space<hbm>> -> memref<64x128xf32, #tpu.memory_space<hbm>>
        tpu.enqueue_dma source(%dma_start3A_1496 : memref<64x128xf32, #tpu.memory_space<hbm>>) target(%dma_start3A_1494 : memref<64x128xf32, #tpu.memory_space<vmem>>) target_semaphore(%arg14 : memref<!tpu.dma_semaphore, #tpu.memory_space<semaphore_mem>>)
        %dma_start3A_1497 = arith.constant 2 : i32
        %dma_start3A_1498 = arith.constant 0 : i32
        %dma_start3A_1499 = arith.constant 0 : i32
        %dma_start3A_1500 = tpu.memref_slice %arg11[%dma_start3A_1497, %dma_start3A_1498, %dma_start3A_1499] : memref<4x8x64xf32, #tpu.memory_space<vmem>> -> memref<1x8x64xf32, #tpu.memory_space<vmem>>
        %dma_start3A_1501 = tpu.memref_squeeze %dma_start3A_1500 : memref<1x8x64xf32, #tpu.memory_space<vmem>> -> memref<8x64xf32, #tpu.memory_space<vmem>>
        %dma_start3A_1502 = arith.constant 0 : i32
        %dma_start3A_1503 = tpu.memref_slice %arg5[%multiple_of3A_1483, %dma_start3A_1502] : memref<100000x64xf32, #tpu.memory_space<hbm>> -> memref<8x64xf32, #tpu.memory_space<hbm>>
        %dma_start3A_1504 = arith.constant 0 : i32
        %dma_start3A_1505 = arith.constant 0 : i32
        %dma_start3A_1506 = tpu.memref_slice %arg11[%dma_start3A_1497, %dma_start3A_1504, %dma_start3A_1505] : memref<4x8x64xf32, #tpu.memory_space<vmem>> -> memref<1x8x64xf32, #tpu.memory_space<vmem>>
        %dma_start3A_1507 = tpu.memref_squeeze %dma_start3A_1506 : memref<1x8x64xf32, #tpu.memory_space<vmem>> -> memref<8x64xf32, #tpu.memory_space<vmem>>
        %dma_start3A_1508 = arith.constant 0 : i32
        %dma_start3A_1509 = tpu.memref_slice %arg5[%multiple_of3A_1483, %dma_start3A_1508] : memref<100000x64xf32, #tpu.memory_space<hbm>> -> memref<8x64xf32, #tpu.memory_space<hbm>>
        tpu.enqueue_dma source(%dma_start3A_1509 : memref<8x64xf32, #tpu.memory_space<hbm>>) target(%dma_start3A_1507 : memref<8x64xf32, #tpu.memory_space<vmem>>) target_semaphore(%arg14 : memref<!tpu.dma_semaphore, #tpu.memory_space<semaphore_mem>>)
        %slice3A_1510 = vector.extract_strided_slice %get3A_1385 {offsets = [3], sizes = [1], strides = [1]} : vector<16xi32> to vector<1xi32>
        %squeeze3A_1511 = vector.extract %slice3A_1510[0] : i32 from vector<1xi32>
        %shift_right_arithmetic3A_1512 = arith.constant 7 : i32
        %shift_right_arithmetic3A_1513 = arith.shrsi %squeeze3A_1511, %shift_right_arithmetic3A_1512 : i32
        %mul3A_1514 = arith.constant 128 : i32
        %mul3A_1515 = arith.muli %shift_right_arithmetic3A_1513, %mul3A_1514 : i32
        %multiple_of3A_1516 = tpu.assume_multiple %mul3A_1515, 128 : i32
        %slice3A_1517 = vector.extract_strided_slice %get3A_1389 {offsets = [3], sizes = [1], strides = [1]} : vector<16xi32> to vector<1xi32>
        %squeeze3A_1518 = vector.extract %slice3A_1517[0] : i32 from vector<1xi32>
        %shift_right_arithmetic3A_1519 = arith.constant 3 : i32
        %shift_right_arithmetic3A_1520 = arith.shrsi %squeeze3A_1518, %shift_right_arithmetic3A_1519 : i32
        %mul3A_1521 = arith.constant 8 : i32
        %mul3A_1522 = arith.muli %shift_right_arithmetic3A_1520, %mul3A_1521 : i32
        %multiple_of3A_1523 = tpu.assume_multiple %mul3A_1522, 8 : i32
        %dma_start3A_1524 = arith.constant 3 : i32
        %dma_start3A_1525 = arith.constant 0 : i32
        %dma_start3A_1526 = arith.constant 0 : i32
        %dma_start3A_1527 = tpu.memref_slice %arg10[%dma_start3A_1524, %dma_start3A_1525, %dma_start3A_1526] : memref<4x64x128xf32, #tpu.memory_space<vmem>> -> memref<1x64x128xf32, #tpu.memory_space<vmem>>
        %dma_start3A_1528 = tpu.memref_squeeze %dma_start3A_1527 : memref<1x64x128xf32, #tpu.memory_space<vmem>> -> memref<64x128xf32, #tpu.memory_space<vmem>>
        %dma_start3A_1529 = arith.constant 0 : i32
        %dma_start3A_1530 = tpu.memref_slice %arg4[%dma_start3A_1529, %multiple_of3A_1516] : memref<64x1000000xf32, #tpu.memory_space<hbm>> -> memref<64x128xf32, #tpu.memory_space<hbm>>
        %dma_start3A_1531 = arith.constant 0 : i32
        %dma_start3A_1532 = arith.constant 0 : i32
        %dma_start3A_1533 = tpu.memref_slice %arg10[%dma_start3A_1524, %dma_start3A_1531, %dma_start3A_1532] : memref<4x64x128xf32, #tpu.memory_space<vmem>> -> memref<1x64x128xf32, #tpu.memory_space<vmem>>
        %dma_start3A_1534 = tpu.memref_squeeze %dma_start3A_1533 : memref<1x64x128xf32, #tpu.memory_space<vmem>> -> memref<64x128xf32, #tpu.memory_space<vmem>>
        %dma_start3A_1535 = arith.constant 0 : i32
        %dma_start3A_1536 = tpu.memref_slice %arg4[%dma_start3A_1535, %multiple_of3A_1516] : memref<64x1000000xf32, #tpu.memory_space<hbm>> -> memref<64x128xf32, #tpu.memory_space<hbm>>
        tpu.enqueue_dma source(%dma_start3A_1536 : memref<64x128xf32, #tpu.memory_space<hbm>>) target(%dma_start3A_1534 : memref<64x128xf32, #tpu.memory_space<vmem>>) target_semaphore(%arg14 : memref<!tpu.dma_semaphore, #tpu.memory_space<semaphore_mem>>)
        %dma_start3A_1537 = arith.constant 3 : i32
        %dma_start3A_1538 = arith.constant 0 : i32
        %dma_start3A_1539 = arith.constant 0 : i32
        %dma_start3A_1540 = tpu.memref_slice %arg11[%dma_start3A_1537, %dma_start3A_1538, %dma_start3A_1539] : memref<4x8x64xf32, #tpu.memory_space<vmem>> -> memref<1x8x64xf32, #tpu.memory_space<vmem>>
        %dma_start3A_1541 = tpu.memref_squeeze %dma_start3A_1540 : memref<1x8x64xf32, #tpu.memory_space<vmem>> -> memref<8x64xf32, #tpu.memory_space<vmem>>
        %dma_start3A_1542 = arith.constant 0 : i32
        %dma_start3A_1543 = tpu.memref_slice %arg5[%multiple_of3A_1523, %dma_start3A_1542] : memref<100000x64xf32, #tpu.memory_space<hbm>> -> memref<8x64xf32, #tpu.memory_space<hbm>>
        %dma_start3A_1544 = arith.constant 0 : i32
        %dma_start3A_1545 = arith.constant 0 : i32
        %dma_start3A_1546 = tpu.memref_slice %arg11[%dma_start3A_1537, %dma_start3A_1544, %dma_start3A_1545] : memref<4x8x64xf32, #tpu.memory_space<vmem>> -> memref<1x8x64xf32, #tpu.memory_space<vmem>>
        %dma_start3A_1547 = tpu.memref_squeeze %dma_start3A_1546 : memref<1x8x64xf32, #tpu.memory_space<vmem>> -> memref<8x64xf32, #tpu.memory_space<vmem>>
        %dma_start3A_1548 = arith.constant 0 : i32
        %dma_start3A_1549 = tpu.memref_slice %arg5[%multiple_of3A_1523, %dma_start3A_1548] : memref<100000x64xf32, #tpu.memory_space<hbm>> -> memref<8x64xf32, #tpu.memory_space<hbm>>
        tpu.enqueue_dma source(%dma_start3A_1549 : memref<8x64xf32, #tpu.memory_space<hbm>>) target(%dma_start3A_1547 : memref<8x64xf32, #tpu.memory_space<vmem>>) target_semaphore(%arg14 : memref<!tpu.dma_semaphore, #tpu.memory_space<semaphore_mem>>)
      } else {
      }
      %dma_wait3A_862 = arith.constant 0 : i32
      %dma_wait3A_863 = arith.constant 0 : i32
      %dma_wait3A_864 = arith.constant 0 : i32
      %dma_wait3A_865 = tpu.memref_slice %arg12[%dma_wait3A_862, %dma_wait3A_863, %dma_wait3A_864] : memref<4x64x128xf32, #tpu.memory_space<vmem>> -> memref<1x64x128xf32, #tpu.memory_space<vmem>>
      %dma_wait3A_866 = tpu.memref_squeeze %dma_wait3A_865 : memref<1x64x128xf32, #tpu.memory_space<vmem>> -> memref<64x128xf32, #tpu.memory_space<vmem>>
      %dma_wait3A_867 = arith.constant 0 : i32
      %dma_wait3A_868 = arith.constant 0 : i32
      %dma_wait3A_869 = tpu.memref_slice %arg4[%dma_wait3A_867, %dma_wait3A_868] : memref<64x1000000xf32, #tpu.memory_space<hbm>> -> memref<64x128xf32, #tpu.memory_space<hbm>>
      %dma_wait3A_870 = arith.constant 0 : i32
      %dma_wait3A_871 = arith.constant 0 : i32
      %dma_wait3A_872 = tpu.memref_slice %arg12[%dma_wait3A_862, %dma_wait3A_870, %dma_wait3A_871] : memref<4x64x128xf32, #tpu.memory_space<vmem>> -> memref<1x64x128xf32, #tpu.memory_space<vmem>>
      %dma_wait3A_873 = tpu.memref_squeeze %dma_wait3A_872 : memref<1x64x128xf32, #tpu.memory_space<vmem>> -> memref<64x128xf32, #tpu.memory_space<vmem>>
      %dma_wait3A_874 = arith.constant 0 : i32
      %dma_wait3A_875 = arith.constant 0 : i32
      %dma_wait3A_876 = tpu.memref_slice %arg4[%dma_wait3A_874, %dma_wait3A_875] : memref<64x1000000xf32, #tpu.memory_space<hbm>> -> memref<64x128xf32, #tpu.memory_space<hbm>>
      tpu.wait_dma2 semaphore(%arg15 : memref<!tpu.dma_semaphore, #tpu.memory_space<semaphore_mem>>) src(%dma_wait3A_876 : memref<64x128xf32, #tpu.memory_space<hbm>>) dst(%dma_wait3A_873 : memref<64x128xf32, #tpu.memory_space<vmem>>)
      %dma_wait3A_877 = arith.constant 0 : i32
      %dma_wait3A_878 = arith.constant 0 : i32
      %dma_wait3A_879 = arith.constant 0 : i32
      %dma_wait3A_880 = tpu.memref_slice %arg13[%dma_wait3A_877, %dma_wait3A_878, %dma_wait3A_879] : memref<4x8x64xf32, #tpu.memory_space<vmem>> -> memref<1x8x64xf32, #tpu.memory_space<vmem>>
      %dma_wait3A_881 = tpu.memref_squeeze %dma_wait3A_880 : memref<1x8x64xf32, #tpu.memory_space<vmem>> -> memref<8x64xf32, #tpu.memory_space<vmem>>
      %dma_wait3A_882 = arith.constant 0 : i32
      %dma_wait3A_883 = arith.constant 0 : i32
      %dma_wait3A_884 = tpu.memref_slice %arg5[%dma_wait3A_882, %dma_wait3A_883] : memref<100000x64xf32, #tpu.memory_space<hbm>> -> memref<8x64xf32, #tpu.memory_space<hbm>>
      %dma_wait3A_885 = arith.constant 0 : i32
      %dma_wait3A_886 = arith.constant 0 : i32
      %dma_wait3A_887 = tpu.memref_slice %arg13[%dma_wait3A_877, %dma_wait3A_885, %dma_wait3A_886] : memref<4x8x64xf32, #tpu.memory_space<vmem>> -> memref<1x8x64xf32, #tpu.memory_space<vmem>>
      %dma_wait3A_888 = tpu.memref_squeeze %dma_wait3A_887 : memref<1x8x64xf32, #tpu.memory_space<vmem>> -> memref<8x64xf32, #tpu.memory_space<vmem>>
      %dma_wait3A_889 = arith.constant 0 : i32
      %dma_wait3A_890 = arith.constant 0 : i32
      %dma_wait3A_891 = tpu.memref_slice %arg5[%dma_wait3A_889, %dma_wait3A_890] : memref<100000x64xf32, #tpu.memory_space<hbm>> -> memref<8x64xf32, #tpu.memory_space<hbm>>
      tpu.wait_dma2 semaphore(%arg15 : memref<!tpu.dma_semaphore, #tpu.memory_space<semaphore_mem>>) src(%dma_wait3A_891 : memref<8x64xf32, #tpu.memory_space<hbm>>) dst(%dma_wait3A_888 : memref<8x64xf32, #tpu.memory_space<vmem>>)
      %dma_wait3A_892 = arith.constant 1 : i32
      %dma_wait3A_893 = arith.constant 0 : i32
      %dma_wait3A_894 = arith.constant 0 : i32
      %dma_wait3A_895 = tpu.memref_slice %arg12[%dma_wait3A_892, %dma_wait3A_893, %dma_wait3A_894] : memref<4x64x128xf32, #tpu.memory_space<vmem>> -> memref<1x64x128xf32, #tpu.memory_space<vmem>>
      %dma_wait3A_896 = tpu.memref_squeeze %dma_wait3A_895 : memref<1x64x128xf32, #tpu.memory_space<vmem>> -> memref<64x128xf32, #tpu.memory_space<vmem>>
      %dma_wait3A_897 = arith.constant 0 : i32
      %dma_wait3A_898 = arith.constant 0 : i32
      %dma_wait3A_899 = tpu.memref_slice %arg4[%dma_wait3A_897, %dma_wait3A_898] : memref<64x1000000xf32, #tpu.memory_space<hbm>> -> memref<64x128xf32, #tpu.memory_space<hbm>>
      %dma_wait3A_900 = arith.constant 0 : i32
      %dma_wait3A_901 = arith.constant 0 : i32
      %dma_wait3A_902 = tpu.memref_slice %arg12[%dma_wait3A_892, %dma_wait3A_900, %dma_wait3A_901] : memref<4x64x128xf32, #tpu.memory_space<vmem>> -> memref<1x64x128xf32, #tpu.memory_space<vmem>>
      %dma_wait3A_903 = tpu.memref_squeeze %dma_wait3A_902 : memref<1x64x128xf32, #tpu.memory_space<vmem>> -> memref<64x128xf32, #tpu.memory_space<vmem>>
      %dma_wait3A_904 = arith.constant 0 : i32
      %dma_wait3A_905 = arith.constant 0 : i32
      %dma_wait3A_906 = tpu.memref_slice %arg4[%dma_wait3A_904, %dma_wait3A_905] : memref<64x1000000xf32, #tpu.memory_space<hbm>> -> memref<64x128xf32, #tpu.memory_space<hbm>>
      tpu.wait_dma2 semaphore(%arg15 : memref<!tpu.dma_semaphore, #tpu.memory_space<semaphore_mem>>) src(%dma_wait3A_906 : memref<64x128xf32, #tpu.memory_space<hbm>>) dst(%dma_wait3A_903 : memref<64x128xf32, #tpu.memory_space<vmem>>)
      %dma_wait3A_907 = arith.constant 1 : i32
      %dma_wait3A_908 = arith.constant 0 : i32
      %dma_wait3A_909 = arith.constant 0 : i32
      %dma_wait3A_910 = tpu.memref_slice %arg13[%dma_wait3A_907, %dma_wait3A_908, %dma_wait3A_909] : memref<4x8x64xf32, #tpu.memory_space<vmem>> -> memref<1x8x64xf32, #tpu.memory_space<vmem>>
      %dma_wait3A_911 = tpu.memref_squeeze %dma_wait3A_910 : memref<1x8x64xf32, #tpu.memory_space<vmem>> -> memref<8x64xf32, #tpu.memory_space<vmem>>
      %dma_wait3A_912 = arith.constant 0 : i32
      %dma_wait3A_913 = arith.constant 0 : i32
      %dma_wait3A_914 = tpu.memref_slice %arg5[%dma_wait3A_912, %dma_wait3A_913] : memref<100000x64xf32, #tpu.memory_space<hbm>> -> memref<8x64xf32, #tpu.memory_space<hbm>>
      %dma_wait3A_915 = arith.constant 0 : i32
      %dma_wait3A_916 = arith.constant 0 : i32
      %dma_wait3A_917 = tpu.memref_slice %arg13[%dma_wait3A_907, %dma_wait3A_915, %dma_wait3A_916] : memref<4x8x64xf32, #tpu.memory_space<vmem>> -> memref<1x8x64xf32, #tpu.memory_space<vmem>>
      %dma_wait3A_918 = tpu.memref_squeeze %dma_wait3A_917 : memref<1x8x64xf32, #tpu.memory_space<vmem>> -> memref<8x64xf32, #tpu.memory_space<vmem>>
      %dma_wait3A_919 = arith.constant 0 : i32
      %dma_wait3A_920 = arith.constant 0 : i32
      %dma_wait3A_921 = tpu.memref_slice %arg5[%dma_wait3A_919, %dma_wait3A_920] : memref<100000x64xf32, #tpu.memory_space<hbm>> -> memref<8x64xf32, #tpu.memory_space<hbm>>
      tpu.wait_dma2 semaphore(%arg15 : memref<!tpu.dma_semaphore, #tpu.memory_space<semaphore_mem>>) src(%dma_wait3A_921 : memref<8x64xf32, #tpu.memory_space<hbm>>) dst(%dma_wait3A_918 : memref<8x64xf32, #tpu.memory_space<vmem>>)
      %dma_wait3A_922 = arith.constant 2 : i32
      %dma_wait3A_923 = arith.constant 0 : i32
      %dma_wait3A_924 = arith.constant 0 : i32
      %dma_wait3A_925 = tpu.memref_slice %arg12[%dma_wait3A_922, %dma_wait3A_923, %dma_wait3A_924] : memref<4x64x128xf32, #tpu.memory_space<vmem>> -> memref<1x64x128xf32, #tpu.memory_space<vmem>>
      %dma_wait3A_926 = tpu.memref_squeeze %dma_wait3A_925 : memref<1x64x128xf32, #tpu.memory_space<vmem>> -> memref<64x128xf32, #tpu.memory_space<vmem>>
      %dma_wait3A_927 = arith.constant 0 : i32
      %dma_wait3A_928 = arith.constant 0 : i32
      %dma_wait3A_929 = tpu.memref_slice %arg4[%dma_wait3A_927, %dma_wait3A_928] : memref<64x1000000xf32, #tpu.memory_space<hbm>> -> memref<64x128xf32, #tpu.memory_space<hbm>>
      %dma_wait3A_930 = arith.constant 0 : i32
      %dma_wait3A_931 = arith.constant 0 : i32
      %dma_wait3A_932 = tpu.memref_slice %arg12[%dma_wait3A_922, %dma_wait3A_930, %dma_wait3A_931] : memref<4x64x128xf32, #tpu.memory_space<vmem>> -> memref<1x64x128xf32, #tpu.memory_space<vmem>>
      %dma_wait3A_933 = tpu.memref_squeeze %dma_wait3A_932 : memref<1x64x128xf32, #tpu.memory_space<vmem>> -> memref<64x128xf32, #tpu.memory_space<vmem>>
      %dma_wait3A_934 = arith.constant 0 : i32
      %dma_wait3A_935 = arith.constant 0 : i32
      %dma_wait3A_936 = tpu.memref_slice %arg4[%dma_wait3A_934, %dma_wait3A_935] : memref<64x1000000xf32, #tpu.memory_space<hbm>> -> memref<64x128xf32, #tpu.memory_space<hbm>>
      tpu.wait_dma2 semaphore(%arg15 : memref<!tpu.dma_semaphore, #tpu.memory_space<semaphore_mem>>) src(%dma_wait3A_936 : memref<64x128xf32, #tpu.memory_space<hbm>>) dst(%dma_wait3A_933 : memref<64x128xf32, #tpu.memory_space<vmem>>)
      %dma_wait3A_937 = arith.constant 2 : i32
      %dma_wait3A_938 = arith.constant 0 : i32
      %dma_wait3A_939 = arith.constant 0 : i32
      %dma_wait3A_940 = tpu.memref_slice %arg13[%dma_wait3A_937, %dma_wait3A_938, %dma_wait3A_939] : memref<4x8x64xf32, #tpu.memory_space<vmem>> -> memref<1x8x64xf32, #tpu.memory_space<vmem>>
      %dma_wait3A_941 = tpu.memref_squeeze %dma_wait3A_940 : memref<1x8x64xf32, #tpu.memory_space<vmem>> -> memref<8x64xf32, #tpu.memory_space<vmem>>
      %dma_wait3A_942 = arith.constant 0 : i32
      %dma_wait3A_943 = arith.constant 0 : i32
      %dma_wait3A_944 = tpu.memref_slice %arg5[%dma_wait3A_942, %dma_wait3A_943] : memref<100000x64xf32, #tpu.memory_space<hbm>> -> memref<8x64xf32, #tpu.memory_space<hbm>>
      %dma_wait3A_945 = arith.constant 0 : i32
      %dma_wait3A_946 = arith.constant 0 : i32
      %dma_wait3A_947 = tpu.memref_slice %arg13[%dma_wait3A_937, %dma_wait3A_945, %dma_wait3A_946] : memref<4x8x64xf32, #tpu.memory_space<vmem>> -> memref<1x8x64xf32, #tpu.memory_space<vmem>>
      %dma_wait3A_948 = tpu.memref_squeeze %dma_wait3A_947 : memref<1x8x64xf32, #tpu.memory_space<vmem>> -> memref<8x64xf32, #tpu.memory_space<vmem>>
      %dma_wait3A_949 = arith.constant 0 : i32
      %dma_wait3A_950 = arith.constant 0 : i32
      %dma_wait3A_951 = tpu.memref_slice %arg5[%dma_wait3A_949, %dma_wait3A_950] : memref<100000x64xf32, #tpu.memory_space<hbm>> -> memref<8x64xf32, #tpu.memory_space<hbm>>
      tpu.wait_dma2 semaphore(%arg15 : memref<!tpu.dma_semaphore, #tpu.memory_space<semaphore_mem>>) src(%dma_wait3A_951 : memref<8x64xf32, #tpu.memory_space<hbm>>) dst(%dma_wait3A_948 : memref<8x64xf32, #tpu.memory_space<vmem>>)
      %dma_wait3A_952 = arith.constant 3 : i32
      %dma_wait3A_953 = arith.constant 0 : i32
      %dma_wait3A_954 = arith.constant 0 : i32
      %dma_wait3A_955 = tpu.memref_slice %arg12[%dma_wait3A_952, %dma_wait3A_953, %dma_wait3A_954] : memref<4x64x128xf32, #tpu.memory_space<vmem>> -> memref<1x64x128xf32, #tpu.memory_space<vmem>>
      %dma_wait3A_956 = tpu.memref_squeeze %dma_wait3A_955 : memref<1x64x128xf32, #tpu.memory_space<vmem>> -> memref<64x128xf32, #tpu.memory_space<vmem>>
      %dma_wait3A_957 = arith.constant 0 : i32
      %dma_wait3A_958 = arith.constant 0 : i32
      %dma_wait3A_959 = tpu.memref_slice %arg4[%dma_wait3A_957, %dma_wait3A_958] : memref<64x1000000xf32, #tpu.memory_space<hbm>> -> memref<64x128xf32, #tpu.memory_space<hbm>>
      %dma_wait3A_960 = arith.constant 0 : i32
      %dma_wait3A_961 = arith.constant 0 : i32
      %dma_wait3A_962 = tpu.memref_slice %arg12[%dma_wait3A_952, %dma_wait3A_960, %dma_wait3A_961] : memref<4x64x128xf32, #tpu.memory_space<vmem>> -> memref<1x64x128xf32, #tpu.memory_space<vmem>>
      %dma_wait3A_963 = tpu.memref_squeeze %dma_wait3A_962 : memref<1x64x128xf32, #tpu.memory_space<vmem>> -> memref<64x128xf32, #tpu.memory_space<vmem>>
      %dma_wait3A_964 = arith.constant 0 : i32
      %dma_wait3A_965 = arith.constant 0 : i32
      %dma_wait3A_966 = tpu.memref_slice %arg4[%dma_wait3A_964, %dma_wait3A_965] : memref<64x1000000xf32, #tpu.memory_space<hbm>> -> memref<64x128xf32, #tpu.memory_space<hbm>>
      tpu.wait_dma2 semaphore(%arg15 : memref<!tpu.dma_semaphore, #tpu.memory_space<semaphore_mem>>) src(%dma_wait3A_966 : memref<64x128xf32, #tpu.memory_space<hbm>>) dst(%dma_wait3A_963 : memref<64x128xf32, #tpu.memory_space<vmem>>)
      %dma_wait3A_967 = arith.constant 3 : i32
      %dma_wait3A_968 = arith.constant 0 : i32
      %dma_wait3A_969 = arith.constant 0 : i32
      %dma_wait3A_970 = tpu.memref_slice %arg13[%dma_wait3A_967, %dma_wait3A_968, %dma_wait3A_969] : memref<4x8x64xf32, #tpu.memory_space<vmem>> -> memref<1x8x64xf32, #tpu.memory_space<vmem>>
      %dma_wait3A_971 = tpu.memref_squeeze %dma_wait3A_970 : memref<1x8x64xf32, #tpu.memory_space<vmem>> -> memref<8x64xf32, #tpu.memory_space<vmem>>
      %dma_wait3A_972 = arith.constant 0 : i32
      %dma_wait3A_973 = arith.constant 0 : i32
      %dma_wait3A_974 = tpu.memref_slice %arg5[%dma_wait3A_972, %dma_wait3A_973] : memref<100000x64xf32, #tpu.memory_space<hbm>> -> memref<8x64xf32, #tpu.memory_space<hbm>>
      %dma_wait3A_975 = arith.constant 0 : i32
      %dma_wait3A_976 = arith.constant 0 : i32
      %dma_wait3A_977 = tpu.memref_slice %arg13[%dma_wait3A_967, %dma_wait3A_975, %dma_wait3A_976] : memref<4x8x64xf32, #tpu.memory_space<vmem>> -> memref<1x8x64xf32, #tpu.memory_space<vmem>>
      %dma_wait3A_978 = tpu.memref_squeeze %dma_wait3A_977 : memref<1x8x64xf32, #tpu.memory_space<vmem>> -> memref<8x64xf32, #tpu.memory_space<vmem>>
      %dma_wait3A_979 = arith.constant 0 : i32
      %dma_wait3A_980 = arith.constant 0 : i32
      %dma_wait3A_981 = tpu.memref_slice %arg5[%dma_wait3A_979, %dma_wait3A_980] : memref<100000x64xf32, #tpu.memory_space<hbm>> -> memref<8x64xf32, #tpu.memory_space<hbm>>
      tpu.wait_dma2 semaphore(%arg15 : memref<!tpu.dma_semaphore, #tpu.memory_space<semaphore_mem>>) src(%dma_wait3A_981 : memref<8x64xf32, #tpu.memory_space<hbm>>) dst(%dma_wait3A_978 : memref<8x64xf32, #tpu.memory_space<vmem>>)
      %add3A_982 = arith.constant 1 : i32
      %add3A_983 = arith.addi %mul3A_174, %add3A_982 : i32
      %shift_right_arithmetic3A_984 = arith.constant 2 : i32
      %shift_right_arithmetic3A_985 = arith.shrsi %add3A_983, %shift_right_arithmetic3A_984 : i32
      %mul3A_986 = arith.constant 16 : i32
      %mul3A_987 = arith.muli %shift_right_arithmetic3A_985, %mul3A_986 : i32
      %get3A_988 = arith.index_cast %mul3A_987 : i32 to index
      %get3A_989 = tpu.vector_load %arg9[%get3A_988] {strides = array<i32>} : memref<512xf32, #tpu.memory_space<vmem>>, vector<16xf32>,
      %mul3A_990 = arith.constant 0 : i32
      %mul3A_991 = vector.broadcast %mul3A_990 : i32 to vector<16xi32>
      %mul3A_992 = arith.muli %iota3A, %mul3A_991 : vector<16xi32>
      %slice3A_993 = vector.extract_strided_slice %get3A_180 {offsets = [0], sizes = [1], strides = [1]} : vector<16xi32> to vector<1xi32>
      %squeeze3A_994 = vector.extract %slice3A_993[0] : i32 from vector<1xi32>
      %and3A_995 = arith.constant 127 : i32
      %and3A_996 = arith.andi %squeeze3A_994, %and3A_995 : i32
      %add3A_997 = vector.broadcast %and3A_996 : i32 to vector<16xi32>
      %add3A_998 = arith.addi %mul3A_992, %add3A_997 : vector<16xi32>
      %slice3A_999 = vector.extract_strided_slice %get3A_184 {offsets = [0], sizes = [1], strides = [1]} : vector<16xi32> to vector<1xi32>
      %squeeze3A_1000 = vector.extract %slice3A_999[0] : i32 from vector<1xi32>
      %and3A_1001 = arith.constant 7 : i32
      %and3A_1002 = arith.andi %squeeze3A_1000, %and3A_1001 : i32
      %mul3A_1003 = arith.constant 0 : i32
      %mul3A_1004 = vector.broadcast %mul3A_1003 : i32 to vector<16xi32>
      %mul3A_1005 = arith.muli %iota3A, %mul3A_1004 : vector<16xi32>
      %add3A_1006 = arith.constant 0 : i32
      %add3A_1007 = vector.broadcast %add3A_1006 : i32 to vector<16xi32>
      %add3A_1008 = arith.addi %mul3A_1005, %add3A_1007 : vector<16xi32>
      %add3A_1009 = arith.constant 0 : i32
      %add3A_1010 = vector.broadcast %add3A_1009 : i32 to vector<16xi32>
      %add3A_1011 = arith.addi %iota3A, %add3A_1010 : vector<16xi32>
      %gather3A_1012 = tpu.vector_load_idx %arg12[%add3A_1008, %add3A_1011, %add3A_998] : memref<4x64x128xf32, #tpu.memory_space<vmem>>[vector<16xi32>, vector<16xi32>, vector<16xi32>], vector<16xf32>,
      %get3A_1013 = arith.constant 0 : i32
      %get3A_1014 = arith.index_cast %get3A_1013 : i32 to index
      %get3A_1015 = arith.index_cast %and3A_1002 : i32 to index
      %get3A_1016 = arith.constant 0 : index
      %get3A_1017 = tpu.vector_load %arg13[%get3A_1014, %get3A_1015, %get3A_1016] {strides = array<i32>} : memref<4x8x64xf32, #tpu.memory_space<vmem>>, vector<16xf32>,
      %mul3A_1018 = arith.mulf %gather3A_1012, %get3A_1017 : vector<16xf32>
      %mul3A_1019 = arith.constant 0 : i32
      %mul3A_1020 = vector.broadcast %mul3A_1019 : i32 to vector<16xi32>
      %mul3A_1021 = arith.muli %iota3A, %mul3A_1020 : vector<16xi32>
      %add3A_1022 = arith.constant 0 : i32
      %add3A_1023 = vector.broadcast %add3A_1022 : i32 to vector<16xi32>
      %add3A_1024 = arith.addi %mul3A_1021, %add3A_1023 : vector<16xi32>
      %add3A_1025 = arith.constant 16 : i32
      %add3A_1026 = vector.broadcast %add3A_1025 : i32 to vector<16xi32>
      %add3A_1027 = arith.addi %iota3A, %add3A_1026 : vector<16xi32>
      %gather3A_1028 = tpu.vector_load_idx %arg12[%add3A_1024, %add3A_1027, %add3A_998] : memref<4x64x128xf32, #tpu.memory_space<vmem>>[vector<16xi32>, vector<16xi32>, vector<16xi32>], vector<16xf32>,
      %get3A_1029 = arith.constant 0 : i32
      %get3A_1030 = arith.index_cast %get3A_1029 : i32 to index
      %get3A_1031 = arith.index_cast %and3A_1002 : i32 to index
      %get3A_1032 = arith.constant 16 : index
      %get3A_1033 = tpu.vector_load %arg13[%get3A_1030, %get3A_1031, %get3A_1032] {strides = array<i32>} : memref<4x8x64xf32, #tpu.memory_space<vmem>>, vector<16xf32>,
      %mul3A_1034 = arith.mulf %gather3A_1028, %get3A_1033 : vector<16xf32>
      %add3A_1035 = arith.addf %mul3A_1018, %mul3A_1034 : vector<16xf32>
      %mul3A_1036 = arith.constant 0 : i32
      %mul3A_1037 = vector.broadcast %mul3A_1036 : i32 to vector<16xi32>
      %mul3A_1038 = arith.muli %iota3A, %mul3A_1037 : vector<16xi32>
      %add3A_1039 = arith.constant 0 : i32
      %add3A_1040 = vector.broadcast %add3A_1039 : i32 to vector<16xi32>
      %add3A_1041 = arith.addi %mul3A_1038, %add3A_1040 : vector<16xi32>
      %add3A_1042 = arith.constant 32 : i32
      %add3A_1043 = vector.broadcast %add3A_1042 : i32 to vector<16xi32>
      %add3A_1044 = arith.addi %iota3A, %add3A_1043 : vector<16xi32>
      %gather3A_1045 = tpu.vector_load_idx %arg12[%add3A_1041, %add3A_1044, %add3A_998] : memref<4x64x128xf32, #tpu.memory_space<vmem>>[vector<16xi32>, vector<16xi32>, vector<16xi32>], vector<16xf32>,
      %get3A_1046 = arith.constant 0 : i32
      %get3A_1047 = arith.index_cast %get3A_1046 : i32 to index
      %get3A_1048 = arith.index_cast %and3A_1002 : i32 to index
      %get3A_1049 = arith.constant 32 : index
      %get3A_1050 = tpu.vector_load %arg13[%get3A_1047, %get3A_1048, %get3A_1049] {strides = array<i32>} : memref<4x8x64xf32, #tpu.memory_space<vmem>>, vector<16xf32>,
      %mul3A_1051 = arith.mulf %gather3A_1045, %get3A_1050 : vector<16xf32>
      %add3A_1052 = arith.addf %add3A_1035, %mul3A_1051 : vector<16xf32>
      %mul3A_1053 = arith.constant 0 : i32
      %mul3A_1054 = vector.broadcast %mul3A_1053 : i32 to vector<16xi32>
      %mul3A_1055 = arith.muli %iota3A, %mul3A_1054 : vector<16xi32>
      %add3A_1056 = arith.constant 0 : i32
      %add3A_1057 = vector.broadcast %add3A_1056 : i32 to vector<16xi32>
      %add3A_1058 = arith.addi %mul3A_1055, %add3A_1057 : vector<16xi32>
      %add3A_1059 = arith.constant 48 : i32
      %add3A_1060 = vector.broadcast %add3A_1059 : i32 to vector<16xi32>
      %add3A_1061 = arith.addi %iota3A, %add3A_1060 : vector<16xi32>
      %gather3A_1062 = tpu.vector_load_idx %arg12[%add3A_1058, %add3A_1061, %add3A_998] : memref<4x64x128xf32, #tpu.memory_space<vmem>>[vector<16xi32>, vector<16xi32>, vector<16xi32>], vector<16xf32>,
      %get3A_1063 = arith.constant 0 : i32
      %get3A_1064 = arith.index_cast %get3A_1063 : i32 to index
      %get3A_1065 = arith.index_cast %and3A_1002 : i32 to index
      %get3A_1066 = arith.constant 48 : index
      %get3A_1067 = tpu.vector_load %arg13[%get3A_1064, %get3A_1065, %get3A_1066] {strides = array<i32>} : memref<4x8x64xf32, #tpu.memory_space<vmem>>, vector<16xf32>,
      %mul3A_1068 = arith.mulf %gather3A_1062, %get3A_1067 : vector<16xf32>
      %add3A_1069 = arith.addf %add3A_1052, %mul3A_1068 : vector<16xf32>
      %and3A_1070 = arith.constant 3 : i32
      %and3A_1071 = arith.andi %add3A_983, %and3A_1070 : i32
      %mul3A_1072 = arith.constant 4 : i32
      %mul3A_1073 = arith.muli %and3A_1071, %mul3A_1072 : i32
      %add3A_1074 = arith.constant 0 : i32
      %add3A_1075 = arith.addi %mul3A_1073, %add3A_1074 : i32
      %eq3A_1076 = vector.broadcast %add3A_1075 : i32 to vector<16xi32>
      %eq3A_1077 = arith.cmpi eq, %iota3A, %eq3A_1076 : vector<16xi32>
      %reduce_sum3A_1078 = arith.constant true
      %reduce_sum3A_1079 = vector.broadcast %reduce_sum3A_1078 : i1 to vector<16xi1>
      %reduce_sum3A_1080 = tpu.scan <sum>, %add3A_1069 masked %reduce_sum3A_1079 : vector<16xf32>, vector<16xi1> -> vector<16xf32>
      %reduce_sum3A_1081 = vector.extract %reduce_sum3A_1080[15] : f32 from vector<16xf32>
      %jit3A_1082 = arith.constant 0.000000e+00 : f32
      %broadcast_in_dim3A_1083 = vector.broadcast %reduce_sum3A_1081 : f32 to vector<16xf32>
      %broadcast_in_dim3A_1084 = vector.broadcast %jit3A_1082 : f32 to vector<16xf32>
      %select_n3A_1085 = arith.select %eq3A_1077, %broadcast_in_dim3A_1083, %broadcast_in_dim3A_1084 : vector<16xi1>, vector<16xf32>
      %add3A_1086 = arith.addf %get3A_989, %select_n3A_1085 : vector<16xf32>
      %mul3A_1087 = arith.constant 0 : i32
      %mul3A_1088 = vector.broadcast %mul3A_1087 : i32 to vector<16xi32>
      %mul3A_1089 = arith.muli %iota3A, %mul3A_1088 : vector<16xi32>
      %slice3A_1090 = vector.extract_strided_slice %get3A_180 {offsets = [1], sizes = [1], strides = [1]} : vector<16xi32> to vector<1xi32>
      %squeeze3A_1091 = vector.extract %slice3A_1090[0] : i32 from vector<1xi32>
      %and3A_1092 = arith.constant 127 : i32
      %and3A_1093 = arith.andi %squeeze3A_1091, %and3A_1092 : i32
      %add3A_1094 = vector.broadcast %and3A_1093 : i32 to vector<16xi32>
      %add3A_1095 = arith.addi %mul3A_1089, %add3A_1094 : vector<16xi32>
      %slice3A_1096 = vector.extract_strided_slice %get3A_184 {offsets = [1], sizes = [1], strides = [1]} : vector<16xi32> to vector<1xi32>
      %squeeze3A_1097 = vector.extract %slice3A_1096[0] : i32 from vector<1xi32>
      %and3A_1098 = arith.constant 7 : i32
      %and3A_1099 = arith.andi %squeeze3A_1097, %and3A_1098 : i32
      %mul3A_1100 = arith.constant 0 : i32
      %mul3A_1101 = vector.broadcast %mul3A_1100 : i32 to vector<16xi32>
      %mul3A_1102 = arith.muli %iota3A, %mul3A_1101 : vector<16xi32>
      %add3A_1103 = arith.constant 1 : i32
      %add3A_1104 = vector.broadcast %add3A_1103 : i32 to vector<16xi32>
      %add3A_1105 = arith.addi %mul3A_1102, %add3A_1104 : vector<16xi32>
      %add3A_1106 = arith.constant 0 : i32
      %add3A_1107 = vector.broadcast %add3A_1106 : i32 to vector<16xi32>
      %add3A_1108 = arith.addi %iota3A, %add3A_1107 : vector<16xi32>
      %gather3A_1109 = tpu.vector_load_idx %arg12[%add3A_1105, %add3A_1108, %add3A_1095] : memref<4x64x128xf32, #tpu.memory_space<vmem>>[vector<16xi32>, vector<16xi32>, vector<16xi32>], vector<16xf32>,
      %get3A_1110 = arith.constant 1 : i32
      %get3A_1111 = arith.index_cast %get3A_1110 : i32 to index
      %get3A_1112 = arith.index_cast %and3A_1099 : i32 to index
      %get3A_1113 = arith.constant 0 : index
      %get3A_1114 = tpu.vector_load %arg13[%get3A_1111, %get3A_1112, %get3A_1113] {strides = array<i32>} : memref<4x8x64xf32, #tpu.memory_space<vmem>>, vector<16xf32>,
      %mul3A_1115 = arith.mulf %gather3A_1109, %get3A_1114 : vector<16xf32>
      %mul3A_1116 = arith.constant 0 : i32
      %mul3A_1117 = vector.broadcast %mul3A_1116 : i32 to vector<16xi32>
      %mul3A_1118 = arith.muli %iota3A, %mul3A_1117 : vector<16xi32>
      %add3A_1119 = arith.constant 1 : i32
      %add3A_1120 = vector.broadcast %add3A_1119 : i32 to vector<16xi32>
      %add3A_1121 = arith.addi %mul3A_1118, %add3A_1120 : vector<16xi32>
      %add3A_1122 = arith.constant 16 : i32
      %add3A_1123 = vector.broadcast %add3A_1122 : i32 to vector<16xi32>
      %add3A_1124 = arith.addi %iota3A, %add3A_1123 : vector<16xi32>
      %gather3A_1125 = tpu.vector_load_idx %arg12[%add3A_1121, %add3A_1124, %add3A_1095] : memref<4x64x128xf32, #tpu.memory_space<vmem>>[vector<16xi32>, vector<16xi32>, vector<16xi32>], vector<16xf32>,
      %get3A_1126 = arith.constant 1 : i32
      %get3A_1127 = arith.index_cast %get3A_1126 : i32 to index
      %get3A_1128 = arith.index_cast %and3A_1099 : i32 to index
      %get3A_1129 = arith.constant 16 : index
      %get3A_1130 = tpu.vector_load %arg13[%get3A_1127, %get3A_1128, %get3A_1129] {strides = array<i32>} : memref<4x8x64xf32, #tpu.memory_space<vmem>>, vector<16xf32>,
      %mul3A_1131 = arith.mulf %gather3A_1125, %get3A_1130 : vector<16xf32>
      %add3A_1132 = arith.addf %mul3A_1115, %mul3A_1131 : vector<16xf32>
      %mul3A_1133 = arith.constant 0 : i32
      %mul3A_1134 = vector.broadcast %mul3A_1133 : i32 to vector<16xi32>
      %mul3A_1135 = arith.muli %iota3A, %mul3A_1134 : vector<16xi32>
      %add3A_1136 = arith.constant 1 : i32
      %add3A_1137 = vector.broadcast %add3A_1136 : i32 to vector<16xi32>
      %add3A_1138 = arith.addi %mul3A_1135, %add3A_1137 : vector<16xi32>
      %add3A_1139 = arith.constant 32 : i32
      %add3A_1140 = vector.broadcast %add3A_1139 : i32 to vector<16xi32>
      %add3A_1141 = arith.addi %iota3A, %add3A_1140 : vector<16xi32>
      %gather3A_1142 = tpu.vector_load_idx %arg12[%add3A_1138, %add3A_1141, %add3A_1095] : memref<4x64x128xf32, #tpu.memory_space<vmem>>[vector<16xi32>, vector<16xi32>, vector<16xi32>], vector<16xf32>,
      %get3A_1143 = arith.constant 1 : i32
      %get3A_1144 = arith.index_cast %get3A_1143 : i32 to index
      %get3A_1145 = arith.index_cast %and3A_1099 : i32 to index
      %get3A_1146 = arith.constant 32 : index
      %get3A_1147 = tpu.vector_load %arg13[%get3A_1144, %get3A_1145, %get3A_1146] {strides = array<i32>} : memref<4x8x64xf32, #tpu.memory_space<vmem>>, vector<16xf32>,
      %mul3A_1148 = arith.mulf %gather3A_1142, %get3A_1147 : vector<16xf32>
      %add3A_1149 = arith.addf %add3A_1132, %mul3A_1148 : vector<16xf32>
      %mul3A_1150 = arith.constant 0 : i32
      %mul3A_1151 = vector.broadcast %mul3A_1150 : i32 to vector<16xi32>
      %mul3A_1152 = arith.muli %iota3A, %mul3A_1151 : vector<16xi32>
      %add3A_1153 = arith.constant 1 : i32
      %add3A_1154 = vector.broadcast %add3A_1153 : i32 to vector<16xi32>
      %add3A_1155 = arith.addi %mul3A_1152, %add3A_1154 : vector<16xi32>
      %add3A_1156 = arith.constant 48 : i32
      %add3A_1157 = vector.broadcast %add3A_1156 : i32 to vector<16xi32>
      %add3A_1158 = arith.addi %iota3A, %add3A_1157 : vector<16xi32>
      %gather3A_1159 = tpu.vector_load_idx %arg12[%add3A_1155, %add3A_1158, %add3A_1095] : memref<4x64x128xf32, #tpu.memory_space<vmem>>[vector<16xi32>, vector<16xi32>, vector<16xi32>], vector<16xf32>,
      %get3A_1160 = arith.constant 1 : i32
      %get3A_1161 = arith.index_cast %get3A_1160 : i32 to index
      %get3A_1162 = arith.index_cast %and3A_1099 : i32 to index
      %get3A_1163 = arith.constant 48 : index
      %get3A_1164 = tpu.vector_load %arg13[%get3A_1161, %get3A_1162, %get3A_1163] {strides = array<i32>} : memref<4x8x64xf32, #tpu.memory_space<vmem>>, vector<16xf32>,
      %mul3A_1165 = arith.mulf %gather3A_1159, %get3A_1164 : vector<16xf32>
      %add3A_1166 = arith.addf %add3A_1149, %mul3A_1165 : vector<16xf32>
      %and3A_1167 = arith.constant 3 : i32
      %and3A_1168 = arith.andi %add3A_983, %and3A_1167 : i32
      %mul3A_1169 = arith.constant 4 : i32
      %mul3A_1170 = arith.muli %and3A_1168, %mul3A_1169 : i32
      %add3A_1171 = arith.constant 1 : i32
      %add3A_1172 = arith.addi %mul3A_1170, %add3A_1171 : i32
      %eq3A_1173 = vector.broadcast %add3A_1172 : i32 to vector<16xi32>
      %eq3A_1174 = arith.cmpi eq, %iota3A, %eq3A_1173 : vector<16xi32>
      %reduce_sum3A_1175 = arith.constant true
      %reduce_sum3A_1176 = vector.broadcast %reduce_sum3A_1175 : i1 to vector<16xi1>
      %reduce_sum3A_1177 = tpu.scan <sum>, %add3A_1166 masked %reduce_sum3A_1176 : vector<16xf32>, vector<16xi1> -> vector<16xf32>
      %reduce_sum3A_1178 = vector.extract %reduce_sum3A_1177[15] : f32 from vector<16xf32>
      %jit3A_1179 = arith.constant 0.000000e+00 : f32
      %broadcast_in_dim3A_1180 = vector.broadcast %reduce_sum3A_1178 : f32 to vector<16xf32>
      %broadcast_in_dim3A_1181 = vector.broadcast %jit3A_1179 : f32 to vector<16xf32>
      %select_n3A_1182 = arith.select %eq3A_1174, %broadcast_in_dim3A_1180, %broadcast_in_dim3A_1181 : vector<16xi1>, vector<16xf32>
      %add3A_1183 = arith.addf %add3A_1086, %select_n3A_1182 : vector<16xf32>
      %mul3A_1184 = arith.constant 0 : i32
      %mul3A_1185 = vector.broadcast %mul3A_1184 : i32 to vector<16xi32>
      %mul3A_1186 = arith.muli %iota3A, %mul3A_1185 : vector<16xi32>
      %slice3A_1187 = vector.extract_strided_slice %get3A_180 {offsets = [2], sizes = [1], strides = [1]} : vector<16xi32> to vector<1xi32>
      %squeeze3A_1188 = vector.extract %slice3A_1187[0] : i32 from vector<1xi32>
      %and3A_1189 = arith.constant 127 : i32
      %and3A_1190 = arith.andi %squeeze3A_1188, %and3A_1189 : i32
      %add3A_1191 = vector.broadcast %and3A_1190 : i32 to vector<16xi32>
      %add3A_1192 = arith.addi %mul3A_1186, %add3A_1191 : vector<16xi32>
      %slice3A_1193 = vector.extract_strided_slice %get3A_184 {offsets = [2], sizes = [1], strides = [1]} : vector<16xi32> to vector<1xi32>
      %squeeze3A_1194 = vector.extract %slice3A_1193[0] : i32 from vector<1xi32>
      %and3A_1195 = arith.constant 7 : i32
      %and3A_1196 = arith.andi %squeeze3A_1194, %and3A_1195 : i32
      %mul3A_1197 = arith.constant 0 : i32
      %mul3A_1198 = vector.broadcast %mul3A_1197 : i32 to vector<16xi32>
      %mul3A_1199 = arith.muli %iota3A, %mul3A_1198 : vector<16xi32>
      %add3A_1200 = arith.constant 2 : i32
      %add3A_1201 = vector.broadcast %add3A_1200 : i32 to vector<16xi32>
      %add3A_1202 = arith.addi %mul3A_1199, %add3A_1201 : vector<16xi32>
      %add3A_1203 = arith.constant 0 : i32
      %add3A_1204 = vector.broadcast %add3A_1203 : i32 to vector<16xi32>
      %add3A_1205 = arith.addi %iota3A, %add3A_1204 : vector<16xi32>
      %gather3A_1206 = tpu.vector_load_idx %arg12[%add3A_1202, %add3A_1205, %add3A_1192] : memref<4x64x128xf32, #tpu.memory_space<vmem>>[vector<16xi32>, vector<16xi32>, vector<16xi32>], vector<16xf32>,
      %get3A_1207 = arith.constant 2 : i32
      %get3A_1208 = arith.index_cast %get3A_1207 : i32 to index
      %get3A_1209 = arith.index_cast %and3A_1196 : i32 to index
      %get3A_1210 = arith.constant 0 : index
      %get3A_1211 = tpu.vector_load %arg13[%get3A_1208, %get3A_1209, %get3A_1210] {strides = array<i32>} : memref<4x8x64xf32, #tpu.memory_space<vmem>>, vector<16xf32>,
      %mul3A_1212 = arith.mulf %gather3A_1206, %get3A_1211 : vector<16xf32>
      %mul3A_1213 = arith.constant 0 : i32
      %mul3A_1214 = vector.broadcast %mul3A_1213 : i32 to vector<16xi32>
      %mul3A_1215 = arith.muli %iota3A, %mul3A_1214 : vector<16xi32>
      %add3A_1216 = arith.constant 2 : i32
      %add3A_1217 = vector.broadcast %add3A_1216 : i32 to vector<16xi32>
      %add3A_1218 = arith.addi %mul3A_1215, %add3A_1217 : vector<16xi32>
      %add3A_1219 = arith.constant 16 : i32
      %add3A_1220 = vector.broadcast %add3A_1219 : i32 to vector<16xi32>
      %add3A_1221 = arith.addi %iota3A, %add3A_1220 : vector<16xi32>
      %gather3A_1222 = tpu.vector_load_idx %arg12[%add3A_1218, %add3A_1221, %add3A_1192] : memref<4x64x128xf32, #tpu.memory_space<vmem>>[vector<16xi32>, vector<16xi32>, vector<16xi32>], vector<16xf32>,
      %get3A_1223 = arith.constant 2 : i32
      %get3A_1224 = arith.index_cast %get3A_1223 : i32 to index
      %get3A_1225 = arith.index_cast %and3A_1196 : i32 to index
      %get3A_1226 = arith.constant 16 : index
      %get3A_1227 = tpu.vector_load %arg13[%get3A_1224, %get3A_1225, %get3A_1226] {strides = array<i32>} : memref<4x8x64xf32, #tpu.memory_space<vmem>>, vector<16xf32>,
      %mul3A_1228 = arith.mulf %gather3A_1222, %get3A_1227 : vector<16xf32>
      %add3A_1229 = arith.addf %mul3A_1212, %mul3A_1228 : vector<16xf32>
      %mul3A_1230 = arith.constant 0 : i32
      %mul3A_1231 = vector.broadcast %mul3A_1230 : i32 to vector<16xi32>
      %mul3A_1232 = arith.muli %iota3A, %mul3A_1231 : vector<16xi32>
      %add3A_1233 = arith.constant 2 : i32
      %add3A_1234 = vector.broadcast %add3A_1233 : i32 to vector<16xi32>
      %add3A_1235 = arith.addi %mul3A_1232, %add3A_1234 : vector<16xi32>
      %add3A_1236 = arith.constant 32 : i32
      %add3A_1237 = vector.broadcast %add3A_1236 : i32 to vector<16xi32>
      %add3A_1238 = arith.addi %iota3A, %add3A_1237 : vector<16xi32>
      %gather3A_1239 = tpu.vector_load_idx %arg12[%add3A_1235, %add3A_1238, %add3A_1192] : memref<4x64x128xf32, #tpu.memory_space<vmem>>[vector<16xi32>, vector<16xi32>, vector<16xi32>], vector<16xf32>,
      %get3A_1240 = arith.constant 2 : i32
      %get3A_1241 = arith.index_cast %get3A_1240 : i32 to index
      %get3A_1242 = arith.index_cast %and3A_1196 : i32 to index
      %get3A_1243 = arith.constant 32 : index
      %get3A_1244 = tpu.vector_load %arg13[%get3A_1241, %get3A_1242, %get3A_1243] {strides = array<i32>} : memref<4x8x64xf32, #tpu.memory_space<vmem>>, vector<16xf32>,
      %mul3A_1245 = arith.mulf %gather3A_1239, %get3A_1244 : vector<16xf32>
      %add3A_1246 = arith.addf %add3A_1229, %mul3A_1245 : vector<16xf32>
      %mul3A_1247 = arith.constant 0 : i32
      %mul3A_1248 = vector.broadcast %mul3A_1247 : i32 to vector<16xi32>
      %mul3A_1249 = arith.muli %iota3A, %mul3A_1248 : vector<16xi32>
      %add3A_1250 = arith.constant 2 : i32
      %add3A_1251 = vector.broadcast %add3A_1250 : i32 to vector<16xi32>
      %add3A_1252 = arith.addi %mul3A_1249, %add3A_1251 : vector<16xi32>
      %add3A_1253 = arith.constant 48 : i32
      %add3A_1254 = vector.broadcast %add3A_1253 : i32 to vector<16xi32>
      %add3A_1255 = arith.addi %iota3A, %add3A_1254 : vector<16xi32>
      %gather3A_1256 = tpu.vector_load_idx %arg12[%add3A_1252, %add3A_1255, %add3A_1192] : memref<4x64x128xf32, #tpu.memory_space<vmem>>[vector<16xi32>, vector<16xi32>, vector<16xi32>], vector<16xf32>,
      %get3A_1257 = arith.constant 2 : i32
      %get3A_1258 = arith.index_cast %get3A_1257 : i32 to index
      %get3A_1259 = arith.index_cast %and3A_1196 : i32 to index
      %get3A_1260 = arith.constant 48 : index
      %get3A_1261 = tpu.vector_load %arg13[%get3A_1258, %get3A_1259, %get3A_1260] {strides = array<i32>} : memref<4x8x64xf32, #tpu.memory_space<vmem>>, vector<16xf32>,
      %mul3A_1262 = arith.mulf %gather3A_1256, %get3A_1261 : vector<16xf32>
      %add3A_1263 = arith.addf %add3A_1246, %mul3A_1262 : vector<16xf32>
      %and3A_1264 = arith.constant 3 : i32
      %and3A_1265 = arith.andi %add3A_983, %and3A_1264 : i32
      %mul3A_1266 = arith.constant 4 : i32
      %mul3A_1267 = arith.muli %and3A_1265, %mul3A_1266 : i32
      %add3A_1268 = arith.constant 2 : i32
      %add3A_1269 = arith.addi %mul3A_1267, %add3A_1268 : i32
      %eq3A_1270 = vector.broadcast %add3A_1269 : i32 to vector<16xi32>
      %eq3A_1271 = arith.cmpi eq, %iota3A, %eq3A_1270 : vector<16xi32>
      %reduce_sum3A_1272 = arith.constant true
      %reduce_sum3A_1273 = vector.broadcast %reduce_sum3A_1272 : i1 to vector<16xi1>
      %reduce_sum3A_1274 = tpu.scan <sum>, %add3A_1263 masked %reduce_sum3A_1273 : vector<16xf32>, vector<16xi1> -> vector<16xf32>
      %reduce_sum3A_1275 = vector.extract %reduce_sum3A_1274[15] : f32 from vector<16xf32>
      %jit3A_1276 = arith.constant 0.000000e+00 : f32
      %broadcast_in_dim3A_1277 = vector.broadcast %reduce_sum3A_1275 : f32 to vector<16xf32>
      %broadcast_in_dim3A_1278 = vector.broadcast %jit3A_1276 : f32 to vector<16xf32>
      %select_n3A_1279 = arith.select %eq3A_1271, %broadcast_in_dim3A_1277, %broadcast_in_dim3A_1278 : vector<16xi1>, vector<16xf32>
      %add3A_1280 = arith.addf %add3A_1183, %select_n3A_1279 : vector<16xf32>
      %mul3A_1281 = arith.constant 0 : i32
      %mul3A_1282 = vector.broadcast %mul3A_1281 : i32 to vector<16xi32>
      %mul3A_1283 = arith.muli %iota3A, %mul3A_1282 : vector<16xi32>
      %slice3A_1284 = vector.extract_strided_slice %get3A_180 {offsets = [3], sizes = [1], strides = [1]} : vector<16xi32> to vector<1xi32>
      %squeeze3A_1285 = vector.extract %slice3A_1284[0] : i32 from vector<1xi32>
      %and3A_1286 = arith.constant 127 : i32
      %and3A_1287 = arith.andi %squeeze3A_1285, %and3A_1286 : i32
      %add3A_1288 = vector.broadcast %and3A_1287 : i32 to vector<16xi32>
      %add3A_1289 = arith.addi %mul3A_1283, %add3A_1288 : vector<16xi32>
      %slice3A_1290 = vector.extract_strided_slice %get3A_184 {offsets = [3], sizes = [1], strides = [1]} : vector<16xi32> to vector<1xi32>
      %squeeze3A_1291 = vector.extract %slice3A_1290[0] : i32 from vector<1xi32>
      %and3A_1292 = arith.constant 7 : i32
      %and3A_1293 = arith.andi %squeeze3A_1291, %and3A_1292 : i32
      %mul3A_1294 = arith.constant 0 : i32
      %mul3A_1295 = vector.broadcast %mul3A_1294 : i32 to vector<16xi32>
      %mul3A_1296 = arith.muli %iota3A, %mul3A_1295 : vector<16xi32>
      %add3A_1297 = arith.constant 3 : i32
      %add3A_1298 = vector.broadcast %add3A_1297 : i32 to vector<16xi32>
      %add3A_1299 = arith.addi %mul3A_1296, %add3A_1298 : vector<16xi32>
      %add3A_1300 = arith.constant 0 : i32
      %add3A_1301 = vector.broadcast %add3A_1300 : i32 to vector<16xi32>
      %add3A_1302 = arith.addi %iota3A, %add3A_1301 : vector<16xi32>
      %gather3A_1303 = tpu.vector_load_idx %arg12[%add3A_1299, %add3A_1302, %add3A_1289] : memref<4x64x128xf32, #tpu.memory_space<vmem>>[vector<16xi32>, vector<16xi32>, vector<16xi32>], vector<16xf32>,
      %get3A_1304 = arith.constant 3 : i32
      %get3A_1305 = arith.index_cast %get3A_1304 : i32 to index
      %get3A_1306 = arith.index_cast %and3A_1293 : i32 to index
      %get3A_1307 = arith.constant 0 : index
      %get3A_1308 = tpu.vector_load %arg13[%get3A_1305, %get3A_1306, %get3A_1307] {strides = array<i32>} : memref<4x8x64xf32, #tpu.memory_space<vmem>>, vector<16xf32>,
      %mul3A_1309 = arith.mulf %gather3A_1303, %get3A_1308 : vector<16xf32>
      %mul3A_1310 = arith.constant 0 : i32
      %mul3A_1311 = vector.broadcast %mul3A_1310 : i32 to vector<16xi32>
      %mul3A_1312 = arith.muli %iota3A, %mul3A_1311 : vector<16xi32>
      %add3A_1313 = arith.constant 3 : i32
      %add3A_1314 = vector.broadcast %add3A_1313 : i32 to vector<16xi32>
      %add3A_1315 = arith.addi %mul3A_1312, %add3A_1314 : vector<16xi32>
      %add3A_1316 = arith.constant 16 : i32
      %add3A_1317 = vector.broadcast %add3A_1316 : i32 to vector<16xi32>
      %add3A_1318 = arith.addi %iota3A, %add3A_1317 : vector<16xi32>
      %gather3A_1319 = tpu.vector_load_idx %arg12[%add3A_1315, %add3A_1318, %add3A_1289] : memref<4x64x128xf32, #tpu.memory_space<vmem>>[vector<16xi32>, vector<16xi32>, vector<16xi32>], vector<16xf32>,
      %get3A_1320 = arith.constant 3 : i32
      %get3A_1321 = arith.index_cast %get3A_1320 : i32 to index
      %get3A_1322 = arith.index_cast %and3A_1293 : i32 to index
      %get3A_1323 = arith.constant 16 : index
      %get3A_1324 = tpu.vector_load %arg13[%get3A_1321, %get3A_1322, %get3A_1323] {strides = array<i32>} : memref<4x8x64xf32, #tpu.memory_space<vmem>>, vector<16xf32>,
      %mul3A_1325 = arith.mulf %gather3A_1319, %get3A_1324 : vector<16xf32>
      %add3A_1326 = arith.addf %mul3A_1309, %mul3A_1325 : vector<16xf32>
      %mul3A_1327 = arith.constant 0 : i32
      %mul3A_1328 = vector.broadcast %mul3A_1327 : i32 to vector<16xi32>
      %mul3A_1329 = arith.muli %iota3A, %mul3A_1328 : vector<16xi32>
      %add3A_1330 = arith.constant 3 : i32
      %add3A_1331 = vector.broadcast %add3A_1330 : i32 to vector<16xi32>
      %add3A_1332 = arith.addi %mul3A_1329, %add3A_1331 : vector<16xi32>
      %add3A_1333 = arith.constant 32 : i32
      %add3A_1334 = vector.broadcast %add3A_1333 : i32 to vector<16xi32>
      %add3A_1335 = arith.addi %iota3A, %add3A_1334 : vector<16xi32>
      %gather3A_1336 = tpu.vector_load_idx %arg12[%add3A_1332, %add3A_1335, %add3A_1289] : memref<4x64x128xf32, #tpu.memory_space<vmem>>[vector<16xi32>, vector<16xi32>, vector<16xi32>], vector<16xf32>,
      %get3A_1337 = arith.constant 3 : i32
      %get3A_1338 = arith.index_cast %get3A_1337 : i32 to index
      %get3A_1339 = arith.index_cast %and3A_1293 : i32 to index
      %get3A_1340 = arith.constant 32 : index
      %get3A_1341 = tpu.vector_load %arg13[%get3A_1338, %get3A_1339, %get3A_1340] {strides = array<i32>} : memref<4x8x64xf32, #tpu.memory_space<vmem>>, vector<16xf32>,
      %mul3A_1342 = arith.mulf %gather3A_1336, %get3A_1341 : vector<16xf32>
      %add3A_1343 = arith.addf %add3A_1326, %mul3A_1342 : vector<16xf32>
      %mul3A_1344 = arith.constant 0 : i32
      %mul3A_1345 = vector.broadcast %mul3A_1344 : i32 to vector<16xi32>
      %mul3A_1346 = arith.muli %iota3A, %mul3A_1345 : vector<16xi32>
      %add3A_1347 = arith.constant 3 : i32
      %add3A_1348 = vector.broadcast %add3A_1347 : i32 to vector<16xi32>
      %add3A_1349 = arith.addi %mul3A_1346, %add3A_1348 : vector<16xi32>
      %add3A_1350 = arith.constant 48 : i32
      %add3A_1351 = vector.broadcast %add3A_1350 : i32 to vector<16xi32>
      %add3A_1352 = arith.addi %iota3A, %add3A_1351 : vector<16xi32>
      %gather3A_1353 = tpu.vector_load_idx %arg12[%add3A_1349, %add3A_1352, %add3A_1289] : memref<4x64x128xf32, #tpu.memory_space<vmem>>[vector<16xi32>, vector<16xi32>, vector<16xi32>], vector<16xf32>,
      %get3A_1354 = arith.constant 3 : i32
      %get3A_1355 = arith.index_cast %get3A_1354 : i32 to index
      %get3A_1356 = arith.index_cast %and3A_1293 : i32 to index
      %get3A_1357 = arith.constant 48 : index
      %get3A_1358 = tpu.vector_load %arg13[%get3A_1355, %get3A_1356, %get3A_1357] {strides = array<i32>} : memref<4x8x64xf32, #tpu.memory_space<vmem>>, vector<16xf32>,
      %mul3A_1359 = arith.mulf %gather3A_1353, %get3A_1358 : vector<16xf32>
      %add3A_1360 = arith.addf %add3A_1343, %mul3A_1359 : vector<16xf32>
      %and3A_1361 = arith.constant 3 : i32
      %and3A_1362 = arith.andi %add3A_983, %and3A_1361 : i32
      %mul3A_1363 = arith.constant 4 : i32
      %mul3A_1364 = arith.muli %and3A_1362, %mul3A_1363 : i32
      %add3A_1365 = arith.constant 3 : i32
      %add3A_1366 = arith.addi %mul3A_1364, %add3A_1365 : i32
      %eq3A_1367 = vector.broadcast %add3A_1366 : i32 to vector<16xi32>
      %eq3A_1368 = arith.cmpi eq, %iota3A, %eq3A_1367 : vector<16xi32>
      %reduce_sum3A_1369 = arith.constant true
      %reduce_sum3A_1370 = vector.broadcast %reduce_sum3A_1369 : i1 to vector<16xi1>
      %reduce_sum3A_1371 = tpu.scan <sum>, %add3A_1360 masked %reduce_sum3A_1370 : vector<16xf32>, vector<16xi1> -> vector<16xf32>
      %reduce_sum3A_1372 = vector.extract %reduce_sum3A_1371[15] : f32 from vector<16xf32>
      %jit3A_1373 = arith.constant 0.000000e+00 : f32
      %broadcast_in_dim3A_1374 = vector.broadcast %reduce_sum3A_1372 : f32 to vector<16xf32>
      %broadcast_in_dim3A_1375 = vector.broadcast %jit3A_1373 : f32 to vector<16xf32>
      %select_n3A_1376 = arith.select %eq3A_1368, %broadcast_in_dim3A_1374, %broadcast_in_dim3A_1375 : vector<16xi1>, vector<16xf32>
      %add3A_1377 = arith.addf %add3A_1280, %select_n3A_1376 : vector<16xf32>
      %swap3A_1378 = arith.index_cast %mul3A_987 : i32 to index
      %swap3A_1379 = tpu.vector_load %arg9[%swap3A_1378] {strides = array<i32>} : memref<512xf32, #tpu.memory_space<vmem>>, vector<16xf32>,
      tpu.vector_store %arg9[%swap3A_1378], %add3A_1377 {strides = array<i32>} : memref<512xf32, #tpu.memory_space<vmem>>, vector<16xf32>,
    }
    %scan3A_171 = arith.constant 64 : i32
    "tpu.region"() ({
      %run_scoped3A = tpu.sem_alloc : memref<!tpu.dma_semaphore, #tpu.memory_space<semaphore_mem>>
      %dma_start3A_172 = tpu.memref_slice %arg6[%mul3A_2] : memref<16384xf32, #tpu.memory_space<hbm>> -> memref<512xf32, #tpu.memory_space<hbm>>
      %dma_start3A_173 = tpu.memref_slice %arg6[%mul3A_2] : memref<16384xf32, #tpu.memory_space<hbm>> -> memref<512xf32, #tpu.memory_space<hbm>>
      tpu.enqueue_dma source(%arg9 : memref<512xf32, #tpu.memory_space<vmem>>) target(%dma_start3A_173 : memref<512xf32, #tpu.memory_space<hbm>>) target_semaphore(%run_scoped3A : memref<!tpu.dma_semaphore, #tpu.memory_space<semaphore_mem>>)
      %dma_wait3A = tpu.memref_slice %arg6[%mul3A_2] : memref<16384xf32, #tpu.memory_space<hbm>> -> memref<512xf32, #tpu.memory_space<hbm>>
      %dma_wait3A_174 = tpu.memref_slice %arg6[%mul3A_2] : memref<16384xf32, #tpu.memory_space<hbm>> -> memref<512xf32, #tpu.memory_space<hbm>>
      tpu.wait_dma2 semaphore(%run_scoped3A : memref<!tpu.dma_semaphore, #tpu.memory_space<semaphore_mem>>) src(%arg9 : memref<512xf32, #tpu.memory_space<vmem>>) dst(%dma_wait3A_174 : memref<512xf32, #tpu.memory_space<hbm>>)
      tpu.yield
    }) : () -> ()
    return
  }
}

</mosaic_0001>

<sc_bundles>
// kernel: kernel.4.cloned.1.call-start
scs
__scs_entry_jumppad:
0x0: {  	(pc) =	sbr.rel $0x88, $3  }
0x1: {  	(tag) =	ssettag $0x0;
	lr =	simm.s32 $0x1  }
0x2: {  	[smem:$0x3F9B] =	sst lr;
	_ =	strace $0xD0000000  }
0x3: {  	_ = 	snop  }
0x4: {  	_ = 	snop  }
0x5: {  	_ = 	snop  }
0x6: {  	_ = 	snop  }
0x7: {  	_ = 	snop  }
__scs_overlays_trampoline_lowered:
0x8: {  	[smem:$0x3FAA] =	sst s0  }
0x9: {  	[smem:$0x3FAB] =	sst s1  }
0xa: {  	[smem:$0x3FAC] =	sst s2  }
0xb: {  	[smem:$0x3FAD] =	sst s3  }
0xc: {  	[smem:$0x3FAE] =	sst s4  }
0xd: {  	[smem:$0x3FAF] =	sst s5  }
0xe: {  	[smem:$0x3FB0] =	sst s6  }
0xf: {  	[smem:$0x3FB1] =	sst s7  }
0x10: {  	[smem:$0x3FB2] =	sst s8  }
0x11: {  	[smem:$0x3FB3] =	sst s9;
	s0 =	simm.s32 @!p0 $0x0  }
0x12: {  	s1 =	sld [smem:$0x3F99];
	s0 =	simm.s32 @p0 $0x1  }
0x13: {  	[smem:$0x3FB4] =	sst s0;
	s0 =	simm.s32 @!p1 $0x0  }
0x14: {  	s2 =	sld [smem:$0x3F98];
	s0 =	simm.s32 @p1 $0x1  }
0x15: {  	[smem:$0x3FB5] =	sst s0;
	s0 =	simm.s32 @!p2 $0x0  }
0x16: {  	s3 =	sld [smem:$0x3FDB];
	s0 =	simm.s32 @p2 $0x1  }
0x17: {  	s4 =	simm.s32 $0x1BF5;
	[smem:$0x3FB7] =	sst s0  }
0x18: {  	s0 =	sld [smem:$0x3F9A];
	_ =	swait.ge [sflag:s4], $0x0  }
0x19: {  	s7 =	sld [smem:$0x3F9B]  }
0x1a: {  	s8 =	sadd.s32 $0xFFFFE003, lr  }
0x1b: {  	s9 =	sadd.s32 $0xFFFFFEF7, lr;
	s5 =	simm.s32 $0xFFFFFFFF;
	p2 =	slt.u32 s8, $0xFFFFF086  }
0x1c: {  	p1 =	slt.u32 s9, $0xF7A;
	s5 =	simm.s32 @!p2 $0x0  }
0x1d: {  	s5 =	simm.s32 @p1 $0x1;
	p0 =	seq.s32 s7, s2  }
0x1e: {  	s7 =	smul.u32 @!p0 $0xF7A, s2;
	p2 =	seq.s32 @!p0 s5, $0x0  }
0x1f: {  	s9 =	smul.u32 $0xF7A, s1;
	s8 =	simm.s32 @!p0 $0x1BF5;
	p2 =	por !p2, p0  }
0x20: {  	[sflag:s8] =	ssyncset.s32 @!p0 $0xFFFFF086;
	s6 =	sadd.s32 @!p0 s3, s7;
	s7 =	simm.s32 @!p0 $0x108  }
0x21: {  	s3 =	sadd.s32 s3, s9;
	s6 =	sadd.s32 @!p0 $0x88, s6;
	s7 =	simm.s32 @p2 $0x1082  }
0x22: {  	[simem:s7], [sflag:s8] =	dma.local @!p0 [hbm:s6], $0xF7A  }
0x23: {  	s9 =	sor.u32 $0xD0000000, s2;
	s6 =	simm.s32 $0x108;
	_ =	swait.ge @!p0 [sflag:s8], $0x0  }
0x24: {  	s3 =	sadd.s32 $0x88, s3;
	s6 =	simm.s32 @!p1 $0x1082;
	[sflag:s4] =	ssyncset.s32 $0xFFFFF086  }
0x25: {  	[simem:s6], [sflag:s4] =	dma.local [hbm:s3], $0xF7A  }
0x26: {  	[smem:$0x3F9B] =	sst s1;
	(tag) =	ssettag s2;
	_ =	strace s9  }
0x27: {  	s1 =	sld [smem:$0x3FAB]  }
0x28: {  	s2 =	sld [smem:$0x3FAC]  }
0x29: {  	s4 =	sld [smem:$0x3FAE]  }
0x2a: {  	p0 =	seq.s32 s5, $0x0;
	s5 =	sld [smem:$0x3FAF]  }
0x2b: {  	s6 =	sld [smem:$0x3FB0]  }
0x2c: {  	s7 =	sld [smem:$0x3FB1]  }
0x2d: {  	s3 =	simm.s32 $0x108;
	s8 =	sld [smem:$0x3FB2]  }
0x2e: {  	s3 =	simm.s32 @!p0 $0x1082;
	s9 =	sld [smem:$0x3FB3]  }
0x2f: {  	lr =	sadd.s32 s0, s3;
	s0 =	sld [smem:$0x3FAA]  }
0x30: {  	s3 =	sld [smem:$0x3FAD]  }
0x31: {  	[smem:$0x3FB6] =	sst s10  }
0x32: {  	s10 =	sld [smem:$0x3FB4];
	_ =	sdelay $0x3  }
0x33: {  	p0 =	seq.s32 s10, $0x1;
	s10 =	sld [smem:$0x3FB6];
	_ =	sdelay $0x3  }
0x34: {  	[smem:$0x3FB6] =	sst s10  }
0x35: {  	s10 =	sld [smem:$0x3FB5];
	_ =	sdelay $0x3  }
0x36: {  	p1 =	seq.s32 s10, $0x1;
	s10 =	sld [smem:$0x3FB6];
	_ =	sdelay $0x3  }
0x37: {  	[smem:$0x3FB6] =	sst s10  }
0x38: {  	s10 =	sld [smem:$0x3FB7]  }
0x39: {  	_ = 	snop;
	(pc) =	sbr.ind lr, $3  }
0x3a: {  	_ = 	snop  }
0x3b: {  	_ = 	snop  }
0x3c: {  	p2 =	seq.s32 s10, $0x1;
	s10 =	sld [smem:$0x3FB6]  }
0x3d: {  	_ =	shalt  }
0x3e: {  	_ =	shalt  }
0x3f: {  	_ =	shalt  }
0x40: {  	_ =	shalt  }
0x41: {  	_ =	shalt  }
0x42: {  	_ =	shalt  }
0x43: {  	_ =	shalt  }
0x44: {  	_ =	shalt  }
0x45: {  	_ =	shalt  }
0x46: {  	_ =	shalt  }
0x47: {  	_ =	shalt  }
0x48: {  	_ =	shalt  }
0x49: {  	_ =	shalt  }
0x4a: {  	_ =	shalt  }
0x4b: {  	_ =	shalt  }
0x4c: {  	_ =	shalt  }
0x4d: {  	_ =	shalt  }
0x4e: {  	_ =	shalt  }
0x4f: {  	_ =	shalt  }
0x50: {  	_ =	shalt  }
0x51: {  	_ =	shalt  }
0x52: {  	_ =	shalt  }
0x53: {  	_ =	shalt  }
0x54: {  	_ =	shalt  }
0x55: {  	_ =	shalt  }
0x56: {  	_ =	shalt  }
0x57: {  	_ =	shalt  }
0x58: {  	_ =	shalt  }
0x59: {  	_ =	shalt  }
0x5a: {  	_ =	shalt  }
0x5b: {  	_ =	shalt  }
0x5c: {  	_ =	shalt  }
0x5d: {  	_ =	shalt  }
0x5e: {  	_ =	shalt  }
0x5f: {  	_ =	shalt  }
0x60: {  	_ =	shalt  }
0x61: {  	_ =	shalt  }
0x62: {  	_ =	shalt  }
0x63: {  	_ =	shalt  }
0x64: {  	_ =	shalt  }
0x65: {  	_ =	shalt  }
0x66: {  	_ =	shalt  }
0x67: {  	_ =	shalt  }
0x68: {  	_ =	shalt  }
0x69: {  	_ =	shalt  }
0x6a: {  	_ =	shalt  }
0x6b: {  	_ =	shalt  }
0x6c: {  	_ =	shalt  }
0x6d: {  	_ =	shalt  }
0x6e: {  	_ =	shalt  }
0x6f: {  	_ =	shalt  }
0x70: {  	_ =	shalt  }
0x71: {  	_ =	shalt  }
0x72: {  	_ =	shalt  }
0x73: {  	_ =	shalt  }
0x74: {  	_ =	shalt  }
0x75: {  	_ =	shalt  }
0x76: {  	_ =	shalt  }
0x77: {  	_ =	shalt  }
0x78: {  	_ =	shalt  }
0x79: {  	_ =	shalt  }
0x7a: {  	_ =	shalt  }
0x7b: {  	_ =	shalt  }
0x7c: {  	_ =	shalt  }
0x7d: {  	_ =	shalt  }
0x7e: {  	_ =	shalt  }
0x7f: {  	_ =	shalt  }
0x80: {  	_ =	shalt  }
0x81: {  	_ =	shalt  }
0x82: {  	_ =	shalt  }
0x83: {  	_ =	shalt  }
0x84: {  	_ =	shalt  }
0x85: {  	_ =	shalt  }
0x86: {  	_ =	shalt  }
0x87: {  	_ =	shalt  }
.Lfunc_end0:
.L_simem_size_0:
called_computation_lowered:
.L_overlay_start_0:
0x88: {  	s2 =	sld [smem:$0x3FD9]  }
0x89: {  	s3 =	sld [smem:$0x3FFE];
	_ =	sdelay $0x1  }
0x8a: {  	s1 =	srdreg.scid  }
0x8b: {  	s0 =	sand.u32 $0x1, s1  }
0x8c: {  	s17 =	sshll.u32 s0, $0xA;
	s2 =	sadd.s32 s3, s2  }
0x8d: {  	s2 =	sadd.s32 s2, s17  }
0x8e: {  	[smem:$0x3FC2] =	sst s2  }
0x8f: {  	_ = 	snop  }
0x90: {  	s2 =	sld [smem:$0x3FC9]  }
0x91: {  	s18 =	sld [smem:$0x3FC8]  }
0x92: {  	s4 =	sld [smem:$0x3FC7];
	(tm) =	ssettm $0x1  }
0x93: {  	s5 =	sld [smem:$0x3FFB];
	_ =	sdelay $0x3  }
0x94: {  	_ =	strace s5  }
0x95: {  	s5 =	sld [smem:$0x3FFC];
	_ =	sdelay $0x3  }
0x96: {  	_ =	strace s5  }
0x97: {  	s5 =	sld [smem:$0x3FFD];
	_ =	sdelay $0x3  }
0x98: {  	_ =	strace s5  }
0x99: {  	_ =	strace $0x8FFFFFFF  }
0x9a: {  	s19 =	sld [smem:$0x3FDB];
	_ =	sdelay $0x1  }
0x9b: {  	s6 =	simm.s32 $_scs_section_size  }
0x9c: {  	s7 =	simm.s32 $_size__tile_overlayer_lowered;
	s8 =	simm.s32 $_tile_overlayer_lowered  }
0x9d: {  	s22 =	simm.s32 $0x1BFF;
	s21 =	sshll.u32 s8, $0x1;
	s5 =	sadd.s32 s6, s19  }
0x9e: {  	s9 =	simm.s32 $0x0;
	s20 =	sshll.u32 s7, $0x1;
	s7 =	sadd.s32 s21, s5  }
0x9f: {  	[timem:s9], [sflag:s22] =	dma.local [hbm:s7], s20  }
0xa0: {  	_ =	swait.ge [sflag:s22], s20  }
0xa1: {  	s6 =	ssub.s32 $0x0, s20;
	[sflag:s22] =	ssyncset.done $0x0  }
0xa2: {  	[sflag:s22] =	ssyncadd.s32 s6;
	_ =	sdelay $0x1  }
0xa3: {  	s23 =	simm.s32 $0x1B8B  }
0xa4: {  	_ =	swait.ge [sflag:s23], $0x1  }
0xa5: {  	[sflag:s23] =	ssyncset.done $0x0  }
0xa6: {  	s25 =	simm.s32 $0x1B8E;
	s24 =	sld [smem:$0x3FFE];
	[sflag:s23] =	ssyncadd.s32 $0xFFFFFFFF  }
0xa7: {  	s26 =	simm.s32 $execute0_lowered;
	[smem:$0x3FD2] =	sst s25  }
0xa8: {  	s7 =	sshll.u32 s26, $0x1;
	_ =	strace $0x80000046;
	[dreg:$0x1] =	wrdreg $0xFFFFFFFF  }
0xa9: {  	s28 =	simm.s32 $_size_execute0_lowered;
	s5 =	sadd.s32 s5, s7;
	[dreg:$0x0] =	wrdreg $0x0  }
0xaa: {  	s7 =	sshll.u32 s28, $0x1;
	[dreg:$0x2] =	wrdreg s5  }
0xab: {  	[dreg:$0x3] =	wrdreg s7  }
0xac: {  	[dreg:$0x4] =	wrdreg $0xC0  }
0xad: {  	_ =	task [dreg:s9], $0x5FFFF  }
0xae: {  	[dreg:$0x1] =	wrdreg $0xFFFFFFFF  }
0xaf: {  	[dreg:$0x0] =	wrdreg $0x60  }
0xb0: {  	[dreg:$0x2] =	wrdreg s2  }
0xb1: {  	[dreg:$0x3] =	wrdreg s18  }
0xb2: {  	[dreg:$0x4] =	wrdreg s4  }
0xb3: {  	[dreg:$0x5] =	wrdreg s24  }
0xb4: {  	[dreg:$0x6] =	wrdreg $0x9  }
0xb5: {  	_ =	task.clear_ibuf [dreg:s9], $0x7FFFF;
	_ =	strace $0x90000046  }
0xb6: {  	s29 =	simm.s32 $0x9;
	_ =	strace $0x80000048  }
0xb7: {  	_ =	swait.ge [sflag:s29], $0x1  }
0xb8: {  	[sflag:s29] =	ssyncadd.s32 $0xFFFFFFFF  }
0xb9: {  	_ =	strace $0x90000048  }
0xba: {  	_ =	sfence  }
0xbb: {  	s30 =	sld [smem:$0x0];
	_ =	sdelay $0x2  }
0xbc: {  	s31 =	sshll.u32 s1, $0xD;
	s1 =	sshrl.u32 s1, $0x2  }
0xbd: {  	s3 =	sand.u32 $0x4000, s31;
	s1 =	sadd.s32 s1, s30  }
0xbe: {  	s0 =	sor.u32 s3, s0;
	s1 =	sshll.u32 s1, $0x11  }
0xbf: {  	s0 =	sor.u32 s1, s0  }
0xc0: {  	s0 =	sadd.s32 $0x8F2B, s0  }
0xc1: {  	[sflag:s0] =	ssyncadd.remote.s32 $0x1  }
0xc2: {  	_ =	sfence.sel $0xFFFF  }
0xc3: {  	[dreg:$0x0] =	wrdreg $0xFFFFFFFF;
	(pc) =	sbr.abs _section_cstart, $3  }
0xc4: {  	[dreg:$0x1] =	wrdreg $0xFFFFFFFF  }
0xc5: {  	_ =	task.clear_ibuf [dreg:s9], $0x2FFFF;
	_ =	strace $0x9FFFFFFF  }
0xc6: {  	(tm) =	ssettm $0x7FFFFFFF  }
0xc7: {  	_ =	shalt  }
tec
execute0_lowered:
.L_overlay_start_1:
0x0: {  	(tag) =	ssettag $0x1  }
0x1: {  	s0 =	rddreg [dreg:$0x0]  }
0x2: {  	s2 =	rddreg [dreg:$0x1]  }
0x3: {  	s1 =	rddreg [dreg:$0x2]  }
0x4: {  	s5 =	rddreg [dreg:$0x3];
	s4 =	srdreg.scid;
	s3 =	simm.s32 $0x0  }
0x5: {  	s6 =	stileid.u32;
	s11 =	simm.s32 $0x400;
	s12 =	simm.s32 $0x7A1400  }
0x6: {  	s13 =	simm.s32 $0x700;
	s24 =	simm.s32 $0x11700;
	[smem:$0x7FF] =	sst s3  }
0x7: {  	s25 =	simm.s32 $0xB700;
	_ =	strace $0x80000047;
	[dreg:$0x5] =	wrdreg s24  }
0x8: {  	s26 =	simm.s32 $0x11B00;
	s28 =	simm.s32 $0xD700;
	[dreg:$0x6] =	wrdreg s25  }
0x9: {  	s29 =	simm.s32 $0x11F00;
	s30 =	simm.s32 $0xF700;
	[dreg:$0x7] =	wrdreg s26  }
0xa: {  	v0 =	vlaneseq.u32;
	s31 =	simm.s32 $0x12300;
	s21 =	simm.s32 $0x9700;
	[dreg:$0x8] =	wrdreg s28  }
0xb: {  	s4 =	sand.u32 $0x1, s4;
	s6 =	sshll.u32 s6, $0x7;
	v1 =	vmul.u32 $0x80, v0;
	[dreg:$0x9] =	wrdreg s29  }
0xc: {  	v2 =	vimm.f32 $0.0e+00;
	s7 =	sshll.u32 s4, $0x6;
	s22 =	ssub.s32 $0x2, s4;
	[dreg:$0xa] =	wrdreg s30  }
0xd: {  	s4 =	sadd.s32 $0x200, s5;
	[dreg:$0xb] =	wrdreg s31;
	s6 =	sor.u32 s7, s6;
	v3 =	vor.u32 $0x800, v1;
	v4 =	vor.u32 $0x1000, v1;
	v5 =	vor.u32 $0x1800, v1  }
0xe: {  	s25 =	simm.s32 $0x0;
	s23 =	sshrl.u32 s22, $0x1;
	v6 =	vor.u32 $0x2000, v1;
	v7 =	vor.u32 $0x2800, v1;
	v8 =	vor.u32 $0x3000, v1;
	s8 =	sadd.s32 s6, s5  }
0xf: {  	v9 =	vor.u32 $0x3800, v1;
	v10 =	vor.u32 $0x4000, v1;
	v11 =	vor.u32 $0x4800, v1;
	s9 =	ssub.s32 s22, s23;
	s0 =	sadd.s32 s0, s6;
	s6 =	sadd.s32 s2, s6  }
0x10: {  	v12 =	vor.u32 $0x5000, v1;
	v13 =	vor.u32 $0x5800, v1;
	v14 =	vor.u32 $0x6000, v1;
	s22 =	simm.s32 $0x1;
	s23 =	simm.s32 $0x2;
	[dreg:$0xc] =	wrdreg s0  }
0x11: {  	v15 =	vor.u32 $0x6800, v1;
	v16 =	vor.u32 $0x7000, v1;
	v17 =	vor.u32 $0x7800, v1;
	s7 =	sadd.s32 $0x186C00, s8;
	s8 =	smax.u32 s9, $0x1;
	s9 =	simm.s32 $0x3  }
.LBB2_1:
0x12: {  	s0 =	rddreg [dreg:$0xc]  }
0x13: {  	[tilespmem:s3], [sflag:$0x3] =	stream.linear.gather [hbm4b:s0+s3], $0x200, $0x38;
	[tilespmem:$0x12700] =	vst v63  }
0x14: {  	_ =	swait.ge [sflag:s9], $0x200  }
0x15: {  	[sflag:s9] =	ssyncset.done $0x0  }
0x16: {  	s20 =	simm.s32 $0x280;
	[sflag:s9] =	ssyncadd.s32 $0xFFFFFE00  }
0x17: {  	[tilespmem:s20], [sflag:$0x3] =	stream.linear.gather [hbm4b:s6+s3], $0x200, $0x38;
	[tilespmem:$0x12700] =	vst v63  }
0x18: {  	_ =	swait.ge [sflag:s9], $0x200  }
0x19: {  	[sflag:s9] =	ssyncset.done $0x0  }
0x1a: {  	[sflag:s9] =	ssyncadd.s32 $0xFFFFFE00  }
0x1b: {  	[tilespmem:$0x500] =	vst v2  }
0x1c: {  	[tilespmem:$0x510] =	vst v2  }
0x1d: {  	[tilespmem:$0x520] =	vst v2  }
0x1e: {  	[tilespmem:$0x530] =	vst v2  }
0x1f: {  	[tilespmem:$0x540] =	vst v2  }
0x20: {  	[tilespmem:$0x550] =	vst v2  }
0x21: {  	[tilespmem:$0x560] =	vst v2  }
0x22: {  	[tilespmem:$0x570] =	vst v2  }
0x23: {  	[tilespmem:$0x580] =	vst v2;
	v18 =	vld [tilespmem:$0x0]  }
0x24: {  	[tilespmem:$0x590] =	vst v2;
	v19 =	vld [tilespmem:$0x280]  }
0x25: {  	[tilespmem:$0x5A0] =	vst v2  }
0x26: {  	[tilespmem:$0x5B0] =	vst v2  }
0x27: {  	[tilespmem:$0x5C0] =	vst v2  }
0x28: {  	[tilespmem:$0x5D0] =	vst v2  }
0x29: {  	[tilespmem:$0x5E0] =	vst v2;
	(v2sf) =	vpush v18, $0x0;
	v19 =	vshll.u32 v19, $0x4  }
0x2a: {  	[tilespmem:$0x5F0] =	vst v2;
	(v2sf) =	vpush v19, $0x0  }
0x2b: {  	[tilespmem:$0x600] =	vst v2  }
0x2c: {  	[tilespmem:$0x610] =	vst v2  }
0x2d: {  	[tilespmem:$0x620] =	vst v2;
	(v2sf) =	vpush v18, $0x1  }
0x2e: {  	[tilespmem:$0x630] =	vst v2  }
0x2f: {  	[tilespmem:$0x640] =	vst v2  }
0x30: {  	[tilespmem:$0x650] =	vst v2  }
0x31: {  	[tilespmem:$0x660] =	vst v2;
	(v2sf) =	vpush v19, $0x1  }
0x32: {  	[tilespmem:$0x670] =	vst v2  }
0x33: {  	[tilespmem:$0x680] =	vst v2;
	(v2sf) =	vpush v18, $0x2  }
0x34: {  	[tilespmem:$0x690] =	vst v2  }
0x35: {  	[tilespmem:$0x6A0] =	vst v2  }
0x36: {  	[tilespmem:$0x6B0] =	vst v2  }
0x37: {  	[tilespmem:$0x6C0] =	vst v2  }
0x38: {  	[tilespmem:$0x6D0] =	vst v2;
	s24 =	spop (v2sf);
	(v2sf) =	vpush v19, $0x2  }
0x39: {  	[tilespmem:$0x6E0] =	vst v2;
	s0 =	sand.u32 $0xFFFFF80, s24;
	s26 =	spop (v2sf);
	(v2sf) =	vpush v18, $0x3  }
0x3a: {  	[tilespmem:$0x6F0] =	vst v2;
	s0 =	sadd.s32 s1, s0  }
0x3b: {  	[tilespmem:s13], [sflag:$0x1] =	stream.strided.gather [hbm4b:s0+s11], $0x2000, s12, s11, $0x38;
	[tilespmem:$0x12700] =	vst v63  }
0x3c: {  	s30 =	spop (v2sf);
	(v2sf) =	vpush v19, $0x3;
	s0 =	sand.u32 $0xFFFFF80, s26  }
0x3d: {  	s2 =	simm.s32 $0x8700;
	s0 =	sadd.s32 s4, s0  }
0x3e: {  	[tilespmem:s2], [sflag:$0x1] =	stream.linear.gather [hbm4b:s0+s3], $0x400, $0x38;
	[tilespmem:$0x12700] =	vst v63  }
0x3f: {  	s0 =	sand.u32 $0xFFFFF80, s30  }
0x40: {  	s5 =	simm.s32 $0x2700;
	s31 =	spop (v2sf);
	s0 =	sadd.s32 s1, s0  }
0x41: {  	[tilespmem:s5], [sflag:$0x1] =	stream.strided.gather [hbm4b:s0+s11], $0x2000, s12, s11, $0x38;
	[tilespmem:$0x12700] =	vst v63  }
0x42: {  	s10 =	spop (v2sf);
	s5 =	sand.u32 $0xFFFFF80, s31  }
0x43: {  	s14 =	simm.s32 $0x8B00;
	s15 =	sand.u32 $0xFFFFF80, s10;
	s0 =	sadd.s32 s4, s5  }
0x44: {  	[tilespmem:s14], [sflag:$0x1] =	stream.linear.gather [hbm4b:s0+s3], $0x400, $0x38;
	[tilespmem:$0x12700] =	vst v63  }
0x45: {  	s17 =	simm.s32 $0x4700;
	s0 =	sadd.s32 s1, s15  }
0x46: {  	[tilespmem:s17], [sflag:$0x1] =	stream.strided.gather [hbm4b:s0+s11], $0x2000, s12, s11, $0x38;
	[tilespmem:$0x12700] =	vst v63  }
0x47: {  	s16 =	spop (v2sf)  }
0x48: {  	s18 =	sand.u32 $0xFFFFF80, s16;
	s19 =	spop (v2sf)  }
0x49: {  	s20 =	simm.s32 $0x8F00;
	s0 =	sadd.s32 s4, s18;
	s24 =	sand.u32 $0xFFFFF80, s19  }
0x4a: {  	[tilespmem:s20], [sflag:$0x1] =	stream.linear.gather [hbm4b:s0+s3], $0x400, $0x38;
	[tilespmem:$0x12700] =	vst v63  }
0x4b: {  	s26 =	simm.s32 $0x6700;
	s30 =	spop (v2sf);
	s0 =	sadd.s32 s1, s24  }
0x4c: {  	[tilespmem:s26], [sflag:$0x1] =	stream.strided.gather [hbm4b:s0+s11], $0x2000, s12, s11, $0x38;
	[tilespmem:$0x12700] =	vst v63  }
0x4d: {  	s28 =	simm.s32 $0x8;
	s29 =	simm.s32 $0x0;
	s0 =	sand.u32 $0xFFFFF80, s30  }
0x4e: {  	s31 =	simm.s32 $0x9300;
	s26 =	simm.s32 $0x288;
	s0 =	sadd.s32 s4, s0  }
0x4f: {  	[tilespmem:s31], [sflag:$0x1] =	stream.linear.gather [hbm4b:s0+s3], $0x400, $0x38;
	[tilespmem:$0x12700] =	vst v63  }
.LBB2_2:
0x50: {  	v18 =	vld [tilespmem:s28+$0xFFFFFFFC]  }
0x51: {  	v19 =	vld [tilespmem:s26+$0xFFFFFFFC];
	_ =	sdelay $0x3  }
0x52: {  	(v2sf) =	vpush v18, $0x0  }
0x53: {  	(v2sf) =	vpush v19, $0x0;
	_ =	sdelay $0x3  }
0x54: {  	(v2sf) =	vpush v18, $0x1;
	_ =	sdelay $0x1  }
0x55: {  	(v2sf) =	vpush v19, $0x1;
	_ =	sdelay $0x7  }
0x56: {  	s30 =	spop (v2sf);
	(v2sf) =	vpush v18, $0x2  }
0x57: {  	s14 =	spop (v2sf);
	(v2sf) =	vpush v19, $0x2;
	_ =	sdelay $0x2  }
0x58: {  	s0 =	sand.u32 $0xFFFFF80, s30  }
0x59: {  	s0 =	sadd.s32 s1, s0;
	s31 =	spop (v2sf);
	(v2sf) =	vpush v18, $0x3  }
0x5a: {  	[tilespmem:s21], [sflag:$0x2] =	stream.strided.gather [hbm4b:s0+s11], $0x2000, s12, s11, $0x38;
	[tilespmem:$0x12700] =	vst v63  }
0x5b: {  	s17 =	sshll.u32 s14, $0x4;
	s15 =	spop (v2sf);
	(v2sf) =	vpush v19, $0x3  }
0x5c: {  	s2 =	rddreg [dreg:$0x5];
	s0 =	sand.u32 $0xFFFFF80, s17  }
0x5d: {  	s19 =	sand.u32 $0xFFFFF80, s31;
	s0 =	sadd.s32 s4, s0;
	s20 =	sshll.u32 s15, $0x4  }
0x5e: {  	[tilespmem:s2], [sflag:$0x2] =	stream.linear.gather [hbm4b:s0+s3], $0x400, $0x38;
	[tilespmem:$0x12700] =	vst v63  }
0x5f: {  	s18 =	rddreg [dreg:$0x6];
	s2 =	sadd.s32 s1, s19;
	s0 =	sand.u32 $0xFFFFF80, s20  }
0x60: {  	[tilespmem:s18], [sflag:$0x2] =	stream.strided.gather [hbm4b:s2+s11], $0x2000, s12, s11, $0x38;
	[tilespmem:$0x12700] =	vst v63  }
0x61: {  	s24 =	rddreg [dreg:$0x7];
	s0 =	sadd.s32 s4, s0  }
0x62: {  	[tilespmem:s24], [sflag:$0x2] =	stream.linear.gather [hbm4b:s0+s3], $0x400, $0x38;
	[tilespmem:$0x12700] =	vst v63  }
0x63: {  	s2 =	spop (v2sf)  }
0x64: {  	s10 =	sand.u32 $0xFFFFF80, s2;
	s16 =	spop (v2sf)  }
0x65: {  	s5 =	rddreg [dreg:$0x8];
	s10 =	sadd.s32 s1, s10;
	s17 =	sshll.u32 s16, $0x4  }
0x66: {  	[tilespmem:s5], [sflag:$0x2] =	stream.strided.gather [hbm4b:s10+s11], $0x2000, s12, s11, $0x38;
	[tilespmem:$0x12700] =	vst v63  }
0x67: {  	s0 =	sand.u32 $0xFFFFF80, s17  }
0x68: {  	s18 =	rddreg [dreg:$0x9];
	s10 =	spop (v2sf);
	s0 =	sadd.s32 s4, s0  }
0x69: {  	[tilespmem:s18], [sflag:$0x2] =	stream.linear.gather [hbm4b:s0+s3], $0x400, $0x38;
	[tilespmem:$0x12700] =	vst v63  }
0x6a: {  	s18 =	sand.u32 $0xFFFFF80, s10;
	s0 =	spop (v2sf)  }
0x6b: {  	s17 =	rddreg [dreg:$0xa];
	s18 =	sadd.s32 s1, s18;
	s19 =	sshll.u32 s0, $0x4  }
0x6c: {  	[tilespmem:s17], [sflag:$0x2] =	stream.strided.gather [hbm4b:s18+s11], $0x2000, s12, s11, $0x38;
	[tilespmem:$0x12700] =	vst v63  }
0x6d: {  	s17 =	sand.u32 $0xFFFFF80, s19  }
0x6e: {  	s20 =	rddreg [dreg:$0xb];
	s17 =	sadd.s32 s4, s17  }
0x6f: {  	[tilespmem:s20], [sflag:$0x2] =	stream.linear.gather [hbm4b:s17+s3], $0x400, $0x38;
	[tilespmem:$0x12700] =	vst v63  }
0x70: {  	v18 =	vld [tilespmem:s28+$0xFFFFFFF8]  }
0x71: {  	v19 =	vld [tilespmem:s26+$0xFFFFFFF8];
	_ =	swait.ge [sflag:s22], $0x2000  }
0x72: {  	[sflag:s22] =	ssyncset.done $0x0  }
0x73: {  	[sflag:s22] =	ssyncadd.s32 $0xFFFFE000  }
0x74: {  	_ =	swait.ge [sflag:s22], $0x400  }
0x75: {  	[sflag:s22] =	ssyncset.done $0x0  }
0x76: {  	[sflag:s22] =	ssyncadd.s32 $0xFFFFFC00  }
0x77: {  	_ =	swait.ge [sflag:s22], $0x2000  }
0x78: {  	[sflag:s22] =	ssyncset.done $0x0  }
0x79: {  	[sflag:s22] =	ssyncadd.s32 $0xFFFFE000  }
0x7a: {  	_ =	swait.ge [sflag:s22], $0x400  }
0x7b: {  	[sflag:s22] =	ssyncset.done $0x0  }
0x7c: {  	[sflag:s22] =	ssyncadd.s32 $0xFFFFFC00  }
0x7d: {  	_ =	swait.ge [sflag:s22], $0x2000  }
0x7e: {  	[sflag:s22] =	ssyncset.done $0x0  }
0x7f: {  	[sflag:s22] =	ssyncadd.s32 $0xFFFFE000  }
0x80: {  	_ =	swait.ge [sflag:s22], $0x400  }
0x81: {  	[sflag:s22] =	ssyncset.done $0x0  }
0x82: {  	[sflag:s22] =	ssyncadd.s32 $0xFFFFFC00  }
0x83: {  	_ =	swait.ge [sflag:s22], $0x2000  }
0x84: {  	[sflag:s22] =	ssyncset.done $0x0  }
0x85: {  	[sflag:s22] =	ssyncadd.s32 $0xFFFFE000  }
0x86: {  	_ =	swait.ge [sflag:s22], $0x400  }
0x87: {  	v19 =	vshll.u32 v19, $0x7;
	(v2sf) =	vpush v18, $0x0  }
0x88: {  	(v2sf) =	vpush v19, $0x0;
	_ =	sdelay $0x2  }
0x89: {  	(v2sf) =	vpush v18, $0x1  }
0x8a: {  	(v2sf) =	vpush v19, $0x1;
	_ =	sdelay $0x9  }
0x8b: {  	s24 =	spop (v2sf)  }
0x8c: {  	[sflag:s22] =	ssyncset.done $0x0;
	(v2sf) =	vpush v18, $0x2;
	s5 =	spop (v2sf)  }
0x8d: {  	[sflag:s22] =	ssyncadd.s32 $0xFFFFFC00;
	(v2sf) =	vpush v19, $0x2;
	s18 =	sand.u32 $0x380, s5  }
0x8e: {  	v23 =	vld [tilespmem:s18+$0x8700]  }
0x8f: {  	s19 =	spop (v2sf);
	(v2sf) =	vpush v18, $0x3;
	v18 =	vld [tilespmem:s18+$0x8710]  }
0x90: {  	s17 =	sand.u32 $0x7F, s24;
	v26 =	vld [tilespmem:s18+$0x8720];
	s20 =	spop (v2sf)  }
0x91: {  	v20 =	vor.u32 s17, v1;
	v28 =	vld [tilespmem:s18+$0x8730];
	(v2sf) =	vpush v19, $0x3;
	s18 =	sand.u32 $0x380, s20  }
0x92: {  	v21 =	vor.u32 s17, v3;
	v19 =	vld [tilespmem:s18+$0x8B00]  }
0x93: {  	v22 =	vor.u32 s17, v4;
	v31 =	vld [tilespmem:s18+$0x8B10]  }
0x94: {  	v24 =	vor.u32 s17, v5;
	s17 =	sand.u32 $0x7F, s19;
	v33 =	vld [tilespmem:s18+$0x8B20]  }
0x95: {  	v25 =	vor.u32 s17, v6;
	v35 =	vld [tilespmem:s18+$0x8B30]  }
0x96: {  	v27 =	vor.u32 s17, v7;
	v20 =	vld.idx.msk [tilespmem:v20+s13+$0x0], $0xffff  }
0x97: {  	v29 =	vor.u32 s17, v8;
	v21 =	vld.idx.msk [tilespmem:v21+s13+$0x0], $0xffff  }
0x98: {  	v30 =	vor.u32 s17, v9;
	v22 =	vld.idx.msk [tilespmem:v22+s13+$0x0], $0xffff  }
0x99: {  	v24 =	vld.idx.msk [tilespmem:v24+s13+$0x0], $0xffff  }
0x9a: {  	v25 =	vld.idx.msk [tilespmem:v25+s13+$0x0], $0xffff  }
0x9b: {  	v27 =	vld.idx.msk [tilespmem:v27+s13+$0x0], $0xffff;
	s24 =	spop (v2sf)  }
0x9c: {  	v29 =	vld.idx.msk [tilespmem:v29+s13+$0x0], $0xffff;
	s5 =	spop (v2sf)  }
0x9d: {  	v30 =	vld.idx.msk [tilespmem:v30+s13+$0x0], $0xffff;
	s18 =	sand.u32 $0x380, s5  }
0x9e: {  	v37 =	vld [tilespmem:s18+$0x8F00]  }
0x9f: {  	s17 =	sand.u32 $0x7F, s24;
	s19 =	spop (v2sf);
	v39 =	vld [tilespmem:s18+$0x8F10]  }
0xa0: {  	v32 =	vor.u32 s17, v10;
	v41 =	vld [tilespmem:s18+$0x8F20];
	s20 =	spop (v2sf)  }
0xa1: {  	v34 =	vor.u32 s17, v11;
	v43 =	vld [tilespmem:s18+$0x8F30];
	s18 =	sand.u32 $0x380, s20  }
0xa2: {  	v36 =	vor.u32 s17, v12;
	v38 =	vor.u32 s17, v13;
	s17 =	sand.u32 $0x7F, s19;
	v59 =	vld [tilespmem:s18+$0x9300]  }
0xa3: {  	v40 =	vor.u32 s17, v14;
	v63 =	vld [tilespmem:s18+$0x9310]  }
0xa4: {  	v42 =	vor.u32 s17, v15;
	v48 =	vld [tilespmem:s18+$0x9320]  }
0xa5: {  	v32 =	vld.idx.msk [tilespmem:v32+s13+$0x0], $0xffff  }
0xa6: {  	v20 =	vmul.f32 v23, v20;
	v18 =	vmul.f32 v18, v21;
	v44 =	vor.u32 s17, v16;
	v34 =	vld.idx.msk [tilespmem:v34+s13+$0x0], $0xffff  }
0xa7: {  	v36 =	vld.idx.msk [tilespmem:v36+s13+$0x0], $0xffff  }
0xa8: {  	v22 =	vmul.f32 v26, v22;
	v18 =	vadd.f32 v18, v20;
	v60 =	vor.u32 s17, v17;
	v40 =	vld.idx.msk [tilespmem:v40+s13+$0x0], $0xffff  }
0xa9: {  	v19 =	vmul.f32 v19, v25;
	v61 =	vmul.f32 v31, v27;
	v62 =	vld.idx.msk [tilespmem:v42+s13+$0x0], $0xffff  }
0xaa: {  	v49 =	vmul.f32 v28, v24;
	v18 =	vadd.f32 v22, v18;
	v38 =	vld.idx.msk [tilespmem:v38+s13+$0x0], $0xffff  }
0xab: {  	v19 =	vadd.f32 v61, v19;
	v42 =	vmul.f32 v33, v29;
	v45 =	vld.idx.msk [tilespmem:v44+s13+$0x0], $0xffff  }
0xac: {  	v18 =	vadd.f32 v49, v18;
	v53 =	vld [tilespmem:s18+$0x9330];
	v46 =	vmul.f32 v37, v32;
	v47 =	vmul.f32 v39, v34  }
0xad: {  	v50 =	vmul.f32 v35, v30;
	v23 =	vld.idx.msk [tilespmem:v60+s13+$0x0], $0xffff;
	v19 =	vadd.f32 v42, v19;
	v52 =	vmul.f32 v41, v36  }
0xae: {  	(xrf2) =	vadd.scan.msk.f32 $0xffff, v18;
	v51 =	vadd.f32 v47, v46;
	v21 =	vmul.f32 v59, v40;
	v20 =	vmul.f32 v63, v62  }
0xaf: {  	v18 =	vmul.f32 v43, v38;
	v19 =	vadd.f32 v50, v19  }
0xb0: {  	v55 =	vmul.f32 v48, v45;
	v54 =	vadd.f32 v52, v51;
	v20 =	vadd.f32 v20, v21;
	_ =	sdelay $0x1  }
0xb1: {  	v56 =	vmul.f32 v53, v23;
	(xrf2) =	vadd.scan.msk.f32 $0xffff, v19;
	v18 =	vadd.f32 v18, v54;
	v19 =	vadd.f32 v55, v20;
	_ =	sdelay $0x1  }
0xb2: {  	(xrf2) =	vadd.scan.msk.f32 $0xffff, v18;
	v18 =	vadd.f32 v56, v19;
	_ =	sdelay $0x1  }
0xb3: {  	(xrf2) =	vadd.scan.msk.f32 $0xffff, v18;
	_ =	sdelay $0x1  }
0xb4: {  	s24 =	sand.u32 $0x8, s29;
	s17 =	sand.u32 $0x1F0, s29;
	v19, _, _ =	vpop (xrf2)  }
0xb5: {  	v57 =	vmov s24;
	v18 =	vld [tilespmem:s17+$0x500];
	v19 =	vbroadcast v19, $0xF  }
0xb6: {  	vm0 =	veq.s32 v57, v0  }
0xb7: {  	v19 =	vnsel vm0, $0x0, v19  }
0xb8: {  	s19 =	sor.u32 $0x1, s24;
	v58, _, _ =	vpop (xrf2)  }
0xb9: {  	v59 =	vmov s19;
	v20 =	vbroadcast v58, $0xF  }
0xba: {  	s5 =	sor.u32 $0x2, s24;
	vm9 =	veq.s32 v59, v0;
	v18 =	vadd.f32 v19, v18;
	v19, _, _ =	vpop (xrf2)  }
0xbb: {  	v60 =	vmov s5;
	v20 =	vnsel vm9, $0x0, v20;
	v19 =	vbroadcast v19, $0xF  }
0xbc: {  	s18 =	sor.u32 $0x3, s24;
	vm10 =	veq.s32 v60, v0;
	v18 =	vadd.f32 v20, v18;
	v61, _, _ =	vpop (xrf2)  }
0xbd: {  	v62 =	vmov s18;
	v19 =	vnsel vm10, $0x0, v19;
	v20 =	vbroadcast v61, $0xF  }
0xbe: {  	vm11 =	veq.s32 v62, v0;
	v18 =	vadd.f32 v19, v18  }
0xbf: {  	v19 =	vnsel vm11, $0x0, v20  }
0xc0: {  	v18 =	vadd.f32 v19, v18;
	_ =	sdelay $0x1  }
0xc1: {  	p0 =	seq.s32 s29, $0x1F8;
	[tilespmem:s17+$0x500] =	vst v18  }
0xc2: {  	v18 =	vld @!p0 [tilespmem:s28+$0x0];
	_ =	sdelay $0x2  }
0xc3: {  	v19 =	vld @!p0 [tilespmem:s26+$0x0];
	_ =	sdelay $0x1  }
0xc4: {  	(v2sf) =	vpush @!p0 v18, $0x0;
	_ =	sdelay $0x2  }
0xc5: {  	v19 =	vshll.u32 @!p0 v19, $0x4  }
0xc6: {  	(v2sf) =	vpush @!p0 v19, $0x0;
	_ =	sdelay $0x3  }
0xc7: {  	(v2sf) =	vpush @!p0 v18, $0x1;
	_ =	sdelay $0x3  }
0xc8: {  	(v2sf) =	vpush @!p0 v19, $0x1;
	_ =	sdelay $0x2  }
0xc9: {  	s18 =	spop @!p0 (v2sf)  }
0xca: {  	s20 =	simm.s32 @!p0 $0x7A1400;
	(v2sf) =	vpush @!p0 v18, $0x2;
	s18 =	sand.u32 @!p0 $0xFFFFF80, s18  }
0xcb: {  	s24 =	simm.s32 @!p0 $0x700;
	s19 =	simm.s32 @!p0 $0x400;
	s18 =	sadd.s32 @!p0 s1, s18  }
0xcc: {  	[tilespmem:s24], [sflag:$0x1] =	stream.strided.gather @!p0 [hbm4b:s18+s19], $0x2000, s20, s19, $0x38;
	[tilespmem:$0x12700] =	vst v63  }
0xcd: {  	s18 =	spop @!p0 (v2sf)  }
0xce: {  	(v2sf) =	vpush @!p0 v19, $0x2;
	s18 =	sand.u32 @!p0 $0xFFFFF80, s18  }
0xcf: {  	s5 =	simm.s32 @!p0 $0x8700;
	s24 =	simm.s32 @!p0 $0x0;
	s18 =	sadd.s32 @!p0 s4, s18  }
0xd0: {  	[tilespmem:s5], [sflag:$0x1] =	stream.linear.gather @!p0 [hbm4b:s18+s24], $0x400, $0x38;
	[tilespmem:$0x12700] =	vst v63  }
0xd1: {  	s5 =	spop @!p0 (v2sf)  }
0xd2: {  	(v2sf) =	vpush @!p0 v18, $0x3;
	s5 =	sand.u32 @!p0 $0xFFFFF80, s5  }
0xd3: {  	s18 =	simm.s32 @!p0 $0x2700;
	s5 =	sadd.s32 @!p0 s1, s5  }
0xd4: {  	[tilespmem:s18], [sflag:$0x1] =	stream.strided.gather @!p0 [hbm4b:s5+s19], $0x2000, s20, s19, $0x38;
	[tilespmem:$0x12700] =	vst v63  }
0xd5: {  	s5 =	spop @!p0 (v2sf)  }
0xd6: {  	(v2sf) =	vpush @!p0 v19, $0x3;
	s5 =	sand.u32 @!p0 $0xFFFFF80, s5  }
0xd7: {  	s18 =	simm.s32 @!p0 $0x8B00;
	s5 =	sadd.s32 @!p0 s4, s5  }
0xd8: {  	[tilespmem:s18], [sflag:$0x1] =	stream.linear.gather @!p0 [hbm4b:s5+s24], $0x400, $0x38;
	[tilespmem:$0x12700] =	vst v63  }
0xd9: {  	s5 =	spop @!p0 (v2sf)  }
0xda: {  	s5 =	sand.u32 @!p0 $0xFFFFF80, s5  }
0xdb: {  	s18 =	simm.s32 @!p0 $0x4700;
	s5 =	sadd.s32 @!p0 s1, s5  }
0xdc: {  	[tilespmem:s18], [sflag:$0x1] =	stream.strided.gather @!p0 [hbm4b:s5+s19], $0x2000, s20, s19, $0x38;
	[tilespmem:$0x12700] =	vst v63  }
0xdd: {  	s5 =	spop @!p0 (v2sf)  }
0xde: {  	s5 =	sand.u32 @!p0 $0xFFFFF80, s5  }
0xdf: {  	s18 =	simm.s32 @!p0 $0x8F00;
	s5 =	sadd.s32 @!p0 s4, s5  }
0xe0: {  	[tilespmem:s18], [sflag:$0x1] =	stream.linear.gather @!p0 [hbm4b:s5+s24], $0x400, $0x38;
	[tilespmem:$0x12700] =	vst v63  }
0xe1: {  	s5 =	spop @!p0 (v2sf)  }
0xe2: {  	s5 =	sand.u32 @!p0 $0xFFFFF80, s5  }
0xe3: {  	s18 =	simm.s32 @!p0 $0x6700;
	s5 =	sadd.s32 @!p0 s1, s5  }
0xe4: {  	[tilespmem:s18], [sflag:$0x1] =	stream.strided.gather @!p0 [hbm4b:s5+s19], $0x2000, s20, s19, $0x38;
	[tilespmem:$0x12700] =	vst v63  }
0xe5: {  	s5 =	spop @!p0 (v2sf)  }
0xe6: {  	s5 =	sand.u32 @!p0 $0xFFFFF80, s5  }
0xe7: {  	s18 =	simm.s32 @!p0 $0x9300;
	s5 =	sadd.s32 @!p0 s4, s5  }
0xe8: {  	[tilespmem:s18], [sflag:$0x1] =	stream.linear.gather @!p0 [hbm4b:s5+s24], $0x400, $0x38;
	[tilespmem:$0x12700] =	vst v63  }
0xe9: {  	_ =	swait.ge [sflag:s23], $0x2000  }
0xea: {  	[sflag:s23] =	ssyncset.done $0x0  }
0xeb: {  	[sflag:s23] =	ssyncadd.s32 $0xFFFFE000  }
0xec: {  	_ =	swait.ge [sflag:s23], $0x400  }
0xed: {  	[sflag:s23] =	ssyncset.done $0x0  }
0xee: {  	[sflag:s23] =	ssyncadd.s32 $0xFFFFFC00  }
0xef: {  	_ =	swait.ge [sflag:s23], $0x2000  }
0xf0: {  	[sflag:s23] =	ssyncset.done $0x0  }
0xf1: {  	[sflag:s23] =	ssyncadd.s32 $0xFFFFE000  }
0xf2: {  	_ =	swait.ge [sflag:s23], $0x400  }
0xf3: {  	[sflag:s23] =	ssyncset.done $0x0  }
0xf4: {  	[sflag:s23] =	ssyncadd.s32 $0xFFFFFC00  }
0xf5: {  	_ =	swait.ge [sflag:s23], $0x2000  }
0xf6: {  	[sflag:s23] =	ssyncset.done $0x0  }
0xf7: {  	[sflag:s23] =	ssyncadd.s32 $0xFFFFE000  }
0xf8: {  	_ =	swait.ge [sflag:s23], $0x400  }
0xf9: {  	[sflag:s23] =	ssyncset.done $0x0  }
0xfa: {  	[sflag:s23] =	ssyncadd.s32 $0xFFFFFC00  }
0xfb: {  	_ =	swait.ge [sflag:s23], $0x2000  }
0xfc: {  	[sflag:s23] =	ssyncset.done $0x0  }
0xfd: {  	[sflag:s23] =	ssyncadd.s32 $0xFFFFE000  }
0xfe: {  	_ =	swait.ge [sflag:s23], $0x400  }
0xff: {  	s19 =	sshll.u32 s14, $0x7;
	[sflag:s23] =	ssyncset.done $0x0  }
0x100: {  	s5 =	sand.u32 $0x380, s19;
	[sflag:s23] =	ssyncadd.s32 $0xFFFFFC00  }
0x101: {  	v18 =	vld [tilespmem:s5+$0x11700]  }
0x102: {  	v19 =	vld [tilespmem:s5+$0x11710]  }
0x103: {  	s20 =	sshll.u32 s15, $0x7;
	v20 =	vld [tilespmem:s5+$0x11720]  }
0x104: {  	s24 =	sand.u32 $0x380, s20;
	v21 =	vld [tilespmem:s5+$0x11730]  }
0x105: {  	v22 =	vld [tilespmem:s24+$0x11B00]  }
0x106: {  	v63 =	vld [tilespmem:s24+$0x11B10]  }
0x107: {  	s30 =	sand.u32 $0x7F, s30;
	s16 =	sshll.u32 s16, $0x7;
	v24 =	vld [tilespmem:s24+$0x11B20]  }
0x108: {  	v45 =	vor.u32 s30, v1;
	s18 =	sand.u32 $0x380, s16;
	v25 =	vld [tilespmem:s24+$0x11B30]  }
0x109: {  	v46 =	vor.u32 s30, v3;
	v28 =	vld [tilespmem:s18+$0x11F00]  }
0x10a: {  	v47 =	vor.u32 s30, v4;
	v48 =	vld [tilespmem:s18+$0x11F10]  }
0x10b: {  	v49 =	vor.u32 s30, v5;
	s19 =	sand.u32 $0x7F, s31;
	v32 =	vld [tilespmem:s18+$0x11F20]  }
0x10c: {  	v50 =	vor.u32 s19, v6;
	v33 =	vld [tilespmem:s18+$0x11F30]  }
0x10d: {  	v51 =	vor.u32 s19, v7;
	v26 =	vld.idx.msk [tilespmem:v45+s21+$0x0], $0xffff  }
0x10e: {  	v52 =	vor.u32 s19, v8;
	v27 =	vld.idx.msk [tilespmem:v46+s21+$0x0], $0xffff  }
0x10f: {  	s2 =	sand.u32 $0x7F, s2;
	v53 =	vor.u32 s19, v9;
	v29 =	vld.idx.msk [tilespmem:v47+s21+$0x0], $0xffff  }
0x110: {  	v54 =	vor.u32 s2, v10;
	v31 =	vld.idx.msk [tilespmem:v49+s21+$0x0], $0xffff  }
0x111: {  	v55 =	vor.u32 s2, v11;
	v34 =	vld.idx.msk [tilespmem:v50+s21+$0x0], $0xffff  }
0x112: {  	v56 =	vor.u32 s2, v12;
	s20 =	sand.u32 $0x7F, s10;
	v35 =	vld.idx.msk [tilespmem:v51+s21+$0x0], $0xffff  }
0x113: {  	v58 =	vor.u32 s20, v14;
	v36 =	vld.idx.msk [tilespmem:v52+s21+$0x0], $0xffff  }
0x114: {  	v37 =	vld.idx.msk [tilespmem:v53+s21+$0x0], $0xffff  }
0x115: {  	v60 =	vor.u32 s20, v16;
	v38 =	vld.idx.msk [tilespmem:v54+s21+$0x0], $0xffff  }
0x116: {  	v59 =	vor.u32 s20, v15;
	v39 =	vld.idx.msk [tilespmem:v55+s21+$0x0], $0xffff  }
0x117: {  	s0 =	sshll.u32 s0, $0x7;
	v40 =	vld.idx.msk [tilespmem:v56+s21+$0x0], $0xffff  }
0x118: {  	s0 =	sand.u32 $0x380, s0;
	v42 =	vld.idx.msk [tilespmem:v58+s21+$0x0], $0xffff  }
0x119: {  	v57 =	vor.u32 s2, v13;
	v61 =	vld [tilespmem:s0+$0x12300]  }
0x11a: {  	v62 =	vor.u32 s20, v17;
	v45 =	vld.idx.msk [tilespmem:v60+s21+$0x0], $0xffff;
	v18 =	vmul.f32 v18, v26;
	v19 =	vmul.f32 v19, v27  }
0x11b: {  	v23 =	vmul.f32 v63, v35;
	v63 =	vld.idx.msk [tilespmem:v59+s21+$0x0], $0xffff  }
0x11c: {  	v20 =	vmul.f32 v20, v29;
	v18 =	vadd.f32 v19, v18;
	v19 =	vld [tilespmem:s0+$0x12310]  }
0x11d: {  	v47 =	vld [tilespmem:s0+$0x12320];
	v22 =	vmul.f32 v22, v34;
	v28 =	vmul.f32 v28, v38  }
0x11e: {  	v41 =	vld.idx.msk [tilespmem:v57+s21+$0x0], $0xffff;
	v46 =	vmul.f32 v48, v39;
	v48 =	vmul.f32 v21, v31;
	v18 =	vadd.f32 v20, v18  }
0x11f: {  	v50 =	vld.idx.msk [tilespmem:v62+s21+$0x0], $0xffff;
	v43 =	vmul.f32 v24, v36;
	v51 =	vmul.f32 v25, v37;
	v22 =	vadd.f32 v23, v22  }
0x120: {  	v54 =	vld [tilespmem:s0+$0x12330];
	v53 =	vmul.f32 v32, v40;
	v52 =	vadd.f32 v46, v28;
	v18 =	vadd.f32 v48, v18  }
0x121: {  	v55 =	vmul.f32 v61, v42;
	v49 =	vadd.f32 v43, v22;
	v19 =	vmul.f32 v19, v63  }
0x122: {  	v57 =	vmul.f32 v47, v45;
	v56 =	vadd.f32 v53, v52;
	(xrf2) =	vadd.scan.msk.f32 $0xffff, v18  }
0x123: {  	v21 =	vadd.f32 v51, v49;
	v18 =	vmul.f32 v33, v41;
	v19 =	vadd.f32 v19, v55;
	_ =	sdelay $0x1  }
0x124: {  	v58 =	vmul.f32 v54, v50;
	(xrf2) =	vadd.scan.msk.f32 $0xffff, v21;
	v18 =	vadd.f32 v18, v56;
	v19 =	vadd.f32 v57, v19;
	_ =	sdelay $0x1  }
0x125: {  	(xrf2) =	vadd.scan.msk.f32 $0xffff, v18;
	v18 =	vadd.f32 v58, v19;
	_ =	sdelay $0x1  }
0x126: {  	(xrf2) =	vadd.scan.msk.f32 $0xffff, v18;
	_ =	sdelay $0x1  }
0x127: {  	s24 =	sadd.s32 $0x4, s29;
	v18 =	vld [tilespmem:s17+$0x500]  }
0x128: {  	s0 =	sand.u32 $0xC, s24;
	v19, _, _ =	vpop (xrf2)  }
0x129: {  	v59 =	vmov s0;
	v19 =	vbroadcast v19, $0xF  }
0x12a: {  	s30 =	sor.u32 $0x1, s0;
	vm12 =	veq.s32 v59, v0  }
0x12b: {  	s31 =	sor.u32 $0x2, s0;
	v60 =	vmov s30;
	v21, _, _ =	vpop (xrf2);
	v19 =	vnsel vm12, $0x0, v19  }
0x12c: {  	v21 =	vbroadcast v21, $0xF;
	v18 =	vadd.f32 v19, v18;
	v19 =	vmov s31  }
0x12d: {  	vm13 =	veq.s32 v60, v0;
	v61, _, _ =	vpop (xrf2)  }
0x12e: {  	v20 =	vnsel vm13, $0x0, v21;
	v62 =	vbroadcast v61, $0xF  }
0x12f: {  	s29 =	sadd.s32 $0x8, s29;
	s0 =	sor.u32 $0x3, s0;
	vm14 =	veq.s32 v19, v0;
	v18 =	vadd.f32 v20, v18;
	v19, _, _ =	vpop (xrf2)  }
0x130: {  	p0 =	sne.s32 s29, $0x200;
	v63 =	vmov s0;
	v21 =	vnsel vm14, $0x0, v62;
	v19 =	vbroadcast v19, $0xF  }
.Ltmp0:
0x131: {  	vm15 =	veq.s32 v63, v0;
	v18 =	vadd.f32 v21, v18;
	(pc) =	sbr.rel @p0 .LBB2_2-.Ltmp0, $3  }
0x132: {  	v19 =	vnsel vm15, $0x0, v19  }
0x133: {  	v18 =	vadd.f32 v19, v18;
	_ =	sdelay $0x1  }
0x134: {  	s26 =	sadd.s32 $0x8, s26;
	s28 =	sadd.s32 $0x8, s28;
	[tilespmem:s17+$0x500] =	vst v18  }
0x135: {  	s25 =	sadd.s32 $0x1, s25  }
0x136: {  	p0 =	sne.s32 s25, s8  }
.Ltmp1:
0x137: {  	s0 =	simm.s32 $0x500;
	(pc) =	sbr.rel @p0 .LBB2_1-.Ltmp1, $4  }
0x138: {  	[hbm4b:s7+s3] =	stream.linear.scatter [tilespmem:s0], [sflag:$0x3], $0x200, $0x38;
	[tilespmem:$0x12700] =	vst v63  }
0x139: {  	_ =	swait.ge [sflag:s9], $0x200  }
0x13a: {  	[sflag:s9] =	ssyncset.done $0x0  }
0x13b: {  	[sflag:s9] =	ssyncadd.s32 $0xFFFFFE00  }
0x13c: {  	_ =	sfence.sel $0x180000  }
0x13d: {  	[bflag:$0x0] =	sbarrier.arrive $0xFFFF  }
0x13e: {  	_ =	strace $0x90000047  }
0x13f: {  	s0 =	stileid.u32;
	[bflag:$0x2] =	sbarrier.arrive $0xFFFF  }
0x140: {  	p0 =	sne.s32 s0, $0x0;
	s0 =	rddreg [dreg:$0x4]  }
0x141: {  	s0 =	sadd.s32 @!p0 $0x100000, s0  }
0x142: {  	[sflag:s0] =	ssyncadd.tile.s32 @!p0 $0x1;
	_ =	shalt  }
.Lfunc_end2:
_tile_overlayer_lowered:
.L_overlay_start_2:
0x143: {  	(tag) =	ssettag $0x2  }
0x144: {  	s0 =	rddreg [dreg:$0x0];
	s2 =	stileid.u32  }
0x145: {  	s1 =	rddreg [dreg:$0x1];
	p0 =	sne.s32 s2, $0x0  }
0x146: {  	s3 =	rddreg [dreg:$0x2];
	[bflag:$0x3] =	sbarrier.arrive $0xFFFF;
	s2 =	simm.s32 @!p0 $0x1C03  }
0x147: {  	[timem:s3], [sflag:s2] =	dma.local @!p0 [hbm:s0], s1  }
0x148: {  	s0 =	simm.s32 @!p0 $0x3  }
0x149: {  	_ =	swait.ge @!p0 [sflag:s0], s1  }
0x14a: {  	s1 =	ssub.s32 @!p0 $0x0, s1;
	[sflag:s0] =	ssyncset.done @!p0 $0x0  }
0x14b: {  	[sflag:s0] =	ssyncadd.s32 @!p0 s1  }
0x14c: {  	[bflag:$0x3] =	sbarrier.arrive $0xFFFF  }
0x14d: {  	_ =	shalt  }

// kernel: kernel.7.cloned.1.call-start
scs
__scs_entry_jumppad:
0x0: {  	(pc) =	sbr.rel $0x88, $3  }
0x1: {  	(tag) =	ssettag $0x0;
	lr =	simm.s32 $0x1  }
0x2: {  	[smem:$0x3F9B] =	sst lr;
	_ =	strace $0xD0000000  }
0x3: {  	_ = 	snop  }
0x4: {  	_ = 	snop  }
0x5: {  	_ = 	snop  }
0x6: {  	_ = 	snop  }
0x7: {  	_ = 	snop  }
__scs_overlays_trampoline_lowered:
0x8: {  	[smem:$0x3FAA] =	sst s0  }
0x9: {  	[smem:$0x3FAB] =	sst s1  }
0xa: {  	[smem:$0x3FAC] =	sst s2  }
0xb: {  	[smem:$0x3FAD] =	sst s3  }
0xc: {  	[smem:$0x3FAE] =	sst s4  }
0xd: {  	[smem:$0x3FAF] =	sst s5  }
0xe: {  	[smem:$0x3FB0] =	sst s6  }
0xf: {  	[smem:$0x3FB1] =	sst s7  }
0x10: {  	[smem:$0x3FB2] =	sst s8  }
0x11: {  	[smem:$0x3FB3] =	sst s9;
	s0 =	simm.s32 @!p0 $0x0  }
0x12: {  	s1 =	sld [smem:$0x3F99];
	s0 =	simm.s32 @p0 $0x1  }
0x13: {  	[smem:$0x3FB4] =	sst s0;
	s0 =	simm.s32 @!p1 $0x0  }
0x14: {  	s2 =	sld [smem:$0x3F98];
	s0 =	simm.s32 @p1 $0x1  }
0x15: {  	[smem:$0x3FB5] =	sst s0;
	s0 =	simm.s32 @!p2 $0x0  }
0x16: {  	s3 =	sld [smem:$0x3FDB];
	s0 =	simm.s32 @p2 $0x1  }
0x17: {  	s4 =	simm.s32 $0x1BF5;
	[smem:$0x3FB7] =	sst s0  }
0x18: {  	s0 =	sld [smem:$0x3F9A];
	_ =	swait.ge [sflag:s4], $0x0  }
0x19: {  	s7 =	sld [smem:$0x3F9B]  }
0x1a: {  	s8 =	sadd.s32 $0xFFFFE003, lr  }
0x1b: {  	s9 =	sadd.s32 $0xFFFFFEF7, lr;
	s5 =	simm.s32 $0xFFFFFFFF;
	p2 =	slt.u32 s8, $0xFFFFF086  }
0x1c: {  	p1 =	slt.u32 s9, $0xF7A;
	s5 =	simm.s32 @!p2 $0x0  }
0x1d: {  	s5 =	simm.s32 @p1 $0x1;
	p0 =	seq.s32 s7, s2  }
0x1e: {  	s7 =	smul.u32 @!p0 $0xF7A, s2;
	p2 =	seq.s32 @!p0 s5, $0x0  }
0x1f: {  	s9 =	smul.u32 $0xF7A, s1;
	s8 =	simm.s32 @!p0 $0x1BF5;
	p2 =	por !p2, p0  }
0x20: {  	[sflag:s8] =	ssyncset.s32 @!p0 $0xFFFFF086;
	s6 =	sadd.s32 @!p0 s3, s7;
	s7 =	simm.s32 @!p0 $0x108  }
0x21: {  	s3 =	sadd.s32 s3, s9;
	s6 =	sadd.s32 @!p0 $0x88, s6;
	s7 =	simm.s32 @p2 $0x1082  }
0x22: {  	[simem:s7], [sflag:s8] =	dma.local @!p0 [hbm:s6], $0xF7A  }
0x23: {  	s9 =	sor.u32 $0xD0000000, s2;
	s6 =	simm.s32 $0x108;
	_ =	swait.ge @!p0 [sflag:s8], $0x0  }
0x24: {  	s3 =	sadd.s32 $0x88, s3;
	s6 =	simm.s32 @!p1 $0x1082;
	[sflag:s4] =	ssyncset.s32 $0xFFFFF086  }
0x25: {  	[simem:s6], [sflag:s4] =	dma.local [hbm:s3], $0xF7A  }
0x26: {  	[smem:$0x3F9B] =	sst s1;
	(tag) =	ssettag s2;
	_ =	strace s9  }
0x27: {  	s1 =	sld [smem:$0x3FAB]  }
0x28: {  	s2 =	sld [smem:$0x3FAC]  }
0x29: {  	s4 =	sld [smem:$0x3FAE]  }
0x2a: {  	p0 =	seq.s32 s5, $0x0;
	s5 =	sld [smem:$0x3FAF]  }
0x2b: {  	s6 =	sld [smem:$0x3FB0]  }
0x2c: {  	s7 =	sld [smem:$0x3FB1]  }
0x2d: {  	s3 =	simm.s32 $0x108;
	s8 =	sld [smem:$0x3FB2]  }
0x2e: {  	s3 =	simm.s32 @!p0 $0x1082;
	s9 =	sld [smem:$0x3FB3]  }
0x2f: {  	lr =	sadd.s32 s0, s3;
	s0 =	sld [smem:$0x3FAA]  }
0x30: {  	s3 =	sld [smem:$0x3FAD]  }
0x31: {  	[smem:$0x3FB6] =	sst s10  }
0x32: {  	s10 =	sld [smem:$0x3FB4];
	_ =	sdelay $0x3  }
0x33: {  	p0 =	seq.s32 s10, $0x1;
	s10 =	sld [smem:$0x3FB6];
	_ =	sdelay $0x3  }
0x34: {  	[smem:$0x3FB6] =	sst s10  }
0x35: {  	s10 =	sld [smem:$0x3FB5];
	_ =	sdelay $0x3  }
0x36: {  	p1 =	seq.s32 s10, $0x1;
	s10 =	sld [smem:$0x3FB6];
	_ =	sdelay $0x3  }
0x37: {  	[smem:$0x3FB6] =	sst s10  }
0x38: {  	s10 =	sld [smem:$0x3FB7]  }
0x39: {  	_ = 	snop;
	(pc) =	sbr.ind lr, $3  }
0x3a: {  	_ = 	snop  }
0x3b: {  	_ = 	snop  }
0x3c: {  	p2 =	seq.s32 s10, $0x1;
	s10 =	sld [smem:$0x3FB6]  }
0x3d: {  	_ =	shalt  }
0x3e: {  	_ =	shalt  }
0x3f: {  	_ =	shalt  }
0x40: {  	_ =	shalt  }
0x41: {  	_ =	shalt  }
0x42: {  	_ =	shalt  }
0x43: {  	_ =	shalt  }
0x44: {  	_ =	shalt  }
0x45: {  	_ =	shalt  }
0x46: {  	_ =	shalt  }
0x47: {  	_ =	shalt  }
0x48: {  	_ =	shalt  }
0x49: {  	_ =	shalt  }
0x4a: {  	_ =	shalt  }
0x4b: {  	_ =	shalt  }
0x4c: {  	_ =	shalt  }
0x4d: {  	_ =	shalt  }
0x4e: {  	_ =	shalt  }
0x4f: {  	_ =	shalt  }
0x50: {  	_ =	shalt  }
0x51: {  	_ =	shalt  }
0x52: {  	_ =	shalt  }
0x53: {  	_ =	shalt  }
0x54: {  	_ =	shalt  }
0x55: {  	_ =	shalt  }
0x56: {  	_ =	shalt  }
0x57: {  	_ =	shalt  }
0x58: {  	_ =	shalt  }
0x59: {  	_ =	shalt  }
0x5a: {  	_ =	shalt  }
0x5b: {  	_ =	shalt  }
0x5c: {  	_ =	shalt  }
0x5d: {  	_ =	shalt  }
0x5e: {  	_ =	shalt  }
0x5f: {  	_ =	shalt  }
0x60: {  	_ =	shalt  }
0x61: {  	_ =	shalt  }
0x62: {  	_ =	shalt  }
0x63: {  	_ =	shalt  }
0x64: {  	_ =	shalt  }
0x65: {  	_ =	shalt  }
0x66: {  	_ =	shalt  }
0x67: {  	_ =	shalt  }
0x68: {  	_ =	shalt  }
0x69: {  	_ =	shalt  }
0x6a: {  	_ =	shalt  }
0x6b: {  	_ =	shalt  }
0x6c: {  	_ =	shalt  }
0x6d: {  	_ =	shalt  }
0x6e: {  	_ =	shalt  }
0x6f: {  	_ =	shalt  }
0x70: {  	_ =	shalt  }
0x71: {  	_ =	shalt  }
0x72: {  	_ =	shalt  }
0x73: {  	_ =	shalt  }
0x74: {  	_ =	shalt  }
0x75: {  	_ =	shalt  }
0x76: {  	_ =	shalt  }
0x77: {  	_ =	shalt  }
0x78: {  	_ =	shalt  }
0x79: {  	_ =	shalt  }
0x7a: {  	_ =	shalt  }
0x7b: {  	_ =	shalt  }
0x7c: {  	_ =	shalt  }
0x7d: {  	_ =	shalt  }
0x7e: {  	_ =	shalt  }
0x7f: {  	_ =	shalt  }
0x80: {  	_ =	shalt  }
0x81: {  	_ =	shalt  }
0x82: {  	_ =	shalt  }
0x83: {  	_ =	shalt  }
0x84: {  	_ =	shalt  }
0x85: {  	_ =	shalt  }
0x86: {  	_ =	shalt  }
0x87: {  	_ =	shalt  }
.Lfunc_end0:
.L_simem_size_0:
called_computation.1_lowered:
.L_overlay_start_0:
0x88: {  	s2 =	sld [smem:$0x3FD9]  }
0x89: {  	s3 =	sld [smem:$0x3FFE];
	_ =	sdelay $0x1  }
0x8a: {  	s1 =	srdreg.scid  }
0x8b: {  	s0 =	sand.u32 $0x1, s1  }
0x8c: {  	s17 =	sshll.u32 s0, $0xA;
	s2 =	sadd.s32 s3, s2  }
0x8d: {  	s2 =	sadd.s32 s2, s17  }
0x8e: {  	[smem:$0x3FC2] =	sst s2  }
0x8f: {  	_ = 	snop  }
0x90: {  	s2 =	sld [smem:$0x3FC9]  }
0x91: {  	s18 =	sld [smem:$0x3FC8]  }
0x92: {  	s4 =	sld [smem:$0x3FD0];
	(tm) =	ssettm $0x1  }
0x93: {  	s5 =	sld [smem:$0x3FFB];
	_ =	sdelay $0x3  }
0x94: {  	_ =	strace s5  }
0x95: {  	s5 =	sld [smem:$0x3FFC];
	_ =	sdelay $0x3  }
0x96: {  	_ =	strace s5  }
0x97: {  	s5 =	sld [smem:$0x3FFD];
	_ =	sdelay $0x3  }
0x98: {  	_ =	strace s5  }
0x99: {  	_ =	strace $0x8FFFFFFF  }
0x9a: {  	s19 =	sld [smem:$0x3FDB];
	_ =	sdelay $0x1  }
0x9b: {  	s6 =	simm.s32 $_scs_section_size  }
0x9c: {  	s7 =	simm.s32 $_size__tile_overlayer_lowered;
	s8 =	simm.s32 $_tile_overlayer_lowered  }
0x9d: {  	s22 =	simm.s32 $0x1BFF;
	s21 =	sshll.u32 s8, $0x1;
	s5 =	sadd.s32 s6, s19  }
0x9e: {  	s9 =	simm.s32 $0x0;
	s20 =	sshll.u32 s7, $0x1;
	s7 =	sadd.s32 s21, s5  }
0x9f: {  	[timem:s9], [sflag:s22] =	dma.local [hbm:s7], s20  }
0xa0: {  	_ =	swait.ge [sflag:s22], s20  }
0xa1: {  	s6 =	ssub.s32 $0x0, s20;
	[sflag:s22] =	ssyncset.done $0x0  }
0xa2: {  	[sflag:s22] =	ssyncadd.s32 s6;
	_ =	sdelay $0x1  }
0xa3: {  	s23 =	simm.s32 $0x1B8B  }
0xa4: {  	_ =	swait.ge [sflag:s23], $0x1  }
0xa5: {  	[sflag:s23] =	ssyncset.done $0x0  }
0xa6: {  	s25 =	simm.s32 $0x1B8E;
	s24 =	sld [smem:$0x3FFE];
	[sflag:s23] =	ssyncadd.s32 $0xFFFFFFFF  }
0xa7: {  	s26 =	simm.s32 $execute0_lowered;
	[smem:$0x3FD2] =	sst s25  }
0xa8: {  	s7 =	sshll.u32 s26, $0x1;
	_ =	strace $0x80000049;
	[dreg:$0x1] =	wrdreg $0xFFFFFFFF  }
0xa9: {  	s28 =	simm.s32 $_size_execute0_lowered;
	s5 =	sadd.s32 s5, s7;
	[dreg:$0x0] =	wrdreg $0x0  }
0xaa: {  	s7 =	sshll.u32 s28, $0x1;
	[dreg:$0x2] =	wrdreg s5  }
0xab: {  	[dreg:$0x3] =	wrdreg s7  }
0xac: {  	[dreg:$0x4] =	wrdreg $0xC0  }
0xad: {  	_ =	task [dreg:s9], $0x5FFFF  }
0xae: {  	[dreg:$0x1] =	wrdreg $0xFFFFFFFF  }
0xaf: {  	[dreg:$0x0] =	wrdreg $0x60  }
0xb0: {  	[dreg:$0x2] =	wrdreg s2  }
0xb1: {  	[dreg:$0x3] =	wrdreg s18  }
0xb2: {  	[dreg:$0x4] =	wrdreg s24  }
0xb3: {  	[dreg:$0x5] =	wrdreg s4  }
0xb4: {  	[dreg:$0x6] =	wrdreg $0x9  }
0xb5: {  	_ =	task.clear_ibuf [dreg:s9], $0x7FFFF;
	_ =	strace $0x90000049  }
0xb6: {  	s29 =	simm.s32 $0x9;
	_ =	strace $0x8000004B  }
0xb7: {  	_ =	swait.ge [sflag:s29], $0x1  }
0xb8: {  	[sflag:s29] =	ssyncadd.s32 $0xFFFFFFFF  }
0xb9: {  	_ =	strace $0x9000004B  }
0xba: {  	_ =	sfence  }
0xbb: {  	s30 =	sld [smem:$0x0];
	_ =	sdelay $0x2  }
0xbc: {  	s31 =	sshll.u32 s1, $0xD;
	s1 =	sshrl.u32 s1, $0x2  }
0xbd: {  	s3 =	sand.u32 $0x4000, s31;
	s1 =	sadd.s32 s1, s30  }
0xbe: {  	s0 =	sor.u32 s3, s0;
	s1 =	sshll.u32 s1, $0x11  }
0xbf: {  	s0 =	sor.u32 s1, s0  }
0xc0: {  	s0 =	sadd.s32 $0x8F2B, s0  }
0xc1: {  	[sflag:s0] =	ssyncadd.remote.s32 $0x1  }
0xc2: {  	_ =	sfence.sel $0xFFFF  }
0xc3: {  	[dreg:$0x0] =	wrdreg $0xFFFFFFFF;
	(pc) =	sbr.abs _section_cstart, $3  }
0xc4: {  	[dreg:$0x1] =	wrdreg $0xFFFFFFFF  }
0xc5: {  	_ =	task.clear_ibuf [dreg:s9], $0x2FFFF;
	_ =	strace $0x9FFFFFFF  }
0xc6: {  	(tm) =	ssettm $0x7FFFFFFF  }
0xc7: {  	_ =	shalt  }
tec
execute0_lowered:
.L_overlay_start_1:
0x0: {  	(tag) =	ssettag $0x1  }
0x1: {  	s5 =	rddreg [dreg:$0x0]  }
0x2: {  	s6 =	rddreg [dreg:$0x1]  }
0x3: {  	s7 =	rddreg [dreg:$0x2]  }
0x4: {  	s8 =	rddreg [dreg:$0x3]  }
0x5: {  	s0 =	rddreg [dreg:$0x4];
	s1 =	simm.s32 $0x0  }
0x6: {  	s4 =	srdreg.scid;
	s2 =	stileid.u32;
	s12 =	simm.s32 $0x2800  }
0x7: {  	s13 =	simm.s32 $0x400;
	s14 =	simm.s32 $0x800;
	s15 =	simm.s32 $0x600  }
0x8: {  	s16 =	simm.s32 $0x1800;
	s17 =	simm.s32 $0x1;
	s18 =	simm.s32 $0x2  }
0x9: {  	s19 =	simm.s32 $0x2A00;
	s20 =	simm.s32 $0x0;
	[smem:$0x7FF] =	sst s1  }
0xa: {  	s3 =	sadd.s32 $0x187400, s7;
	s4 =	sand.u32 $0x1, s4;
	s9 =	sshll.u32 s2, $0x7  }
0xb: {  	_ =	strace $0x8000004A;
	s10 =	sshll.u32 s4, $0x6;
	s11 =	ssub.s32 $0x2, s4  }
0xc: {  	s4 =	sadd.s32 $0x1A5E00, s7;
	s9 =	sor.u32 s10, s9;
	s31 =	sshrl.u32 s11, $0x1  }
0xd: {  	s7 =	sadd.s32 s9, s7;
	s10 =	ssub.s32 s11, s31;
	s5 =	sadd.s32 s5, s9  }
0xe: {  	v0 =	vlaneseq.u32;
	s6 =	sadd.s32 s6, s9;
	s8 =	sadd.s32 s8, s9;
	s11 =	simm.s32 $0x200  }
0xf: {  	v0 =	vmul.u32 $0x8, v0;
	s7 =	sadd.s32 $0x186C00, s7;
	s9 =	smax.u32 s10, $0x1;
	s10 =	simm.s32 $0x3  }
.LBB2_1:
0x10: {  	[tilespmem:s1], [sflag:$0x3] =	stream.linear.gather [hbm4b:s5+s1], $0x200, $0x38;
	[tilespmem:$0x2C00] =	vst v63  }
0x11: {  	_ =	swait.ge [sflag:s10], $0x200  }
0x12: {  	[sflag:s10] =	ssyncset.done $0x0  }
0x13: {  	[sflag:s10] =	ssyncadd.s32 $0xFFFFFE00  }
0x14: {  	[tilespmem:s11], [sflag:$0x3] =	stream.linear.gather [hbm4b:s6+s1], $0x200, $0x38;
	[tilespmem:$0x2C00] =	vst v63  }
0x15: {  	_ =	swait.ge [sflag:s10], $0x200  }
0x16: {  	[sflag:s10] =	ssyncset.done $0x0  }
0x17: {  	[sflag:s10] =	ssyncadd.s32 $0xFFFFFE00  }
0x18: {  	[tilespmem:s12], [sflag:$0x3] =	stream.linear.gather [hbm4b:s7+s1], $0x200, $0x38;
	[tilespmem:$0x2C00] =	vst v63  }
0x19: {  	_ =	swait.ge [sflag:s10], $0x200  }
0x1a: {  	[sflag:s10] =	ssyncset.done $0x0  }
0x1b: {  	s21 =	simm.s32 $0x0;
	[sflag:s10] =	ssyncadd.s32 $0xFFFFFE00  }
0x1c: {  	v1 =	vld [tilespmem:s21+$0x200]  }
0x1d: {  	s22 =	simm.s32 $0x40;
	v2 =	vld [tilespmem:s21+$0x0]  }
.LBB2_2:
0x1e: {  	p0 =	sne.s32 s22, $0x7C0  }
.Ltmp0:
0x1f: {  	_ = 	snop;
	(pc) =	sbr.rel @p0 .LBB2_2-.Ltmp0, $4  }
0x20: {  	_ = 	snop  }
0x21: {  	s23 =	sshra.s32 s22, $0x2;
	s22 =	sadd.s32 $0x40, s22;
	v3 =	vshrl.u32 v1, $0x3  }
0x22: {  	v1 =	vld [tilespmem:s23+$0x200];
	v4 =	vshrl.u32 v2, $0x3;
	[tilespmem:s21+$0x600] =	vst v3  }
0x23: {  	v2 =	vld [tilespmem:s23+$0x0];
	[tilespmem:s21+$0x400] =	vst v4;
	s21 =	smov.u32 s23  }
0x24: {  	_ =	sdelay $0x2  }
0x25: {  	v1 =	vshrl.u32 v1, $0x3  }
0x26: {  	v2 =	vshrl.u32 v2, $0x3;
	[tilespmem:s21+$0x600] =	vst v1  }
0x27: {  	[tilespmem:s21+$0x400] =	vst v2;
	s21 =	simm.s32 $0x200  }
0x28: {  	[tilespmem:s14], [sflag:$0x1] =	stream.indirect.gather [hbm4b:s3+s21], $0x8, s13, s21, $0xb8;
	[tilespmem:$0x2C00] =	vst v63  }
0x29: {  	_ = 	snop  }
0x2a: {  	[tilespmem:s16], [sflag:$0x2] =	stream.indirect.gather [hbm4b:s4+s21], $0x8, s15, s21, $0xb8;
	[tilespmem:$0x2C00] =	vst v63  }
0x2b: {  	_ =	swait.ge [sflag:s17], $0x1000  }
0x2c: {  	[sflag:s17] =	ssyncset.done $0x0  }
0x2d: {  	[sflag:s17] =	ssyncadd.s32 $0xFFFFF000  }
0x2e: {  	_ =	swait.ge [sflag:s18], $0x1000  }
0x2f: {  	[sflag:s18] =	ssyncset.done $0x0  }
0x30: {  	s22 =	simm.s32 $0x0;
	[sflag:s18] =	ssyncadd.s32 $0xFFFFF000  }
0x31: {  	v1 =	vld [tilespmem:s22+$0x0];
	_ =	sdelay $0x1  }
0x32: {  	v2 =	vld [tilespmem:s21+$0x0]  }
0x33: {  	v3 =	vmov s22  }
0x34: {  	v3 =	vshll.u32 v3, $0x3  }
0x35: {  	v3 =	vor.u32 v0, v3;
	v1 =	vand.u32 $0x7, v1  }
0x36: {  	v1 =	vor.u32 v3, v1  }
0x37: {  	v2 =	vand.u32 $0x7, v2  }
0x38: {  	v2 =	vor.u32 v3, v2  }
0x39: {  	s22 =	simm.s32 $0x2800  }
0x3a: {  	v3 =	vld [tilespmem:s22+$0x0]  }
0x3b: {  	v1 =	vld.idx.msk [tilespmem:v1+s14+$0x0], $0xffff;
	_ =	sdelay $0x1  }
0x3c: {  	v2 =	vld.idx.msk [tilespmem:v2+s16+$0x0], $0xffff;
	_ =	sdelay $0x2  }
0x3d: {  	v1 =	vadd.f32 v1, v3;
	_ =	sdelay $0x1  }
0x3e: {  	v1 =	vadd.f32 v2, v1  }
0x3f: {  	s23 =	simm.s32 $0x2A00  }
0x40: {  	s24 =	simm.s32 $0x10;
	[tilespmem:s23+$0x0] =	vst v1  }
0x41: {  	s25 =	simm.s32 $0x20;
	s26 =	simm.s32 $0x10;
	v1 =	vld [tilespmem:s24+$0x0]  }
.LBB2_4:
0x42: {  	p0 =	sne.s32 s25, $0x1F0;
	s21 =	sadd.s32 $0x10, s21  }
0x43: {  	v2 =	vld [tilespmem:s21+$0x0]  }
0x44: {  	v3 =	vmov s24;
	s24 =	smov.u32 s25  }
0x45: {  	v3 =	vshll.u32 v3, $0x3  }
0x46: {  	v3 =	vor.u32 v0, v3;
	v1 =	vand.u32 $0x7, v1  }
0x47: {  	v1 =	vor.u32 v3, v1  }
0x48: {  	v2 =	vand.u32 $0x7, v2  }
0x49: {  	v2 =	vor.u32 v3, v2;
	_ =	sdelay $0x2  }
0x4a: {  	s22 =	sadd.s32 $0x10, s22;
	v1 =	vld.idx.msk [tilespmem:v1+s14+$0x0], $0xffff  }
0x4b: {  	v3 =	vld [tilespmem:s22+$0x0]  }
0x4c: {  	v2 =	vld.idx.msk [tilespmem:v2+s16+$0x0], $0xffff;
	_ =	sdelay $0x3  }
0x4d: {  	v1 =	vadd.f32 v1, v3  }
.Ltmp1:
0x4e: {  	(pc) =	sbr.rel @p0 .LBB2_4-.Ltmp1, $4  }
0x4f: {  	v1 =	vadd.f32 v2, v1  }
0x50: {  	s23 =	sadd.s32 $0x10, s23  }
0x51: {  	s26 =	sadd.s32 $0x10, s26;
	[tilespmem:s23+$0x0] =	vst v1  }
0x52: {  	s25 =	sadd.s32 $0x10, s25;
	v1 =	vld [tilespmem:s26+$0x0]  }
0x53: {  	s21 =	sadd.s32 $0x10, s21  }
0x54: {  	v2 =	vld [tilespmem:s21+$0x0]  }
0x55: {  	v3 =	vmov s24  }
0x56: {  	v3 =	vshll.u32 v3, $0x3  }
0x57: {  	v3 =	vor.u32 v0, v3;
	v1 =	vand.u32 $0x7, v1  }
0x58: {  	v1 =	vor.u32 v3, v1  }
0x59: {  	v2 =	vand.u32 $0x7, v2  }
0x5a: {  	v2 =	vor.u32 v3, v2  }
0x5b: {  	s30 =	sadd.s32 $0x10, s22  }
0x5c: {  	v3 =	vld [tilespmem:s30+$0x0]  }
0x5d: {  	v1 =	vld.idx.msk [tilespmem:v1+s14+$0x0], $0xffff;
	_ =	sdelay $0x1  }
0x5e: {  	v2 =	vld.idx.msk [tilespmem:v2+s16+$0x0], $0xffff;
	_ =	sdelay $0x2  }
0x5f: {  	v1 =	vadd.f32 v1, v3;
	_ =	sdelay $0x1  }
0x60: {  	s20 =	sadd.s32 $0x1, s20;
	v1 =	vadd.f32 v2, v1  }
0x61: {  	s31 =	sadd.s32 $0x10, s23;
	p0 =	sne.s32 s20, s9  }
.Ltmp2:
0x62: {  	[tilespmem:s31+$0x0] =	vst v1;
	(pc) =	sbr.rel @p0 .LBB2_1-.Ltmp2, $4  }
0x63: {  	[hbm4b:s8+s1] =	stream.linear.scatter [tilespmem:s19], [sflag:$0x3], $0x200, $0x38;
	[tilespmem:$0x2C00] =	vst v63  }
0x64: {  	_ =	swait.ge [sflag:s10], $0x200  }
0x65: {  	[sflag:s10] =	ssyncset.done $0x0  }
0x66: {  	[sflag:s10] =	ssyncadd.s32 $0xFFFFFE00  }
0x67: {  	_ =	sfence.sel $0x180000  }
0x68: {  	[bflag:$0x0] =	sbarrier.arrive $0xFFFF  }
0x69: {  	p0 =	sne.s32 s2, $0x0;
	_ =	strace $0x9000004A  }
0x6a: {  	s0 =	sadd.s32 @!p0 $0x100000, s0;
	[bflag:$0x2] =	sbarrier.arrive $0xFFFF  }
0x6b: {  	[sflag:s0] =	ssyncadd.tile.s32 @!p0 $0x1;
	_ =	shalt  }
.Lfunc_end2:
_tile_overlayer_lowered:
.L_overlay_start_2:
0x6c: {  	(tag) =	ssettag $0x2  }
0x6d: {  	s0 =	rddreg [dreg:$0x0];
	s2 =	stileid.u32  }
0x6e: {  	s1 =	rddreg [dreg:$0x1];
	p0 =	sne.s32 s2, $0x0  }
0x6f: {  	s3 =	rddreg [dreg:$0x2];
	[bflag:$0x3] =	sbarrier.arrive $0xFFFF;
	s2 =	simm.s32 @!p0 $0x1C03  }
0x70: {  	[timem:s3], [sflag:s2] =	dma.local @!p0 [hbm:s0], s1  }
0x71: {  	s0 =	simm.s32 @!p0 $0x3  }
0x72: {  	_ =	swait.ge @!p0 [sflag:s0], s1  }
0x73: {  	s1 =	ssub.s32 @!p0 $0x0, s1;
	[sflag:s0] =	ssyncset.done @!p0 $0x0  }
0x74: {  	[sflag:s0] =	ssyncadd.s32 @!p0 s1  }
0x75: {  	[bflag:$0x3] =	sbarrier.arrive $0xFFFF  }
0x76: {  	_ =	shalt  }

</sc_bundles>
